<compile_context>
chip_gen: v7x
topology: tpu7x:2x2x1
jax: 0.10.2.dev20260603
libtpu: 0.0.44.dev20260713+nightly
codegen_flags: <defaults>
</compile_context>

<pallas_src>
import functools

import jax
import jax.numpy as jnp
from jax import lax
from jax.experimental import pallas as pl
from jax.experimental.pallas import tpu as pltpu
from jax.experimental.pallas import tpu_sc as plsc

B, T = 8, 40
C, H, W = 3, 192, 192
NC, NS, L = 2, 16, 16
NW = NC * NS
HH = H // 2
NCH = 2 * C
ROW_UNROLL = W // L
SC_NUM, SC_DEN = 9, 32


def _split_point(nv):
    return (nv * SC_NUM) // SC_DEN



def _sc_chunk_sum(xbuf, ybuf):
    def step(r, acc):
        for u in range(ROW_UNROLL):
            xv = xbuf[r, pl.ds(u * L, L)]
            yv = ybuf[r, pl.ds(u * L, L)]
            acc = acc + jnp.abs(xv - yv)
        return acc

    return lax.fori_loop(0, HH, step, jnp.zeros((L,), jnp.float32))


@functools.partial(
    pl.kernel,
    out_type=jax.ShapeDtypeStruct((NW, L), jnp.float32),
    mesh=plsc.VectorSubcoreMesh(
        core_axis_name="c", subcore_axis_name="s", num_cores=NC, num_subcores=NS
    ),
    compiler_params=pltpu.CompilerParams(needs_layout_passes=False),
    scratch_types=[
        pltpu.VMEM((HH, W), jnp.float32),
        pltpu.VMEM((HH, W), jnp.float32),
        pltpu.VMEM((HH, W), jnp.float32),
        pltpu.VMEM((HH, W), jnp.float32),
        pltpu.VMEM((16,), jnp.int32),
        pltpu.VMEM((L,), jnp.float32),
        pltpu.SemaphoreType.DMA,
        pltpu.SemaphoreType.DMA,
        pltpu.SemaphoreType.DMA,
        pltpu.SemaphoreType.DMA,
    ],
)
def _sc_l1(x_hbm, y_hbm, vl_hbm, out_hbm,
           xb0, xb1, yb0, yb1, vlv, accv, sx0, sx1, sy0, sy1):
    cid = lax.axis_index("c")
    sid = lax.axis_index("s")
    wid = sid * NC + cid

    pltpu.sync_copy(vl_hbm, vlv.at[pl.ds(0, B)])
    iota = lax.iota(jnp.int32, 16)
    vl = jnp.where(iota < B, vlv[...], 0)
    cum = plsc.cumsum(vl)
    cumex = cum - vl
    nv = jnp.max(cum)
    n_sc = _split_point(nv)

    nf = (n_sc - wid + (NW - 1)) // NW
    nf = jnp.maximum(nf, 0)
    nq = nf * NCH

    def chunk_loc(q):
        k = q // NCH
        c = q - k * NCH
        j = wid + NW * k
        bb = jnp.sum((cum <= j).astype(jnp.int32))
        start = jnp.sum(jnp.where(iota == bb, cumex, 0))
        t = j - start
        ch = c // 2
        h0 = (c - 2 * ch) * HH
        return bb, t, ch, h0

    def start_q(q, xbuf, ybuf, sx, sy):
        bb, t, ch, h0 = chunk_loc(q)
        pltpu.async_copy(x_hbm.at[bb, t, ch, pl.ds(h0, HH), :], xbuf, sx)
        pltpu.async_copy(y_hbm.at[bb, t, ch, pl.ds(h0, HH), :], ybuf, sy)

    def wait_q(xbuf, ybuf, sx, sy):
        pltpu.make_async_copy(x_hbm.at[0, 0, 0, pl.ds(0, HH), :], xbuf, sx).wait()
        pltpu.make_async_copy(y_hbm.at[0, 0, 0, pl.ds(0, HH), :], ybuf, sy).wait()

    @pl.when(nq > 0)
    def _():
        start_q(0, xb0, yb0, sx0, sy0)

    @pl.when(nq > 1)
    def _():
        start_q(1, xb1, yb1, sx1, sy1)

    def pair(g, acc):
        q0 = 2 * g
        q1 = q0 + 1
        wait_q(xb0, yb0, sx0, sy0)
        acc = acc + _sc_chunk_sum(xb0, yb0)

        @pl.when(q0 + 2 < nq)
        def _():
            start_q(q0 + 2, xb0, yb0, sx0, sy0)

        @pl.when(q1 < nq)
        def _():
            wait_q(xb1, yb1, sx1, sy1)

        s1 = _sc_chunk_sum(xb1, yb1)
        acc = acc + jnp.where(q1 < nq, s1, 0.0)

        @pl.when(q1 + 2 < nq)
        def _():
            start_q(q1 + 2, xb1, yb1, sx1, sy1)

        return acc

    acc = lax.fori_loop(0, (nq + 1) // 2, pair, jnp.zeros((L,), jnp.float32))
    accv[...] = acc
    pltpu.sync_copy(accv, out_hbm.at[wid])



def _tc_body(vl_ref, x_hbm, y_hbm, out_ref, *bufs_and_sems):
    nb = TC_NBUF
    xbs = bufs_and_sems[0:nb]
    ybs = bufs_and_sems[nb:2 * nb]
    sxs = bufs_and_sems[2 * nb:3 * nb]
    sys_ = bufs_and_sems[3 * nb:4 * nb]
    def cum_scan(i, carry):
        nv, _ = carry
        return nv + vl_ref[i], 0

    nv, _ = lax.fori_loop(0, B, cum_scan, (0, 0))
    n_sc = _split_point(nv)
    n_tc = nv - n_sc

    def frame_of(j):
        def body(i, carry):
            b, cum, start = carry
            newcum = cum + vl_ref[i]
            take = newcum <= j
            b = jnp.where(take, b + 1, b)
            start = jnp.where(take, newcum, start)
            return b, newcum, start

        b, _, start = lax.fori_loop(0, B, body, (0, 0, 0))
        return b, j - start

    def start_q(q, xbuf, ybuf, sx, sy):
        b, t = frame_of(n_sc + q)
        pltpu.make_async_copy(x_hbm.at[b, t], xbuf, sx).start()
        pltpu.make_async_copy(y_hbm.at[b, t], ybuf, sy).start()

    def wait_q(xbuf, ybuf, sx, sy):
        pltpu.make_async_copy(x_hbm.at[0, 0], xbuf, sx).wait()
        pltpu.make_async_copy(y_hbm.at[0, 0], ybuf, sy).wait()

    for k in range(nb):
        @pl.when(n_tc > k)
        def _(k=k):
            start_q(k, xbs[k], ybs[k], sxs[k], sys_[k])

    def plane_sum(xbuf, ybuf):
        d = jnp.abs(xbuf[...] - ybuf[...])
        return d[0] + d[1] + d[2]

    def group(g, acc):
        qbase = nb * g
        wait_q(xbs[0], ybs[0], sxs[0], sys_[0])
        acc = acc + plane_sum(xbs[0], ybs[0])

        @pl.when(qbase + nb < n_tc)
        def _():
            start_q(qbase + nb, xbs[0], ybs[0], sxs[0], sys_[0])

        for k in range(1, nb):
            q = qbase + k

            @pl.when(q < n_tc)
            def _(k=k):
                wait_q(xbs[k], ybs[k], sxs[k], sys_[k])

            sk = plane_sum(xbs[k], ybs[k])
            acc = acc + jnp.where(q < n_tc, sk, jnp.zeros((H, W), jnp.float32))

            @pl.when(q + nb < n_tc)
            def _(k=k, q=q):
                start_q(q + nb, xbs[k], ybs[k], sxs[k], sys_[k])

        return acc

    acc = lax.fori_loop(0, (n_tc + nb - 1) // nb, group,
                        jnp.zeros((H, W), jnp.float32))
    out_ref[0, 0] = jnp.sum(acc)


TC_NBUF = 8

_tc_l1 = pl.pallas_call(
    _tc_body,
    grid=(1,),
    in_specs=[
        pl.BlockSpec(memory_space=pltpu.SMEM),
        pl.BlockSpec(memory_space=pltpu.HBM),
        pl.BlockSpec(memory_space=pltpu.HBM),
    ],
    out_specs=pl.BlockSpec(memory_space=pltpu.SMEM),
    out_shape=jax.ShapeDtypeStruct((1, 1), jnp.float32),
    scratch_shapes=(
        [pltpu.VMEM((C, H, W), jnp.float32) for _ in range(2 * TC_NBUF)]
        + [pltpu.SemaphoreType.DMA for _ in range(2 * TC_NBUF)]
    ),
)


def kernel(inputs, gt, valid_len):
    vl32 = valid_len.astype(jnp.int32)
    sc_partials = _sc_l1(inputs, gt, vl32)
    tc_partial = _tc_l1(vl32, inputs, gt)
    total = jnp.sum(sc_partials) + tc_partial[0, 0]
    count = jnp.sum(valid_len).astype(inputs.dtype) * (C * H * W)
    return total / count

# --- scband reference (transcript-rebuilt; emitter-appended) ---
"""Pipeline reference for scband-recon-loss-73400991088732 (READ-ONLY COPY).

The authoritative reference and input builder live on the scoring server;
editing this copy changes nothing except your own understanding.
"""

import jax, jax.numpy as jnp
import numpy as np


def setup_inputs(seed: int = 0) -> dict:
    key = jax.random.key(seed)
    k1, k2, k3 = jax.random.split(key, 3)
    B, T, C, H, W = 8, 40, 3, 192, 192
    inputs = jax.random.normal(k1, (B, T, C, H, W), dtype=jnp.float32)
    gt = jax.random.normal(k2, (B, T, C, H, W), dtype=jnp.float32)
    valid_len = jax.random.randint(k3, (B,), 0, 40).astype(jnp.int64)
    return {"inputs": inputs, "gt": gt, "valid_len": valid_len}


def reference(inputs, gt, valid_len):
    # Faithful port of ReconLoss.forward for 5D inputs:
    # gather the first valid_len[i] frames of each batch element,
    # concatenate, then mean L1 over the valid frames only.
    B, T, C, H, W = inputs.shape
    frame_mask = (jnp.arange(T)[None, :] < valid_len[:, None]).astype(inputs.dtype)
    abs_diff = jnp.abs(inputs - gt)
    masked_sum = jnp.sum(abs_diff * frame_mask[:, :, None, None, None])
    valid_count = jnp.sum(valid_len).astype(inputs.dtype) * (C * H * W)
    # nn.L1Loss() default reduction='mean'
    return masked_sum / valid_count

if __name__ == "__main__":
    import jax
    _d = setup_inputs()
    print(jax.jit(kernel)(*tuple(_d.values())))

</pallas_src>

<mosaic_0001>
#map = affine_map<(d0, d1) -> (0, 0, 0, 0, 0)>
#map1 = affine_map<(d0, d1) -> (0)>
#map2 = affine_map<(d0, d1) -> (0, 0)>
module attributes {stable_mosaic.version = 14 : i64} {
  func.func @_sc_l1(%arg0: i32, %arg1: i32, %arg2: memref<8x40x3x192x192xf32, #tpu.memory_space<hbm>>, %arg3: memref<8x40x3x192x192xf32, #tpu.memory_space<hbm>>, %arg4: memref<8xi32, #tpu.memory_space<hbm>>, %arg5: memref<32x16xf32, #tpu.memory_space<hbm>>, %arg6: memref<96x192xf32, #tpu.memory_space<vmem>>, %arg7: memref<96x192xf32, #tpu.memory_space<vmem>>, %arg8: memref<96x192xf32, #tpu.memory_space<vmem>>, %arg9: memref<96x192xf32, #tpu.memory_space<vmem>>, %arg10: memref<16xi32, #tpu.memory_space<vmem>>, %arg11: memref<16xf32, #tpu.memory_space<vmem>>, %arg12: memref<!tpu.dma_semaphore, #tpu.memory_space<semaphore_mem>>, %arg13: memref<!tpu.dma_semaphore, #tpu.memory_space<semaphore_mem>>, %arg14: memref<!tpu.dma_semaphore, #tpu.memory_space<semaphore_mem>>, %arg15: memref<!tpu.dma_semaphore, #tpu.memory_space<semaphore_mem>>) attributes {dimension_semantics = [#tpu.dimension_semantics<core_parallel>, #tpu.dimension_semantics<subcore_parallel>], iteration_bounds = array<i64: 2, 16>, scalar_prefetch = 0 : i64, scratch_operands = 10 : i64, tpu.core_type = #tpu.core_type<sc_vector_subcore>, window_params = [{transform_indices = #map}, {transform_indices = #map}, {transform_indices = #map1}, {transform_indices = #map2}]} {
    %mul3A = arith.constant 2 : i32
    %mul3A_0 = arith.muli %arg1, %mul3A : i32
    %add3A = arith.addi %mul3A_0, %arg0 : i32
    "tpu.region"() ({
      %run_scoped3A = tpu.sem_alloc : memref<!tpu.dma_semaphore, #tpu.memory_space<semaphore_mem>>
      %dma_start3A = arith.constant 0 : i32
      %dma_start3A_110 = tpu.memref_slice %arg10[%dma_start3A] : memref<16xi32, #tpu.memory_space<vmem>> -> memref<8xi32, #tpu.memory_space<vmem>>
      %dma_start3A_111 = arith.constant 0 : i32
      %dma_start3A_112 = tpu.memref_slice %arg10[%dma_start3A_111] : memref<16xi32, #tpu.memory_space<vmem>> -> memref<8xi32, #tpu.memory_space<vmem>>
      tpu.enqueue_dma source(%arg4 : memref<8xi32, #tpu.memory_space<hbm>>) target(%dma_start3A_112 : memref<8xi32, #tpu.memory_space<vmem>>) target_semaphore(%run_scoped3A : memref<!tpu.dma_semaphore, #tpu.memory_space<semaphore_mem>>)
      %dma_wait3A = arith.constant 0 : i32
      %dma_wait3A_113 = tpu.memref_slice %arg10[%dma_wait3A] : memref<16xi32, #tpu.memory_space<vmem>> -> memref<8xi32, #tpu.memory_space<vmem>>
      %dma_wait3A_114 = arith.constant 0 : i32
      %dma_wait3A_115 = tpu.memref_slice %arg10[%dma_wait3A_114] : memref<16xi32, #tpu.memory_space<vmem>> -> memref<8xi32, #tpu.memory_space<vmem>>
      tpu.wait_dma2 semaphore(%run_scoped3A : memref<!tpu.dma_semaphore, #tpu.memory_space<semaphore_mem>>) src(%arg4 : memref<8xi32, #tpu.memory_space<hbm>>) dst(%dma_wait3A_115 : memref<8xi32, #tpu.memory_space<vmem>>)
      tpu.yield
    }) : () -> ()
    %iota3A = tpu.iota {dimensions = array<i32: 0>} : vector<16xi32>
    %lt3A = arith.constant 8 : i32
    %lt3A_1 = vector.broadcast %lt3A : i32 to vector<16xi32>
    %lt3A_2 = arith.cmpi slt, %iota3A, %lt3A_1 : vector<16xi32>
    %get3A = arith.constant 0 : index
    %get3A_3 = tpu.vector_load %arg10[%get3A] {strides = array<i32>} : memref<16xi32, #tpu.memory_space<vmem>>, vector<16xi32>,
    %jit3A = arith.constant 0 : i32
    %broadcast_in_dim3A = vector.broadcast %jit3A : i32 to vector<16xi32>
    %select_n3A = arith.select %lt3A_2, %get3A_3, %broadcast_in_dim3A : vector<16xi1>, vector<16xi32>
    %broadcast_in_dim3A_4 = arith.constant true
    %broadcast_in_dim3A_5 = vector.broadcast %broadcast_in_dim3A_4 : i1 to vector<16xi1>
    %masked_cumsum3A = tpu.scan <sum>, %select_n3A masked %broadcast_in_dim3A_5 : vector<16xi32>, vector<16xi1> -> vector<16xi32>
    %sub3A = arith.subi %masked_cumsum3A, %select_n3A : vector<16xi32>
    %reduce_max3A = arith.constant true
    %reduce_max3A_6 = vector.broadcast %reduce_max3A : i1 to vector<16xi1>
    %reduce_max3A_7 = arith.constant -2147483648 : i32
    %reduce_max3A_8 = vector.broadcast %reduce_max3A_7 : i32 to vector<16xi32>
    %reduce_max3A_9 = arith.xori %masked_cumsum3A, %reduce_max3A_8 : vector<16xi32>
    %reduce_max3A_10 = tpu.scan <max>, %reduce_max3A_9 masked %reduce_max3A_6 : vector<16xi32>, vector<16xi1> -> vector<16xi32>
    %reduce_max3A_11 = arith.xori %reduce_max3A_10, %reduce_max3A_8 : vector<16xi32>
    %reduce_max3A_12 = vector.extract %reduce_max3A_11[15] : i32 from vector<16xi32>
    %mul3A_13 = arith.constant 9 : i32
    %mul3A_14 = arith.muli %reduce_max3A_12, %mul3A_13 : i32
    %jit3A_15 = arith.constant 32 : i32
    %div3A = arith.divsi %mul3A_14, %jit3A_15 : i32
    %sign3A = arith.constant 0 : i32
    %sign3A_16 = arith.cmpi sgt, %mul3A_14, %sign3A : i32
    %sign3A_17 = arith.extui %sign3A_16 : i1 to i32
    %sign3A_18 = arith.constant 0 : i32
    %sign3A_19 = arith.cmpi slt, %mul3A_14, %sign3A_18 : i32
    %sign3A_20 = arith.extui %sign3A_19 : i1 to i32
    %sign3A_21 = arith.subi %sign3A_17, %sign3A_20 : i32
    %sign3A_22 = arith.constant 0 : i32
    %sign3A_23 = arith.cmpi sgt, %jit3A_15, %sign3A_22 : i32
    %sign3A_24 = arith.extui %sign3A_23 : i1 to i32
    %sign3A_25 = arith.constant 0 : i32
    %sign3A_26 = arith.cmpi slt, %jit3A_15, %sign3A_25 : i32
    %sign3A_27 = arith.extui %sign3A_26 : i1 to i32
    %sign3A_28 = arith.subi %sign3A_24, %sign3A_27 : i32
    %ne3A = arith.cmpi ne, %sign3A_21, %sign3A_28 : i32
    %rem3A = arith.remsi %mul3A_14, %jit3A_15 : i32
    %ne3A_29 = arith.constant 0 : i32
    %ne3A_30 = arith.cmpi ne, %rem3A, %ne3A_29 : i32
    %and3A = arith.andi %ne3A, %ne3A_30 : i1
    %sub3A_31 = arith.constant 1 : i32
    %sub3A_32 = arith.subi %div3A, %sub3A_31 : i32
    %select_n3A_33 = arith.select %and3A, %sub3A_32, %div3A : i32
    %sub3A_34 = arith.subi %select_n3A_33, %add3A : i32
    %add3A_35 = arith.constant 31 : i32
    %add3A_36 = arith.addi %sub3A_34, %add3A_35 : i32
    %jit3A_37 = arith.constant 32 : i32
    %div3A_38 = arith.divsi %add3A_36, %jit3A_37 : i32
    %sign3A_39 = arith.constant 0 : i32
    %sign3A_40 = arith.cmpi sgt, %add3A_36, %sign3A_39 : i32
    %sign3A_41 = arith.extui %sign3A_40 : i1 to i32
    %sign3A_42 = arith.constant 0 : i32
    %sign3A_43 = arith.cmpi slt, %add3A_36, %sign3A_42 : i32
    %sign3A_44 = arith.extui %sign3A_43 : i1 to i32
    %sign3A_45 = arith.subi %sign3A_41, %sign3A_44 : i32
    %sign3A_46 = arith.constant 0 : i32
    %sign3A_47 = arith.cmpi sgt, %jit3A_37, %sign3A_46 : i32
    %sign3A_48 = arith.extui %sign3A_47 : i1 to i32
    %sign3A_49 = arith.constant 0 : i32
    %sign3A_50 = arith.cmpi slt, %jit3A_37, %sign3A_49 : i32
    %sign3A_51 = arith.extui %sign3A_50 : i1 to i32
    %sign3A_52 = arith.subi %sign3A_48, %sign3A_51 : i32
    %ne3A_53 = arith.cmpi ne, %sign3A_45, %sign3A_52 : i32
    %rem3A_54 = arith.remsi %add3A_36, %jit3A_37 : i32
    %ne3A_55 = arith.constant 0 : i32
    %ne3A_56 = arith.cmpi ne, %rem3A_54, %ne3A_55 : i32
    %and3A_57 = arith.andi %ne3A_53, %ne3A_56 : i1
    %sub3A_58 = arith.constant 1 : i32
    %sub3A_59 = arith.subi %div3A_38, %sub3A_58 : i32
    %select_n3A_60 = arith.select %and3A_57, %sub3A_59, %div3A_38 : i32
    %max3A = arith.constant 0 : i32
    %max3A_61 = arith.maxsi %select_n3A_60, %max3A : i32
    %mul3A_62 = arith.constant 6 : i32
    %mul3A_63 = arith.muli %max3A_61, %mul3A_62 : i32
    %gt3A = arith.constant 0 : i32
    %gt3A_64 = arith.cmpi sgt, %mul3A_63, %gt3A : i32
    %convert_element_type3A = arith.extui %gt3A_64 : i1 to i32
    %cond3A = arith.constant 0 : i32
    %cond3A_65 = arith.cmpi ne, %convert_element_type3A, %cond3A : i32
    scf.if %cond3A_65 {
      %add3A_110 = arith.constant 0 : i32
      %add3A_111 = arith.addi %add3A, %add3A_110 : i32
      %le3A = vector.broadcast %add3A_111 : i32 to vector<16xi32>
      %le3A_112 = arith.cmpi sle, %masked_cumsum3A, %le3A : vector<16xi32>
      %convert_element_type3A_113 = arith.extui %le3A_112 : vector<16xi1> to vector<16xi32>
      %reduce_sum3A = arith.constant true
      %reduce_sum3A_114 = vector.broadcast %reduce_sum3A : i1 to vector<16xi1>
      %reduce_sum3A_115 = tpu.scan <sum>, %convert_element_type3A_113 masked %reduce_sum3A_114 : vector<16xi32>, vector<16xi1> -> vector<16xi32>
      %reduce_sum3A_116 = vector.extract %reduce_sum3A_115[15] : i32 from vector<16xi32>
      %eq3A = vector.broadcast %reduce_sum3A_116 : i32 to vector<16xi32>
      %eq3A_117 = arith.cmpi eq, %iota3A, %eq3A : vector<16xi32>
      %jit3A_118 = arith.constant 0 : i32
      %broadcast_in_dim3A_119 = vector.broadcast %jit3A_118 : i32 to vector<16xi32>
      %select_n3A_120 = arith.select %eq3A_117, %sub3A, %broadcast_in_dim3A_119 : vector<16xi1>, vector<16xi32>
      %reduce_sum3A_121 = arith.constant true
      %reduce_sum3A_122 = vector.broadcast %reduce_sum3A_121 : i1 to vector<16xi1>
      %reduce_sum3A_123 = tpu.scan <sum>, %select_n3A_120 masked %reduce_sum3A_122 : vector<16xi32>, vector<16xi1> -> vector<16xi32>
      %reduce_sum3A_124 = vector.extract %reduce_sum3A_123[15] : i32 from vector<16xi32>
      %sub3A_125 = arith.subi %add3A_111, %reduce_sum3A_124 : i32
      %dma_start3A = arith.constant 0 : i32
      %dma_start3A_126 = arith.constant 0 : i32
      %dma_start3A_127 = arith.constant 0 : i32
      %dma_start3A_128 = tpu.memref_slice %arg2[%reduce_sum3A_116, %sub3A_125, %dma_start3A, %dma_start3A_126, %dma_start3A_127] : memref<8x40x3x192x192xf32, #tpu.memory_space<hbm>> -> memref<1x1x1x96x192xf32, #tpu.memory_space<hbm>>
      %dma_start3A_129 = tpu.memref_squeeze %dma_start3A_128 : memref<1x1x1x96x192xf32, #tpu.memory_space<hbm>> -> memref<96x192xf32, #tpu.memory_space<hbm>>
      %dma_start3A_130 = arith.constant 0 : i32
      %dma_start3A_131 = arith.constant 0 : i32
      %dma_start3A_132 = tpu.memref_slice %arg2[%reduce_sum3A_116, %sub3A_125, %dma_start3A, %dma_start3A_130, %dma_start3A_131] : memref<8x40x3x192x192xf32, #tpu.memory_space<hbm>> -> memref<1x1x1x96x192xf32, #tpu.memory_space<hbm>>
      %dma_start3A_133 = tpu.memref_squeeze %dma_start3A_132 : memref<1x1x1x96x192xf32, #tpu.memory_space<hbm>> -> memref<96x192xf32, #tpu.memory_space<hbm>>
      tpu.enqueue_dma source(%dma_start3A_133 : memref<96x192xf32, #tpu.memory_space<hbm>>) target(%arg6 : memref<96x192xf32, #tpu.memory_space<vmem>>) target_semaphore(%arg12 : memref<!tpu.dma_semaphore, #tpu.memory_space<semaphore_mem>>)
      %dma_start3A_134 = arith.constant 0 : i32
      %dma_start3A_135 = arith.constant 0 : i32
      %dma_start3A_136 = arith.constant 0 : i32
      %dma_start3A_137 = tpu.memref_slice %arg3[%reduce_sum3A_116, %sub3A_125, %dma_start3A_134, %dma_start3A_135, %dma_start3A_136] : memref<8x40x3x192x192xf32, #tpu.memory_space<hbm>> -> memref<1x1x1x96x192xf32, #tpu.memory_space<hbm>>
      %dma_start3A_138 = tpu.memref_squeeze %dma_start3A_137 : memref<1x1x1x96x192xf32, #tpu.memory_space<hbm>> -> memref<96x192xf32, #tpu.memory_space<hbm>>
      %dma_start3A_139 = arith.constant 0 : i32
      %dma_start3A_140 = arith.constant 0 : i32
      %dma_start3A_141 = tpu.memref_slice %arg3[%reduce_sum3A_116, %sub3A_125, %dma_start3A_134, %dma_start3A_139, %dma_start3A_140] : memref<8x40x3x192x192xf32, #tpu.memory_space<hbm>> -> memref<1x1x1x96x192xf32, #tpu.memory_space<hbm>>
      %dma_start3A_142 = tpu.memref_squeeze %dma_start3A_141 : memref<1x1x1x96x192xf32, #tpu.memory_space<hbm>> -> memref<96x192xf32, #tpu.memory_space<hbm>>
      tpu.enqueue_dma source(%dma_start3A_142 : memref<96x192xf32, #tpu.memory_space<hbm>>) target(%arg8 : memref<96x192xf32, #tpu.memory_space<vmem>>) target_semaphore(%arg14 : memref<!tpu.dma_semaphore, #tpu.memory_space<semaphore_mem>>)
    } else {
    }
    %gt3A_66 = arith.constant 1 : i32
    %gt3A_67 = arith.cmpi sgt, %mul3A_63, %gt3A_66 : i32
    %convert_element_type3A_68 = arith.extui %gt3A_67 : i1 to i32
    %cond3A_69 = arith.constant 0 : i32
    %cond3A_70 = arith.cmpi ne, %convert_element_type3A_68, %cond3A_69 : i32
    scf.if %cond3A_70 {
      %add3A_110 = arith.constant 0 : i32
      %add3A_111 = arith.addi %add3A, %add3A_110 : i32
      %le3A = vector.broadcast %add3A_111 : i32 to vector<16xi32>
      %le3A_112 = arith.cmpi sle, %masked_cumsum3A, %le3A : vector<16xi32>
      %convert_element_type3A_113 = arith.extui %le3A_112 : vector<16xi1> to vector<16xi32>
      %reduce_sum3A = arith.constant true
      %reduce_sum3A_114 = vector.broadcast %reduce_sum3A : i1 to vector<16xi1>
      %reduce_sum3A_115 = tpu.scan <sum>, %convert_element_type3A_113 masked %reduce_sum3A_114 : vector<16xi32>, vector<16xi1> -> vector<16xi32>
      %reduce_sum3A_116 = vector.extract %reduce_sum3A_115[15] : i32 from vector<16xi32>
      %eq3A = vector.broadcast %reduce_sum3A_116 : i32 to vector<16xi32>
      %eq3A_117 = arith.cmpi eq, %iota3A, %eq3A : vector<16xi32>
      %jit3A_118 = arith.constant 0 : i32
      %broadcast_in_dim3A_119 = vector.broadcast %jit3A_118 : i32 to vector<16xi32>
      %select_n3A_120 = arith.select %eq3A_117, %sub3A, %broadcast_in_dim3A_119 : vector<16xi1>, vector<16xi32>
      %reduce_sum3A_121 = arith.constant true
      %reduce_sum3A_122 = vector.broadcast %reduce_sum3A_121 : i1 to vector<16xi1>
      %reduce_sum3A_123 = tpu.scan <sum>, %select_n3A_120 masked %reduce_sum3A_122 : vector<16xi32>, vector<16xi1> -> vector<16xi32>
      %reduce_sum3A_124 = vector.extract %reduce_sum3A_123[15] : i32 from vector<16xi32>
      %sub3A_125 = arith.subi %add3A_111, %reduce_sum3A_124 : i32
      %dma_start3A = arith.constant 0 : i32
      %dma_start3A_126 = arith.constant 96 : i32
      %dma_start3A_127 = arith.constant 0 : i32
      %dma_start3A_128 = tpu.memref_slice %arg2[%reduce_sum3A_116, %sub3A_125, %dma_start3A, %dma_start3A_126, %dma_start3A_127] : memref<8x40x3x192x192xf32, #tpu.memory_space<hbm>> -> memref<1x1x1x96x192xf32, #tpu.memory_space<hbm>>
      %dma_start3A_129 = tpu.memref_squeeze %dma_start3A_128 : memref<1x1x1x96x192xf32, #tpu.memory_space<hbm>> -> memref<96x192xf32, #tpu.memory_space<hbm>>
      %dma_start3A_130 = arith.constant 96 : i32
      %dma_start3A_131 = arith.constant 0 : i32
      %dma_start3A_132 = tpu.memref_slice %arg2[%reduce_sum3A_116, %sub3A_125, %dma_start3A, %dma_start3A_130, %dma_start3A_131] : memref<8x40x3x192x192xf32, #tpu.memory_space<hbm>> -> memref<1x1x1x96x192xf32, #tpu.memory_space<hbm>>
      %dma_start3A_133 = tpu.memref_squeeze %dma_start3A_132 : memref<1x1x1x96x192xf32, #tpu.memory_space<hbm>> -> memref<96x192xf32, #tpu.memory_space<hbm>>
      tpu.enqueue_dma source(%dma_start3A_133 : memref<96x192xf32, #tpu.memory_space<hbm>>) target(%arg7 : memref<96x192xf32, #tpu.memory_space<vmem>>) target_semaphore(%arg13 : memref<!tpu.dma_semaphore, #tpu.memory_space<semaphore_mem>>)
      %dma_start3A_134 = arith.constant 0 : i32
      %dma_start3A_135 = arith.constant 96 : i32
      %dma_start3A_136 = arith.constant 0 : i32
      %dma_start3A_137 = tpu.memref_slice %arg3[%reduce_sum3A_116, %sub3A_125, %dma_start3A_134, %dma_start3A_135, %dma_start3A_136] : memref<8x40x3x192x192xf32, #tpu.memory_space<hbm>> -> memref<1x1x1x96x192xf32, #tpu.memory_space<hbm>>
      %dma_start3A_138 = tpu.memref_squeeze %dma_start3A_137 : memref<1x1x1x96x192xf32, #tpu.memory_space<hbm>> -> memref<96x192xf32, #tpu.memory_space<hbm>>
      %dma_start3A_139 = arith.constant 96 : i32
      %dma_start3A_140 = arith.constant 0 : i32
      %dma_start3A_141 = tpu.memref_slice %arg3[%reduce_sum3A_116, %sub3A_125, %dma_start3A_134, %dma_start3A_139, %dma_start3A_140] : memref<8x40x3x192x192xf32, #tpu.memory_space<hbm>> -> memref<1x1x1x96x192xf32, #tpu.memory_space<hbm>>
      %dma_start3A_142 = tpu.memref_squeeze %dma_start3A_141 : memref<1x1x1x96x192xf32, #tpu.memory_space<hbm>> -> memref<96x192xf32, #tpu.memory_space<hbm>>
      tpu.enqueue_dma source(%dma_start3A_142 : memref<96x192xf32, #tpu.memory_space<hbm>>) target(%arg9 : memref<96x192xf32, #tpu.memory_space<vmem>>) target_semaphore(%arg15 : memref<!tpu.dma_semaphore, #tpu.memory_space<semaphore_mem>>)
    } else {
    }
    %add3A_71 = arith.constant 1 : i32
    %add3A_72 = arith.addi %mul3A_63, %add3A_71 : i32
    %jit3A_73 = arith.constant 2 : i32
    %div3A_74 = arith.divsi %add3A_72, %jit3A_73 : i32
    %sign3A_75 = arith.constant 0 : i32
    %sign3A_76 = arith.cmpi sgt, %add3A_72, %sign3A_75 : i32
    %sign3A_77 = arith.extui %sign3A_76 : i1 to i32
    %sign3A_78 = arith.constant 0 : i32
    %sign3A_79 = arith.cmpi slt, %add3A_72, %sign3A_78 : i32
    %sign3A_80 = arith.extui %sign3A_79 : i1 to i32
    %sign3A_81 = arith.subi %sign3A_77, %sign3A_80 : i32
    %sign3A_82 = arith.constant 0 : i32
    %sign3A_83 = arith.cmpi sgt, %jit3A_73, %sign3A_82 : i32
    %sign3A_84 = arith.extui %sign3A_83 : i1 to i32
    %sign3A_85 = arith.constant 0 : i32
    %sign3A_86 = arith.cmpi slt, %jit3A_73, %sign3A_85 : i32
    %sign3A_87 = arith.extui %sign3A_86 : i1 to i32
    %sign3A_88 = arith.subi %sign3A_84, %sign3A_87 : i32
    %ne3A_89 = arith.cmpi ne, %sign3A_81, %sign3A_88 : i32
    %rem3A_90 = arith.remsi %add3A_72, %jit3A_73 : i32
    %ne3A_91 = arith.constant 0 : i32
    %ne3A_92 = arith.cmpi ne, %rem3A_90, %ne3A_91 : i32
    %and3A_93 = arith.andi %ne3A_89, %ne3A_92 : i1
    %sub3A_94 = arith.constant 1 : i32
    %sub3A_95 = arith.subi %div3A_74, %sub3A_94 : i32
    %select_n3A_96 = arith.select %and3A_93, %sub3A_95, %div3A_74 : i32
    %broadcast_in_dim3A_97 = arith.constant 0.000000e+00 : f32
    %broadcast_in_dim3A_98 = vector.broadcast %broadcast_in_dim3A_97 : f32 to vector<16xf32>
    %while3A = arith.constant 0 : i32
    %while3A_99 = arith.subi %select_n3A_96, %while3A : i32
    %while3A_100 = arith.addi %while3A, %while3A_99 : i32
    %while3A_101 = arith.constant 1 : i32
    %while3A_102 = arith.divsi %while3A_99, %while3A_101 : i32
    %while3A_103 = arith.muli %while3A_102, %while3A_101 : i32
    %while3A_104 = arith.addi %while3A, %while3A_103 : i32
    %while3A_105 = arith.constant 1 : i32
    %while3A_106 = scf.for %while3A_110 = %while3A to %while3A_104 step %while3A_105 iter_args(%while3A_111 = %broadcast_in_dim3A_98) -> (vector<16xf32>)  : i32 {
      %mul3A_112 = arith.constant 2 : i32
      %mul3A_113 = arith.muli %mul3A_112, %while3A_110 : i32
      %add3A_114 = arith.constant 1 : i32
      %add3A_115 = arith.addi %mul3A_113, %add3A_114 : i32
      %dma_wait3A = arith.constant 0 : i32
      %dma_wait3A_116 = arith.constant 0 : i32
      %dma_wait3A_117 = arith.constant 0 : i32
      %dma_wait3A_118 = arith.constant 0 : i32
      %dma_wait3A_119 = arith.constant 0 : i32
      %dma_wait3A_120 = tpu.memref_slice %arg2[%dma_wait3A, %dma_wait3A_116, %dma_wait3A_117, %dma_wait3A_118, %dma_wait3A_119] : memref<8x40x3x192x192xf32, #tpu.memory_space<hbm>> -> memref<1x1x1x96x192xf32, #tpu.memory_space<hbm>>
      %dma_wait3A_121 = tpu.memref_squeeze %dma_wait3A_120 : memref<1x1x1x96x192xf32, #tpu.memory_space<hbm>> -> memref<96x192xf32, #tpu.memory_space<hbm>>
      %dma_wait3A_122 = arith.constant 0 : i32
      %dma_wait3A_123 = arith.constant 0 : i32
      %dma_wait3A_124 = tpu.memref_slice %arg2[%dma_wait3A, %dma_wait3A_116, %dma_wait3A_117, %dma_wait3A_122, %dma_wait3A_123] : memref<8x40x3x192x192xf32, #tpu.memory_space<hbm>> -> memref<1x1x1x96x192xf32, #tpu.memory_space<hbm>>
      %dma_wait3A_125 = tpu.memref_squeeze %dma_wait3A_124 : memref<1x1x1x96x192xf32, #tpu.memory_space<hbm>> -> memref<96x192xf32, #tpu.memory_space<hbm>>
      tpu.wait_dma2 semaphore(%arg12 : memref<!tpu.dma_semaphore, #tpu.memory_space<semaphore_mem>>) src(%dma_wait3A_125 : memref<96x192xf32, #tpu.memory_space<hbm>>) dst(%arg6 : memref<96x192xf32, #tpu.memory_space<vmem>>)
      %dma_wait3A_126 = arith.constant 0 : i32
      %dma_wait3A_127 = arith.constant 0 : i32
      %dma_wait3A_128 = arith.constant 0 : i32
      %dma_wait3A_129 = arith.constant 0 : i32
      %dma_wait3A_130 = arith.constant 0 : i32
      %dma_wait3A_131 = tpu.memref_slice %arg3[%dma_wait3A_126, %dma_wait3A_127, %dma_wait3A_128, %dma_wait3A_129, %dma_wait3A_130] : memref<8x40x3x192x192xf32, #tpu.memory_space<hbm>> -> memref<1x1x1x96x192xf32, #tpu.memory_space<hbm>>
      %dma_wait3A_132 = tpu.memref_squeeze %dma_wait3A_131 : memref<1x1x1x96x192xf32, #tpu.memory_space<hbm>> -> memref<96x192xf32, #tpu.memory_space<hbm>>
      %dma_wait3A_133 = arith.constant 0 : i32
      %dma_wait3A_134 = arith.constant 0 : i32
      %dma_wait3A_135 = tpu.memref_slice %arg3[%dma_wait3A_126, %dma_wait3A_127, %dma_wait3A_128, %dma_wait3A_133, %dma_wait3A_134] : memref<8x40x3x192x192xf32, #tpu.memory_space<hbm>> -> memref<1x1x1x96x192xf32, #tpu.memory_space<hbm>>
      %dma_wait3A_136 = tpu.memref_squeeze %dma_wait3A_135 : memref<1x1x1x96x192xf32, #tpu.memory_space<hbm>> -> memref<96x192xf32, #tpu.memory_space<hbm>>
      tpu.wait_dma2 semaphore(%arg14 : memref<!tpu.dma_semaphore, #tpu.memory_space<semaphore_mem>>) src(%dma_wait3A_136 : memref<96x192xf32, #tpu.memory_space<hbm>>) dst(%arg8 : memref<96x192xf32, #tpu.memory_space<vmem>>)
      %broadcast_in_dim3A_137 = arith.constant 0.000000e+00 : f32
      %broadcast_in_dim3A_138 = vector.broadcast %broadcast_in_dim3A_137 : f32 to vector<16xf32>
      %scan3A = arith.constant 0 : i32
      %scan3A_139 = arith.constant 96 : i32
      %scan3A_140 = arith.addi %scan3A, %scan3A_139 : i32
      %scan3A_141 = arith.constant 1 : i32
      %scan3A_142 = scf.for %scan3A_174 = %scan3A to %scan3A_140 step %scan3A_141 iter_args(%scan3A_175 = %broadcast_in_dim3A_138) -> (vector<16xf32>)  : i32 {
        %get3A_176 = arith.index_cast %scan3A_174 : i32 to index
        %get3A_177 = arith.constant 0 : index
        %get3A_178 = tpu.vector_load %arg6[%get3A_176, %get3A_177] {strides = array<i32>} : memref<96x192xf32, #tpu.memory_space<vmem>>, vector<16xf32>,
        %get3A_179 = arith.index_cast %scan3A_174 : i32 to index
        %get3A_180 = arith.constant 0 : index
        %get3A_181 = tpu.vector_load %arg8[%get3A_179, %get3A_180] {strides = array<i32>} : memref<96x192xf32, #tpu.memory_space<vmem>>, vector<16xf32>,
        %sub3A_182 = arith.subf %get3A_178, %get3A_181 : vector<16xf32>
        %abs3A = math.absf %sub3A_182 : vector<16xf32>
        %add3A_183 = arith.addf %scan3A_175, %abs3A : vector<16xf32>
        %get3A_184 = arith.index_cast %scan3A_174 : i32 to index
        %get3A_185 = arith.constant 16 : index
        %get3A_186 = tpu.vector_load %arg6[%get3A_184, %get3A_185] {strides = array<i32>} : memref<96x192xf32, #tpu.memory_space<vmem>>, vector<16xf32>,
        %get3A_187 = arith.index_cast %scan3A_174 : i32 to index
        %get3A_188 = arith.constant 16 : index
        %get3A_189 = tpu.vector_load %arg8[%get3A_187, %get3A_188] {strides = array<i32>} : memref<96x192xf32, #tpu.memory_space<vmem>>, vector<16xf32>,
        %sub3A_190 = arith.subf %get3A_186, %get3A_189 : vector<16xf32>
        %abs3A_191 = math.absf %sub3A_190 : vector<16xf32>
        %add3A_192 = arith.addf %add3A_183, %abs3A_191 : vector<16xf32>
        %get3A_193 = arith.index_cast %scan3A_174 : i32 to index
        %get3A_194 = arith.constant 32 : index
        %get3A_195 = tpu.vector_load %arg6[%get3A_193, %get3A_194] {strides = array<i32>} : memref<96x192xf32, #tpu.memory_space<vmem>>, vector<16xf32>,
        %get3A_196 = arith.index_cast %scan3A_174 : i32 to index
        %get3A_197 = arith.constant 32 : index
        %get3A_198 = tpu.vector_load %arg8[%get3A_196, %get3A_197] {strides = array<i32>} : memref<96x192xf32, #tpu.memory_space<vmem>>, vector<16xf32>,
        %sub3A_199 = arith.subf %get3A_195, %get3A_198 : vector<16xf32>
        %abs3A_200 = math.absf %sub3A_199 : vector<16xf32>
        %add3A_201 = arith.addf %add3A_192, %abs3A_200 : vector<16xf32>
        %get3A_202 = arith.index_cast %scan3A_174 : i32 to index
        %get3A_203 = arith.constant 48 : index
        %get3A_204 = tpu.vector_load %arg6[%get3A_202, %get3A_203] {strides = array<i32>} : memref<96x192xf32, #tpu.memory_space<vmem>>, vector<16xf32>,
        %get3A_205 = arith.index_cast %scan3A_174 : i32 to index
        %get3A_206 = arith.constant 48 : index
        %get3A_207 = tpu.vector_load %arg8[%get3A_205, %get3A_206] {strides = array<i32>} : memref<96x192xf32, #tpu.memory_space<vmem>>, vector<16xf32>,
        %sub3A_208 = arith.subf %get3A_204, %get3A_207 : vector<16xf32>
        %abs3A_209 = math.absf %sub3A_208 : vector<16xf32>
        %add3A_210 = arith.addf %add3A_201, %abs3A_209 : vector<16xf32>
        %get3A_211 = arith.index_cast %scan3A_174 : i32 to index
        %get3A_212 = arith.constant 64 : index
        %get3A_213 = tpu.vector_load %arg6[%get3A_211, %get3A_212] {strides = array<i32>} : memref<96x192xf32, #tpu.memory_space<vmem>>, vector<16xf32>,
        %get3A_214 = arith.index_cast %scan3A_174 : i32 to index
        %get3A_215 = arith.constant 64 : index
        %get3A_216 = tpu.vector_load %arg8[%get3A_214, %get3A_215] {strides = array<i32>} : memref<96x192xf32, #tpu.memory_space<vmem>>, vector<16xf32>,
        %sub3A_217 = arith.subf %get3A_213, %get3A_216 : vector<16xf32>
        %abs3A_218 = math.absf %sub3A_217 : vector<16xf32>
        %add3A_219 = arith.addf %add3A_210, %abs3A_218 : vector<16xf32>
        %get3A_220 = arith.index_cast %scan3A_174 : i32 to index
        %get3A_221 = arith.constant 80 : index
        %get3A_222 = tpu.vector_load %arg6[%get3A_220, %get3A_221] {strides = array<i32>} : memref<96x192xf32, #tpu.memory_space<vmem>>, vector<16xf32>,
        %get3A_223 = arith.index_cast %scan3A_174 : i32 to index
        %get3A_224 = arith.constant 80 : index
        %get3A_225 = tpu.vector_load %arg8[%get3A_223, %get3A_224] {strides = array<i32>} : memref<96x192xf32, #tpu.memory_space<vmem>>, vector<16xf32>,
        %sub3A_226 = arith.subf %get3A_222, %get3A_225 : vector<16xf32>
        %abs3A_227 = math.absf %sub3A_226 : vector<16xf32>
        %add3A_228 = arith.addf %add3A_219, %abs3A_227 : vector<16xf32>
        %get3A_229 = arith.index_cast %scan3A_174 : i32 to index
        %get3A_230 = arith.constant 96 : index
        %get3A_231 = tpu.vector_load %arg6[%get3A_229, %get3A_230] {strides = array<i32>} : memref<96x192xf32, #tpu.memory_space<vmem>>, vector<16xf32>,
        %get3A_232 = arith.index_cast %scan3A_174 : i32 to index
        %get3A_233 = arith.constant 96 : index
        %get3A_234 = tpu.vector_load %arg8[%get3A_232, %get3A_233] {strides = array<i32>} : memref<96x192xf32, #tpu.memory_space<vmem>>, vector<16xf32>,
        %sub3A_235 = arith.subf %get3A_231, %get3A_234 : vector<16xf32>
        %abs3A_236 = math.absf %sub3A_235 : vector<16xf32>
        %add3A_237 = arith.addf %add3A_228, %abs3A_236 : vector<16xf32>
        %get3A_238 = arith.index_cast %scan3A_174 : i32 to index
        %get3A_239 = arith.constant 112 : index
        %get3A_240 = tpu.vector_load %arg6[%get3A_238, %get3A_239] {strides = array<i32>} : memref<96x192xf32, #tpu.memory_space<vmem>>, vector<16xf32>,
        %get3A_241 = arith.index_cast %scan3A_174 : i32 to index
        %get3A_242 = arith.constant 112 : index
        %get3A_243 = tpu.vector_load %arg8[%get3A_241, %get3A_242] {strides = array<i32>} : memref<96x192xf32, #tpu.memory_space<vmem>>, vector<16xf32>,
        %sub3A_244 = arith.subf %get3A_240, %get3A_243 : vector<16xf32>
        %abs3A_245 = math.absf %sub3A_244 : vector<16xf32>
        %add3A_246 = arith.addf %add3A_237, %abs3A_245 : vector<16xf32>
        %get3A_247 = arith.index_cast %scan3A_174 : i32 to index
        %get3A_248 = arith.constant 128 : index
        %get3A_249 = tpu.vector_load %arg6[%get3A_247, %get3A_248] {strides = array<i32>} : memref<96x192xf32, #tpu.memory_space<vmem>>, vector<16xf32>,
        %get3A_250 = arith.index_cast %scan3A_174 : i32 to index
        %get3A_251 = arith.constant 128 : index
        %get3A_252 = tpu.vector_load %arg8[%get3A_250, %get3A_251] {strides = array<i32>} : memref<96x192xf32, #tpu.memory_space<vmem>>, vector<16xf32>,
        %sub3A_253 = arith.subf %get3A_249, %get3A_252 : vector<16xf32>
        %abs3A_254 = math.absf %sub3A_253 : vector<16xf32>
        %add3A_255 = arith.addf %add3A_246, %abs3A_254 : vector<16xf32>
        %get3A_256 = arith.index_cast %scan3A_174 : i32 to index
        %get3A_257 = arith.constant 144 : index
        %get3A_258 = tpu.vector_load %arg6[%get3A_256, %get3A_257] {strides = array<i32>} : memref<96x192xf32, #tpu.memory_space<vmem>>, vector<16xf32>,
        %get3A_259 = arith.index_cast %scan3A_174 : i32 to index
        %get3A_260 = arith.constant 144 : index
        %get3A_261 = tpu.vector_load %arg8[%get3A_259, %get3A_260] {strides = array<i32>} : memref<96x192xf32, #tpu.memory_space<vmem>>, vector<16xf32>,
        %sub3A_262 = arith.subf %get3A_258, %get3A_261 : vector<16xf32>
        %abs3A_263 = math.absf %sub3A_262 : vector<16xf32>
        %add3A_264 = arith.addf %add3A_255, %abs3A_263 : vector<16xf32>
        %get3A_265 = arith.index_cast %scan3A_174 : i32 to index
        %get3A_266 = arith.constant 160 : index
        %get3A_267 = tpu.vector_load %arg6[%get3A_265, %get3A_266] {strides = array<i32>} : memref<96x192xf32, #tpu.memory_space<vmem>>, vector<16xf32>,
        %get3A_268 = arith.index_cast %scan3A_174 : i32 to index
        %get3A_269 = arith.constant 160 : index
        %get3A_270 = tpu.vector_load %arg8[%get3A_268, %get3A_269] {strides = array<i32>} : memref<96x192xf32, #tpu.memory_space<vmem>>, vector<16xf32>,
        %sub3A_271 = arith.subf %get3A_267, %get3A_270 : vector<16xf32>
        %abs3A_272 = math.absf %sub3A_271 : vector<16xf32>
        %add3A_273 = arith.addf %add3A_264, %abs3A_272 : vector<16xf32>
        %get3A_274 = arith.index_cast %scan3A_174 : i32 to index
        %get3A_275 = arith.constant 176 : index
        %get3A_276 = tpu.vector_load %arg6[%get3A_274, %get3A_275] {strides = array<i32>} : memref<96x192xf32, #tpu.memory_space<vmem>>, vector<16xf32>,
        %get3A_277 = arith.index_cast %scan3A_174 : i32 to index
        %get3A_278 = arith.constant 176 : index
        %get3A_279 = tpu.vector_load %arg8[%get3A_277, %get3A_278] {strides = array<i32>} : memref<96x192xf32, #tpu.memory_space<vmem>>, vector<16xf32>,
        %sub3A_280 = arith.subf %get3A_276, %get3A_279 : vector<16xf32>
        %abs3A_281 = math.absf %sub3A_280 : vector<16xf32>
        %add3A_282 = arith.addf %add3A_273, %abs3A_281 : vector<16xf32>
        scf.yield %add3A_282 : vector<16xf32>
      }
      %scan3A_143 = arith.constant 96 : i32
      %add3A_144 = arith.addf %while3A_111, %scan3A_142 : vector<16xf32>
      %add3A_145 = arith.constant 2 : i32
      %add3A_146 = arith.addi %mul3A_113, %add3A_145 : i32
      %lt3A_147 = arith.cmpi slt, %add3A_146, %mul3A_63 : i32
      %convert_element_type3A_148 = arith.extui %lt3A_147 : i1 to i32
      %cond3A_149 = arith.constant 0 : i32
      %cond3A_150 = arith.cmpi ne, %convert_element_type3A_148, %cond3A_149 : i32
      scf.if %cond3A_150 {
        %add3A_174 = arith.constant 2 : i32
        %add3A_175 = arith.addi %mul3A_113, %add3A_174 : i32
        %jit3A_176 = arith.constant 6 : i32
        %div3A_177 = arith.divsi %add3A_175, %jit3A_176 : i32
        %sign3A_178 = arith.constant 0 : i32
        %sign3A_179 = arith.cmpi sgt, %add3A_175, %sign3A_178 : i32
        %sign3A_180 = arith.extui %sign3A_179 : i1 to i32
        %sign3A_181 = arith.constant 0 : i32
        %sign3A_182 = arith.cmpi slt, %add3A_175, %sign3A_181 : i32
        %sign3A_183 = arith.extui %sign3A_182 : i1 to i32
        %sign3A_184 = arith.subi %sign3A_180, %sign3A_183 : i32
        %sign3A_185 = arith.constant 0 : i32
        %sign3A_186 = arith.cmpi sgt, %jit3A_176, %sign3A_185 : i32
        %sign3A_187 = arith.extui %sign3A_186 : i1 to i32
        %sign3A_188 = arith.constant 0 : i32
        %sign3A_189 = arith.cmpi slt, %jit3A_176, %sign3A_188 : i32
        %sign3A_190 = arith.extui %sign3A_189 : i1 to i32
        %sign3A_191 = arith.subi %sign3A_187, %sign3A_190 : i32
        %ne3A_192 = arith.cmpi ne, %sign3A_184, %sign3A_191 : i32
        %rem3A_193 = arith.remsi %add3A_175, %jit3A_176 : i32
        %ne3A_194 = arith.constant 0 : i32
        %ne3A_195 = arith.cmpi ne, %rem3A_193, %ne3A_194 : i32
        %and3A_196 = arith.andi %ne3A_192, %ne3A_195 : i1
        %sub3A_197 = arith.constant 1 : i32
        %sub3A_198 = arith.subi %div3A_177, %sub3A_197 : i32
        %select_n3A_199 = arith.select %and3A_196, %sub3A_198, %div3A_177 : i32
        %mul3A_200 = arith.constant 6 : i32
        %mul3A_201 = arith.muli %select_n3A_199, %mul3A_200 : i32
        %sub3A_202 = arith.subi %add3A_175, %mul3A_201 : i32
        %mul3A_203 = arith.constant 32 : i32
        %mul3A_204 = arith.muli %mul3A_203, %select_n3A_199 : i32
        %add3A_205 = arith.addi %add3A, %mul3A_204 : i32
        %le3A = vector.broadcast %add3A_205 : i32 to vector<16xi32>
        %le3A_206 = arith.cmpi sle, %masked_cumsum3A, %le3A : vector<16xi32>
        %convert_element_type3A_207 = arith.extui %le3A_206 : vector<16xi1> to vector<16xi32>
        %reduce_sum3A = arith.constant true
        %reduce_sum3A_208 = vector.broadcast %reduce_sum3A : i1 to vector<16xi1>
        %reduce_sum3A_209 = tpu.scan <sum>, %convert_element_type3A_207 masked %reduce_sum3A_208 : vector<16xi32>, vector<16xi1> -> vector<16xi32>
        %reduce_sum3A_210 = vector.extract %reduce_sum3A_209[15] : i32 from vector<16xi32>
        %eq3A = vector.broadcast %reduce_sum3A_210 : i32 to vector<16xi32>
        %eq3A_211 = arith.cmpi eq, %iota3A, %eq3A : vector<16xi32>
        %jit3A_212 = arith.constant 0 : i32
        %broadcast_in_dim3A_213 = vector.broadcast %jit3A_212 : i32 to vector<16xi32>
        %select_n3A_214 = arith.select %eq3A_211, %sub3A, %broadcast_in_dim3A_213 : vector<16xi1>, vector<16xi32>
        %reduce_sum3A_215 = arith.constant true
        %reduce_sum3A_216 = vector.broadcast %reduce_sum3A_215 : i1 to vector<16xi1>
        %reduce_sum3A_217 = tpu.scan <sum>, %select_n3A_214 masked %reduce_sum3A_216 : vector<16xi32>, vector<16xi1> -> vector<16xi32>
        %reduce_sum3A_218 = vector.extract %reduce_sum3A_217[15] : i32 from vector<16xi32>
        %sub3A_219 = arith.subi %add3A_205, %reduce_sum3A_218 : i32
        %jit3A_220 = arith.constant 2 : i32
        %div3A_221 = arith.divsi %sub3A_202, %jit3A_220 : i32
        %sign3A_222 = arith.constant 0 : i32
        %sign3A_223 = arith.cmpi sgt, %sub3A_202, %sign3A_222 : i32
        %sign3A_224 = arith.extui %sign3A_223 : i1 to i32
        %sign3A_225 = arith.constant 0 : i32
        %sign3A_226 = arith.cmpi slt, %sub3A_202, %sign3A_225 : i32
        %sign3A_227 = arith.extui %sign3A_226 : i1 to i32
        %sign3A_228 = arith.subi %sign3A_224, %sign3A_227 : i32
        %sign3A_229 = arith.constant 0 : i32
        %sign3A_230 = arith.cmpi sgt, %jit3A_220, %sign3A_229 : i32
        %sign3A_231 = arith.extui %sign3A_230 : i1 to i32
        %sign3A_232 = arith.constant 0 : i32
        %sign3A_233 = arith.cmpi slt, %jit3A_220, %sign3A_232 : i32
        %sign3A_234 = arith.extui %sign3A_233 : i1 to i32
        %sign3A_235 = arith.subi %sign3A_231, %sign3A_234 : i32
        %ne3A_236 = arith.cmpi ne, %sign3A_228, %sign3A_235 : i32
        %rem3A_237 = arith.remsi %sub3A_202, %jit3A_220 : i32
        %ne3A_238 = arith.constant 0 : i32
        %ne3A_239 = arith.cmpi ne, %rem3A_237, %ne3A_238 : i32
        %and3A_240 = arith.andi %ne3A_236, %ne3A_239 : i1
        %sub3A_241 = arith.constant 1 : i32
        %sub3A_242 = arith.subi %div3A_221, %sub3A_241 : i32
        %select_n3A_243 = arith.select %and3A_240, %sub3A_242, %div3A_221 : i32
        %mul3A_244 = arith.constant 2 : i32
        %mul3A_245 = arith.muli %mul3A_244, %select_n3A_243 : i32
        %sub3A_246 = arith.subi %sub3A_202, %mul3A_245 : i32
        %mul3A_247 = arith.constant 96 : i32
        %mul3A_248 = arith.muli %sub3A_246, %mul3A_247 : i32
        %dma_start3A = arith.constant 0 : i32
        %dma_start3A_249 = tpu.memref_slice %arg2[%reduce_sum3A_210, %sub3A_219, %select_n3A_243, %mul3A_248, %dma_start3A] : memref<8x40x3x192x192xf32, #tpu.memory_space<hbm>> -> memref<1x1x1x96x192xf32, #tpu.memory_space<hbm>>
        %dma_start3A_250 = tpu.memref_squeeze %dma_start3A_249 : memref<1x1x1x96x192xf32, #tpu.memory_space<hbm>> -> memref<96x192xf32, #tpu.memory_space<hbm>>
        %dma_start3A_251 = arith.constant 0 : i32
        %dma_start3A_252 = tpu.memref_slice %arg2[%reduce_sum3A_210, %sub3A_219, %select_n3A_243, %mul3A_248, %dma_start3A_251] : memref<8x40x3x192x192xf32, #tpu.memory_space<hbm>> -> memref<1x1x1x96x192xf32, #tpu.memory_space<hbm>>
        %dma_start3A_253 = tpu.memref_squeeze %dma_start3A_252 : memref<1x1x1x96x192xf32, #tpu.memory_space<hbm>> -> memref<96x192xf32, #tpu.memory_space<hbm>>
        tpu.enqueue_dma source(%dma_start3A_253 : memref<96x192xf32, #tpu.memory_space<hbm>>) target(%arg6 : memref<96x192xf32, #tpu.memory_space<vmem>>) target_semaphore(%arg12 : memref<!tpu.dma_semaphore, #tpu.memory_space<semaphore_mem>>)
        %dma_start3A_254 = arith.constant 0 : i32
        %dma_start3A_255 = tpu.memref_slice %arg3[%reduce_sum3A_210, %sub3A_219, %select_n3A_243, %mul3A_248, %dma_start3A_254] : memref<8x40x3x192x192xf32, #tpu.memory_space<hbm>> -> memref<1x1x1x96x192xf32, #tpu.memory_space<hbm>>
        %dma_start3A_256 = tpu.memref_squeeze %dma_start3A_255 : memref<1x1x1x96x192xf32, #tpu.memory_space<hbm>> -> memref<96x192xf32, #tpu.memory_space<hbm>>
        %dma_start3A_257 = arith.constant 0 : i32
        %dma_start3A_258 = tpu.memref_slice %arg3[%reduce_sum3A_210, %sub3A_219, %select_n3A_243, %mul3A_248, %dma_start3A_257] : memref<8x40x3x192x192xf32, #tpu.memory_space<hbm>> -> memref<1x1x1x96x192xf32, #tpu.memory_space<hbm>>
        %dma_start3A_259 = tpu.memref_squeeze %dma_start3A_258 : memref<1x1x1x96x192xf32, #tpu.memory_space<hbm>> -> memref<96x192xf32, #tpu.memory_space<hbm>>
        tpu.enqueue_dma source(%dma_start3A_259 : memref<96x192xf32, #tpu.memory_space<hbm>>) target(%arg8 : memref<96x192xf32, #tpu.memory_space<vmem>>) target_semaphore(%arg14 : memref<!tpu.dma_semaphore, #tpu.memory_space<semaphore_mem>>)
      } else {
      }
      %lt3A_151 = arith.cmpi slt, %add3A_115, %mul3A_63 : i32
      %convert_element_type3A_152 = arith.extui %lt3A_151 : i1 to i32
      %cond3A_153 = arith.constant 0 : i32
      %cond3A_154 = arith.cmpi ne, %convert_element_type3A_152, %cond3A_153 : i32
      scf.if %cond3A_154 {
        %dma_wait3A_174 = arith.constant 0 : i32
        %dma_wait3A_175 = arith.constant 0 : i32
        %dma_wait3A_176 = arith.constant 0 : i32
        %dma_wait3A_177 = arith.constant 0 : i32
        %dma_wait3A_178 = arith.constant 0 : i32
        %dma_wait3A_179 = tpu.memref_slice %arg2[%dma_wait3A_174, %dma_wait3A_175, %dma_wait3A_176, %dma_wait3A_177, %dma_wait3A_178] : memref<8x40x3x192x192xf32, #tpu.memory_space<hbm>> -> memref<1x1x1x96x192xf32, #tpu.memory_space<hbm>>
        %dma_wait3A_180 = tpu.memref_squeeze %dma_wait3A_179 : memref<1x1x1x96x192xf32, #tpu.memory_space<hbm>> -> memref<96x192xf32, #tpu.memory_space<hbm>>
        %dma_wait3A_181 = arith.constant 0 : i32
        %dma_wait3A_182 = arith.constant 0 : i32
        %dma_wait3A_183 = tpu.memref_slice %arg2[%dma_wait3A_174, %dma_wait3A_175, %dma_wait3A_176, %dma_wait3A_181, %dma_wait3A_182] : memref<8x40x3x192x192xf32, #tpu.memory_space<hbm>> -> memref<1x1x1x96x192xf32, #tpu.memory_space<hbm>>
        %dma_wait3A_184 = tpu.memref_squeeze %dma_wait3A_183 : memref<1x1x1x96x192xf32, #tpu.memory_space<hbm>> -> memref<96x192xf32, #tpu.memory_space<hbm>>
        tpu.wait_dma2 semaphore(%arg13 : memref<!tpu.dma_semaphore, #tpu.memory_space<semaphore_mem>>) src(%dma_wait3A_184 : memref<96x192xf32, #tpu.memory_space<hbm>>) dst(%arg7 : memref<96x192xf32, #tpu.memory_space<vmem>>)
        %dma_wait3A_185 = arith.constant 0 : i32
        %dma_wait3A_186 = arith.constant 0 : i32
        %dma_wait3A_187 = arith.constant 0 : i32
        %dma_wait3A_188 = arith.constant 0 : i32
        %dma_wait3A_189 = arith.constant 0 : i32
        %dma_wait3A_190 = tpu.memref_slice %arg3[%dma_wait3A_185, %dma_wait3A_186, %dma_wait3A_187, %dma_wait3A_188, %dma_wait3A_189] : memref<8x40x3x192x192xf32, #tpu.memory_space<hbm>> -> memref<1x1x1x96x192xf32, #tpu.memory_space<hbm>>
        %dma_wait3A_191 = tpu.memref_squeeze %dma_wait3A_190 : memref<1x1x1x96x192xf32, #tpu.memory_space<hbm>> -> memref<96x192xf32, #tpu.memory_space<hbm>>
        %dma_wait3A_192 = arith.constant 0 : i32
        %dma_wait3A_193 = arith.constant 0 : i32
        %dma_wait3A_194 = tpu.memref_slice %arg3[%dma_wait3A_185, %dma_wait3A_186, %dma_wait3A_187, %dma_wait3A_192, %dma_wait3A_193] : memref<8x40x3x192x192xf32, #tpu.memory_space<hbm>> -> memref<1x1x1x96x192xf32, #tpu.memory_space<hbm>>
        %dma_wait3A_195 = tpu.memref_squeeze %dma_wait3A_194 : memref<1x1x1x96x192xf32, #tpu.memory_space<hbm>> -> memref<96x192xf32, #tpu.memory_space<hbm>>
        tpu.wait_dma2 semaphore(%arg15 : memref<!tpu.dma_semaphore, #tpu.memory_space<semaphore_mem>>) src(%dma_wait3A_195 : memref<96x192xf32, #tpu.memory_space<hbm>>) dst(%arg9 : memref<96x192xf32, #tpu.memory_space<vmem>>)
      } else {
      }
      %broadcast_in_dim3A_155 = arith.constant 0.000000e+00 : f32
      %broadcast_in_dim3A_156 = vector.broadcast %broadcast_in_dim3A_155 : f32 to vector<16xf32>
      %scan3A_157 = arith.constant 0 : i32
      %scan3A_158 = arith.constant 96 : i32
      %scan3A_159 = arith.addi %scan3A_157, %scan3A_158 : i32
      %scan3A_160 = arith.constant 1 : i32
      %scan3A_161 = scf.for %scan3A_174 = %scan3A_157 to %scan3A_159 step %scan3A_160 iter_args(%scan3A_175 = %broadcast_in_dim3A_156) -> (vector<16xf32>)  : i32 {
        %get3A_176 = arith.index_cast %scan3A_174 : i32 to index
        %get3A_177 = arith.constant 0 : index
        %get3A_178 = tpu.vector_load %arg7[%get3A_176, %get3A_177] {strides = array<i32>} : memref<96x192xf32, #tpu.memory_space<vmem>>, vector<16xf32>,
        %get3A_179 = arith.index_cast %scan3A_174 : i32 to index
        %get3A_180 = arith.constant 0 : index
        %get3A_181 = tpu.vector_load %arg9[%get3A_179, %get3A_180] {strides = array<i32>} : memref<96x192xf32, #tpu.memory_space<vmem>>, vector<16xf32>,
        %sub3A_182 = arith.subf %get3A_178, %get3A_181 : vector<16xf32>
        %abs3A = math.absf %sub3A_182 : vector<16xf32>
        %add3A_183 = arith.addf %scan3A_175, %abs3A : vector<16xf32>
        %get3A_184 = arith.index_cast %scan3A_174 : i32 to index
        %get3A_185 = arith.constant 16 : index
        %get3A_186 = tpu.vector_load %arg7[%get3A_184, %get3A_185] {strides = array<i32>} : memref<96x192xf32, #tpu.memory_space<vmem>>, vector<16xf32>,
        %get3A_187 = arith.index_cast %scan3A_174 : i32 to index
        %get3A_188 = arith.constant 16 : index
        %get3A_189 = tpu.vector_load %arg9[%get3A_187, %get3A_188] {strides = array<i32>} : memref<96x192xf32, #tpu.memory_space<vmem>>, vector<16xf32>,
        %sub3A_190 = arith.subf %get3A_186, %get3A_189 : vector<16xf32>
        %abs3A_191 = math.absf %sub3A_190 : vector<16xf32>
        %add3A_192 = arith.addf %add3A_183, %abs3A_191 : vector<16xf32>
        %get3A_193 = arith.index_cast %scan3A_174 : i32 to index
        %get3A_194 = arith.constant 32 : index
        %get3A_195 = tpu.vector_load %arg7[%get3A_193, %get3A_194] {strides = array<i32>} : memref<96x192xf32, #tpu.memory_space<vmem>>, vector<16xf32>,
        %get3A_196 = arith.index_cast %scan3A_174 : i32 to index
        %get3A_197 = arith.constant 32 : index
        %get3A_198 = tpu.vector_load %arg9[%get3A_196, %get3A_197] {strides = array<i32>} : memref<96x192xf32, #tpu.memory_space<vmem>>, vector<16xf32>,
        %sub3A_199 = arith.subf %get3A_195, %get3A_198 : vector<16xf32>
        %abs3A_200 = math.absf %sub3A_199 : vector<16xf32>
        %add3A_201 = arith.addf %add3A_192, %abs3A_200 : vector<16xf32>
        %get3A_202 = arith.index_cast %scan3A_174 : i32 to index
        %get3A_203 = arith.constant 48 : index
        %get3A_204 = tpu.vector_load %arg7[%get3A_202, %get3A_203] {strides = array<i32>} : memref<96x192xf32, #tpu.memory_space<vmem>>, vector<16xf32>,
        %get3A_205 = arith.index_cast %scan3A_174 : i32 to index
        %get3A_206 = arith.constant 48 : index
        %get3A_207 = tpu.vector_load %arg9[%get3A_205, %get3A_206] {strides = array<i32>} : memref<96x192xf32, #tpu.memory_space<vmem>>, vector<16xf32>,
        %sub3A_208 = arith.subf %get3A_204, %get3A_207 : vector<16xf32>
        %abs3A_209 = math.absf %sub3A_208 : vector<16xf32>
        %add3A_210 = arith.addf %add3A_201, %abs3A_209 : vector<16xf32>
        %get3A_211 = arith.index_cast %scan3A_174 : i32 to index
        %get3A_212 = arith.constant 64 : index
        %get3A_213 = tpu.vector_load %arg7[%get3A_211, %get3A_212] {strides = array<i32>} : memref<96x192xf32, #tpu.memory_space<vmem>>, vector<16xf32>,
        %get3A_214 = arith.index_cast %scan3A_174 : i32 to index
        %get3A_215 = arith.constant 64 : index
        %get3A_216 = tpu.vector_load %arg9[%get3A_214, %get3A_215] {strides = array<i32>} : memref<96x192xf32, #tpu.memory_space<vmem>>, vector<16xf32>,
        %sub3A_217 = arith.subf %get3A_213, %get3A_216 : vector<16xf32>
        %abs3A_218 = math.absf %sub3A_217 : vector<16xf32>
        %add3A_219 = arith.addf %add3A_210, %abs3A_218 : vector<16xf32>
        %get3A_220 = arith.index_cast %scan3A_174 : i32 to index
        %get3A_221 = arith.constant 80 : index
        %get3A_222 = tpu.vector_load %arg7[%get3A_220, %get3A_221] {strides = array<i32>} : memref<96x192xf32, #tpu.memory_space<vmem>>, vector<16xf32>,
        %get3A_223 = arith.index_cast %scan3A_174 : i32 to index
        %get3A_224 = arith.constant 80 : index
        %get3A_225 = tpu.vector_load %arg9[%get3A_223, %get3A_224] {strides = array<i32>} : memref<96x192xf32, #tpu.memory_space<vmem>>, vector<16xf32>,
        %sub3A_226 = arith.subf %get3A_222, %get3A_225 : vector<16xf32>
        %abs3A_227 = math.absf %sub3A_226 : vector<16xf32>
        %add3A_228 = arith.addf %add3A_219, %abs3A_227 : vector<16xf32>
        %get3A_229 = arith.index_cast %scan3A_174 : i32 to index
        %get3A_230 = arith.constant 96 : index
        %get3A_231 = tpu.vector_load %arg7[%get3A_229, %get3A_230] {strides = array<i32>} : memref<96x192xf32, #tpu.memory_space<vmem>>, vector<16xf32>,
        %get3A_232 = arith.index_cast %scan3A_174 : i32 to index
        %get3A_233 = arith.constant 96 : index
        %get3A_234 = tpu.vector_load %arg9[%get3A_232, %get3A_233] {strides = array<i32>} : memref<96x192xf32, #tpu.memory_space<vmem>>, vector<16xf32>,
        %sub3A_235 = arith.subf %get3A_231, %get3A_234 : vector<16xf32>
        %abs3A_236 = math.absf %sub3A_235 : vector<16xf32>
        %add3A_237 = arith.addf %add3A_228, %abs3A_236 : vector<16xf32>
        %get3A_238 = arith.index_cast %scan3A_174 : i32 to index
        %get3A_239 = arith.constant 112 : index
        %get3A_240 = tpu.vector_load %arg7[%get3A_238, %get3A_239] {strides = array<i32>} : memref<96x192xf32, #tpu.memory_space<vmem>>, vector<16xf32>,
        %get3A_241 = arith.index_cast %scan3A_174 : i32 to index
        %get3A_242 = arith.constant 112 : index
        %get3A_243 = tpu.vector_load %arg9[%get3A_241, %get3A_242] {strides = array<i32>} : memref<96x192xf32, #tpu.memory_space<vmem>>, vector<16xf32>,
        %sub3A_244 = arith.subf %get3A_240, %get3A_243 : vector<16xf32>
        %abs3A_245 = math.absf %sub3A_244 : vector<16xf32>
        %add3A_246 = arith.addf %add3A_237, %abs3A_245 : vector<16xf32>
        %get3A_247 = arith.index_cast %scan3A_174 : i32 to index
        %get3A_248 = arith.constant 128 : index
        %get3A_249 = tpu.vector_load %arg7[%get3A_247, %get3A_248] {strides = array<i32>} : memref<96x192xf32, #tpu.memory_space<vmem>>, vector<16xf32>,
        %get3A_250 = arith.index_cast %scan3A_174 : i32 to index
        %get3A_251 = arith.constant 128 : index
        %get3A_252 = tpu.vector_load %arg9[%get3A_250, %get3A_251] {strides = array<i32>} : memref<96x192xf32, #tpu.memory_space<vmem>>, vector<16xf32>,
        %sub3A_253 = arith.subf %get3A_249, %get3A_252 : vector<16xf32>
        %abs3A_254 = math.absf %sub3A_253 : vector<16xf32>
        %add3A_255 = arith.addf %add3A_246, %abs3A_254 : vector<16xf32>
        %get3A_256 = arith.index_cast %scan3A_174 : i32 to index
        %get3A_257 = arith.constant 144 : index
        %get3A_258 = tpu.vector_load %arg7[%get3A_256, %get3A_257] {strides = array<i32>} : memref<96x192xf32, #tpu.memory_space<vmem>>, vector<16xf32>,
        %get3A_259 = arith.index_cast %scan3A_174 : i32 to index
        %get3A_260 = arith.constant 144 : index
        %get3A_261 = tpu.vector_load %arg9[%get3A_259, %get3A_260] {strides = array<i32>} : memref<96x192xf32, #tpu.memory_space<vmem>>, vector<16xf32>,
        %sub3A_262 = arith.subf %get3A_258, %get3A_261 : vector<16xf32>
        %abs3A_263 = math.absf %sub3A_262 : vector<16xf32>
        %add3A_264 = arith.addf %add3A_255, %abs3A_263 : vector<16xf32>
        %get3A_265 = arith.index_cast %scan3A_174 : i32 to index
        %get3A_266 = arith.constant 160 : index
        %get3A_267 = tpu.vector_load %arg7[%get3A_265, %get3A_266] {strides = array<i32>} : memref<96x192xf32, #tpu.memory_space<vmem>>, vector<16xf32>,
        %get3A_268 = arith.index_cast %scan3A_174 : i32 to index
        %get3A_269 = arith.constant 160 : index
        %get3A_270 = tpu.vector_load %arg9[%get3A_268, %get3A_269] {strides = array<i32>} : memref<96x192xf32, #tpu.memory_space<vmem>>, vector<16xf32>,
        %sub3A_271 = arith.subf %get3A_267, %get3A_270 : vector<16xf32>
        %abs3A_272 = math.absf %sub3A_271 : vector<16xf32>
        %add3A_273 = arith.addf %add3A_264, %abs3A_272 : vector<16xf32>
        %get3A_274 = arith.index_cast %scan3A_174 : i32 to index
        %get3A_275 = arith.constant 176 : index
        %get3A_276 = tpu.vector_load %arg7[%get3A_274, %get3A_275] {strides = array<i32>} : memref<96x192xf32, #tpu.memory_space<vmem>>, vector<16xf32>,
        %get3A_277 = arith.index_cast %scan3A_174 : i32 to index
        %get3A_278 = arith.constant 176 : index
        %get3A_279 = tpu.vector_load %arg9[%get3A_277, %get3A_278] {strides = array<i32>} : memref<96x192xf32, #tpu.memory_space<vmem>>, vector<16xf32>,
        %sub3A_280 = arith.subf %get3A_276, %get3A_279 : vector<16xf32>
        %abs3A_281 = math.absf %sub3A_280 : vector<16xf32>
        %add3A_282 = arith.addf %add3A_273, %abs3A_281 : vector<16xf32>
        scf.yield %add3A_282 : vector<16xf32>
      }
      %scan3A_162 = arith.constant 96 : i32
      %lt3A_163 = arith.cmpi slt, %add3A_115, %mul3A_63 : i32
      %jit3A_164 = arith.constant 0.000000e+00 : f32
      %broadcast_in_dim3A_165 = vector.broadcast %jit3A_164 : f32 to vector<16xf32>
      %select_n3A_166 = arith.select %lt3A_163, %scan3A_161, %broadcast_in_dim3A_165 : vector<16xf32>
      %add3A_167 = arith.addf %add3A_144, %select_n3A_166 : vector<16xf32>
      %add3A_168 = arith.constant 2 : i32
      %add3A_169 = arith.addi %add3A_115, %add3A_168 : i32
      %lt3A_170 = arith.cmpi slt, %add3A_169, %mul3A_63 : i32
      %convert_element_type3A_171 = arith.extui %lt3A_170 : i1 to i32
      %cond3A_172 = arith.constant 0 : i32
      %cond3A_173 = arith.cmpi ne, %convert_element_type3A_171, %cond3A_172 : i32
      scf.if %cond3A_173 {
        %add3A_174 = arith.constant 2 : i32
        %add3A_175 = arith.addi %add3A_115, %add3A_174 : i32
        %jit3A_176 = arith.constant 6 : i32
        %div3A_177 = arith.divsi %add3A_175, %jit3A_176 : i32
        %sign3A_178 = arith.constant 0 : i32
        %sign3A_179 = arith.cmpi sgt, %add3A_175, %sign3A_178 : i32
        %sign3A_180 = arith.extui %sign3A_179 : i1 to i32
        %sign3A_181 = arith.constant 0 : i32
        %sign3A_182 = arith.cmpi slt, %add3A_175, %sign3A_181 : i32
        %sign3A_183 = arith.extui %sign3A_182 : i1 to i32
        %sign3A_184 = arith.subi %sign3A_180, %sign3A_183 : i32
        %sign3A_185 = arith.constant 0 : i32
        %sign3A_186 = arith.cmpi sgt, %jit3A_176, %sign3A_185 : i32
        %sign3A_187 = arith.extui %sign3A_186 : i1 to i32
        %sign3A_188 = arith.constant 0 : i32
        %sign3A_189 = arith.cmpi slt, %jit3A_176, %sign3A_188 : i32
        %sign3A_190 = arith.extui %sign3A_189 : i1 to i32
        %sign3A_191 = arith.subi %sign3A_187, %sign3A_190 : i32
        %ne3A_192 = arith.cmpi ne, %sign3A_184, %sign3A_191 : i32
        %rem3A_193 = arith.remsi %add3A_175, %jit3A_176 : i32
        %ne3A_194 = arith.constant 0 : i32
        %ne3A_195 = arith.cmpi ne, %rem3A_193, %ne3A_194 : i32
        %and3A_196 = arith.andi %ne3A_192, %ne3A_195 : i1
        %sub3A_197 = arith.constant 1 : i32
        %sub3A_198 = arith.subi %div3A_177, %sub3A_197 : i32
        %select_n3A_199 = arith.select %and3A_196, %sub3A_198, %div3A_177 : i32
        %mul3A_200 = arith.constant 6 : i32
        %mul3A_201 = arith.muli %select_n3A_199, %mul3A_200 : i32
        %sub3A_202 = arith.subi %add3A_175, %mul3A_201 : i32
        %mul3A_203 = arith.constant 32 : i32
        %mul3A_204 = arith.muli %mul3A_203, %select_n3A_199 : i32
        %add3A_205 = arith.addi %add3A, %mul3A_204 : i32
        %le3A = vector.broadcast %add3A_205 : i32 to vector<16xi32>
        %le3A_206 = arith.cmpi sle, %masked_cumsum3A, %le3A : vector<16xi32>
        %convert_element_type3A_207 = arith.extui %le3A_206 : vector<16xi1> to vector<16xi32>
        %reduce_sum3A = arith.constant true
        %reduce_sum3A_208 = vector.broadcast %reduce_sum3A : i1 to vector<16xi1>
        %reduce_sum3A_209 = tpu.scan <sum>, %convert_element_type3A_207 masked %reduce_sum3A_208 : vector<16xi32>, vector<16xi1> -> vector<16xi32>
        %reduce_sum3A_210 = vector.extract %reduce_sum3A_209[15] : i32 from vector<16xi32>
        %eq3A = vector.broadcast %reduce_sum3A_210 : i32 to vector<16xi32>
        %eq3A_211 = arith.cmpi eq, %iota3A, %eq3A : vector<16xi32>
        %jit3A_212 = arith.constant 0 : i32
        %broadcast_in_dim3A_213 = vector.broadcast %jit3A_212 : i32 to vector<16xi32>
        %select_n3A_214 = arith.select %eq3A_211, %sub3A, %broadcast_in_dim3A_213 : vector<16xi1>, vector<16xi32>
        %reduce_sum3A_215 = arith.constant true
        %reduce_sum3A_216 = vector.broadcast %reduce_sum3A_215 : i1 to vector<16xi1>
        %reduce_sum3A_217 = tpu.scan <sum>, %select_n3A_214 masked %reduce_sum3A_216 : vector<16xi32>, vector<16xi1> -> vector<16xi32>
        %reduce_sum3A_218 = vector.extract %reduce_sum3A_217[15] : i32 from vector<16xi32>
        %sub3A_219 = arith.subi %add3A_205, %reduce_sum3A_218 : i32
        %jit3A_220 = arith.constant 2 : i32
        %div3A_221 = arith.divsi %sub3A_202, %jit3A_220 : i32
        %sign3A_222 = arith.constant 0 : i32
        %sign3A_223 = arith.cmpi sgt, %sub3A_202, %sign3A_222 : i32
        %sign3A_224 = arith.extui %sign3A_223 : i1 to i32
        %sign3A_225 = arith.constant 0 : i32
        %sign3A_226 = arith.cmpi slt, %sub3A_202, %sign3A_225 : i32
        %sign3A_227 = arith.extui %sign3A_226 : i1 to i32
        %sign3A_228 = arith.subi %sign3A_224, %sign3A_227 : i32
        %sign3A_229 = arith.constant 0 : i32
        %sign3A_230 = arith.cmpi sgt, %jit3A_220, %sign3A_229 : i32
        %sign3A_231 = arith.extui %sign3A_230 : i1 to i32
        %sign3A_232 = arith.constant 0 : i32
        %sign3A_233 = arith.cmpi slt, %jit3A_220, %sign3A_232 : i32
        %sign3A_234 = arith.extui %sign3A_233 : i1 to i32
        %sign3A_235 = arith.subi %sign3A_231, %sign3A_234 : i32
        %ne3A_236 = arith.cmpi ne, %sign3A_228, %sign3A_235 : i32
        %rem3A_237 = arith.remsi %sub3A_202, %jit3A_220 : i32
        %ne3A_238 = arith.constant 0 : i32
        %ne3A_239 = arith.cmpi ne, %rem3A_237, %ne3A_238 : i32
        %and3A_240 = arith.andi %ne3A_236, %ne3A_239 : i1
        %sub3A_241 = arith.constant 1 : i32
        %sub3A_242 = arith.subi %div3A_221, %sub3A_241 : i32
        %select_n3A_243 = arith.select %and3A_240, %sub3A_242, %div3A_221 : i32
        %mul3A_244 = arith.constant 2 : i32
        %mul3A_245 = arith.muli %mul3A_244, %select_n3A_243 : i32
        %sub3A_246 = arith.subi %sub3A_202, %mul3A_245 : i32
        %mul3A_247 = arith.constant 96 : i32
        %mul3A_248 = arith.muli %sub3A_246, %mul3A_247 : i32
        %dma_start3A = arith.constant 0 : i32
        %dma_start3A_249 = tpu.memref_slice %arg2[%reduce_sum3A_210, %sub3A_219, %select_n3A_243, %mul3A_248, %dma_start3A] : memref<8x40x3x192x192xf32, #tpu.memory_space<hbm>> -> memref<1x1x1x96x192xf32, #tpu.memory_space<hbm>>
        %dma_start3A_250 = tpu.memref_squeeze %dma_start3A_249 : memref<1x1x1x96x192xf32, #tpu.memory_space<hbm>> -> memref<96x192xf32, #tpu.memory_space<hbm>>
        %dma_start3A_251 = arith.constant 0 : i32
        %dma_start3A_252 = tpu.memref_slice %arg2[%reduce_sum3A_210, %sub3A_219, %select_n3A_243, %mul3A_248, %dma_start3A_251] : memref<8x40x3x192x192xf32, #tpu.memory_space<hbm>> -> memref<1x1x1x96x192xf32, #tpu.memory_space<hbm>>
        %dma_start3A_253 = tpu.memref_squeeze %dma_start3A_252 : memref<1x1x1x96x192xf32, #tpu.memory_space<hbm>> -> memref<96x192xf32, #tpu.memory_space<hbm>>
        tpu.enqueue_dma source(%dma_start3A_253 : memref<96x192xf32, #tpu.memory_space<hbm>>) target(%arg7 : memref<96x192xf32, #tpu.memory_space<vmem>>) target_semaphore(%arg13 : memref<!tpu.dma_semaphore, #tpu.memory_space<semaphore_mem>>)
        %dma_start3A_254 = arith.constant 0 : i32
        %dma_start3A_255 = tpu.memref_slice %arg3[%reduce_sum3A_210, %sub3A_219, %select_n3A_243, %mul3A_248, %dma_start3A_254] : memref<8x40x3x192x192xf32, #tpu.memory_space<hbm>> -> memref<1x1x1x96x192xf32, #tpu.memory_space<hbm>>
        %dma_start3A_256 = tpu.memref_squeeze %dma_start3A_255 : memref<1x1x1x96x192xf32, #tpu.memory_space<hbm>> -> memref<96x192xf32, #tpu.memory_space<hbm>>
        %dma_start3A_257 = arith.constant 0 : i32
        %dma_start3A_258 = tpu.memref_slice %arg3[%reduce_sum3A_210, %sub3A_219, %select_n3A_243, %mul3A_248, %dma_start3A_257] : memref<8x40x3x192x192xf32, #tpu.memory_space<hbm>> -> memref<1x1x1x96x192xf32, #tpu.memory_space<hbm>>
        %dma_start3A_259 = tpu.memref_squeeze %dma_start3A_258 : memref<1x1x1x96x192xf32, #tpu.memory_space<hbm>> -> memref<96x192xf32, #tpu.memory_space<hbm>>
        tpu.enqueue_dma source(%dma_start3A_259 : memref<96x192xf32, #tpu.memory_space<hbm>>) target(%arg9 : memref<96x192xf32, #tpu.memory_space<vmem>>) target_semaphore(%arg15 : memref<!tpu.dma_semaphore, #tpu.memory_space<semaphore_mem>>)
      } else {
      }
      scf.yield %add3A_167 : vector<16xf32>
    }
    %while3A_107 = arith.constant 1 : i32
    %while3A_108 = scf.for %while3A_110 = %while3A_104 to %while3A_100 step %while3A_107 iter_args(%while3A_111 = %while3A_106) -> (vector<16xf32>)  : i32 {
      %mul3A_112 = arith.constant 2 : i32
      %mul3A_113 = arith.muli %mul3A_112, %while3A_110 : i32
      %add3A_114 = arith.constant 1 : i32
      %add3A_115 = arith.addi %mul3A_113, %add3A_114 : i32
      %dma_wait3A = arith.constant 0 : i32
      %dma_wait3A_116 = arith.constant 0 : i32
      %dma_wait3A_117 = arith.constant 0 : i32
      %dma_wait3A_118 = arith.constant 0 : i32
      %dma_wait3A_119 = arith.constant 0 : i32
      %dma_wait3A_120 = tpu.memref_slice %arg2[%dma_wait3A, %dma_wait3A_116, %dma_wait3A_117, %dma_wait3A_118, %dma_wait3A_119] : memref<8x40x3x192x192xf32, #tpu.memory_space<hbm>> -> memref<1x1x1x96x192xf32, #tpu.memory_space<hbm>>
      %dma_wait3A_121 = tpu.memref_squeeze %dma_wait3A_120 : memref<1x1x1x96x192xf32, #tpu.memory_space<hbm>> -> memref<96x192xf32, #tpu.memory_space<hbm>>
      %dma_wait3A_122 = arith.constant 0 : i32
      %dma_wait3A_123 = arith.constant 0 : i32
      %dma_wait3A_124 = tpu.memref_slice %arg2[%dma_wait3A, %dma_wait3A_116, %dma_wait3A_117, %dma_wait3A_122, %dma_wait3A_123] : memref<8x40x3x192x192xf32, #tpu.memory_space<hbm>> -> memref<1x1x1x96x192xf32, #tpu.memory_space<hbm>>
      %dma_wait3A_125 = tpu.memref_squeeze %dma_wait3A_124 : memref<1x1x1x96x192xf32, #tpu.memory_space<hbm>> -> memref<96x192xf32, #tpu.memory_space<hbm>>
      tpu.wait_dma2 semaphore(%arg12 : memref<!tpu.dma_semaphore, #tpu.memory_space<semaphore_mem>>) src(%dma_wait3A_125 : memref<96x192xf32, #tpu.memory_space<hbm>>) dst(%arg6 : memref<96x192xf32, #tpu.memory_space<vmem>>)
      %dma_wait3A_126 = arith.constant 0 : i32
      %dma_wait3A_127 = arith.constant 0 : i32
      %dma_wait3A_128 = arith.constant 0 : i32
      %dma_wait3A_129 = arith.constant 0 : i32
      %dma_wait3A_130 = arith.constant 0 : i32
      %dma_wait3A_131 = tpu.memref_slice %arg3[%dma_wait3A_126, %dma_wait3A_127, %dma_wait3A_128, %dma_wait3A_129, %dma_wait3A_130] : memref<8x40x3x192x192xf32, #tpu.memory_space<hbm>> -> memref<1x1x1x96x192xf32, #tpu.memory_space<hbm>>
      %dma_wait3A_132 = tpu.memref_squeeze %dma_wait3A_131 : memref<1x1x1x96x192xf32, #tpu.memory_space<hbm>> -> memref<96x192xf32, #tpu.memory_space<hbm>>
      %dma_wait3A_133 = arith.constant 0 : i32
      %dma_wait3A_134 = arith.constant 0 : i32
      %dma_wait3A_135 = tpu.memref_slice %arg3[%dma_wait3A_126, %dma_wait3A_127, %dma_wait3A_128, %dma_wait3A_133, %dma_wait3A_134] : memref<8x40x3x192x192xf32, #tpu.memory_space<hbm>> -> memref<1x1x1x96x192xf32, #tpu.memory_space<hbm>>
      %dma_wait3A_136 = tpu.memref_squeeze %dma_wait3A_135 : memref<1x1x1x96x192xf32, #tpu.memory_space<hbm>> -> memref<96x192xf32, #tpu.memory_space<hbm>>
      tpu.wait_dma2 semaphore(%arg14 : memref<!tpu.dma_semaphore, #tpu.memory_space<semaphore_mem>>) src(%dma_wait3A_136 : memref<96x192xf32, #tpu.memory_space<hbm>>) dst(%arg8 : memref<96x192xf32, #tpu.memory_space<vmem>>)
      %broadcast_in_dim3A_137 = arith.constant 0.000000e+00 : f32
      %broadcast_in_dim3A_138 = vector.broadcast %broadcast_in_dim3A_137 : f32 to vector<16xf32>
      %scan3A = arith.constant 0 : i32
      %scan3A_139 = arith.constant 96 : i32
      %scan3A_140 = arith.addi %scan3A, %scan3A_139 : i32
      %scan3A_141 = arith.constant 1 : i32
      %scan3A_142 = scf.for %scan3A_174 = %scan3A to %scan3A_140 step %scan3A_141 iter_args(%scan3A_175 = %broadcast_in_dim3A_138) -> (vector<16xf32>)  : i32 {
        %get3A_176 = arith.index_cast %scan3A_174 : i32 to index
        %get3A_177 = arith.constant 0 : index
        %get3A_178 = tpu.vector_load %arg6[%get3A_176, %get3A_177] {strides = array<i32>} : memref<96x192xf32, #tpu.memory_space<vmem>>, vector<16xf32>,
        %get3A_179 = arith.index_cast %scan3A_174 : i32 to index
        %get3A_180 = arith.constant 0 : index
        %get3A_181 = tpu.vector_load %arg8[%get3A_179, %get3A_180] {strides = array<i32>} : memref<96x192xf32, #tpu.memory_space<vmem>>, vector<16xf32>,
        %sub3A_182 = arith.subf %get3A_178, %get3A_181 : vector<16xf32>
        %abs3A = math.absf %sub3A_182 : vector<16xf32>
        %add3A_183 = arith.addf %scan3A_175, %abs3A : vector<16xf32>
        %get3A_184 = arith.index_cast %scan3A_174 : i32 to index
        %get3A_185 = arith.constant 16 : index
        %get3A_186 = tpu.vector_load %arg6[%get3A_184, %get3A_185] {strides = array<i32>} : memref<96x192xf32, #tpu.memory_space<vmem>>, vector<16xf32>,
        %get3A_187 = arith.index_cast %scan3A_174 : i32 to index
        %get3A_188 = arith.constant 16 : index
        %get3A_189 = tpu.vector_load %arg8[%get3A_187, %get3A_188] {strides = array<i32>} : memref<96x192xf32, #tpu.memory_space<vmem>>, vector<16xf32>,
        %sub3A_190 = arith.subf %get3A_186, %get3A_189 : vector<16xf32>
        %abs3A_191 = math.absf %sub3A_190 : vector<16xf32>
        %add3A_192 = arith.addf %add3A_183, %abs3A_191 : vector<16xf32>
        %get3A_193 = arith.index_cast %scan3A_174 : i32 to index
        %get3A_194 = arith.constant 32 : index
        %get3A_195 = tpu.vector_load %arg6[%get3A_193, %get3A_194] {strides = array<i32>} : memref<96x192xf32, #tpu.memory_space<vmem>>, vector<16xf32>,
        %get3A_196 = arith.index_cast %scan3A_174 : i32 to index
        %get3A_197 = arith.constant 32 : index
        %get3A_198 = tpu.vector_load %arg8[%get3A_196, %get3A_197] {strides = array<i32>} : memref<96x192xf32, #tpu.memory_space<vmem>>, vector<16xf32>,
        %sub3A_199 = arith.subf %get3A_195, %get3A_198 : vector<16xf32>
        %abs3A_200 = math.absf %sub3A_199 : vector<16xf32>
        %add3A_201 = arith.addf %add3A_192, %abs3A_200 : vector<16xf32>
        %get3A_202 = arith.index_cast %scan3A_174 : i32 to index
        %get3A_203 = arith.constant 48 : index
        %get3A_204 = tpu.vector_load %arg6[%get3A_202, %get3A_203] {strides = array<i32>} : memref<96x192xf32, #tpu.memory_space<vmem>>, vector<16xf32>,
        %get3A_205 = arith.index_cast %scan3A_174 : i32 to index
        %get3A_206 = arith.constant 48 : index
        %get3A_207 = tpu.vector_load %arg8[%get3A_205, %get3A_206] {strides = array<i32>} : memref<96x192xf32, #tpu.memory_space<vmem>>, vector<16xf32>,
        %sub3A_208 = arith.subf %get3A_204, %get3A_207 : vector<16xf32>
        %abs3A_209 = math.absf %sub3A_208 : vector<16xf32>
        %add3A_210 = arith.addf %add3A_201, %abs3A_209 : vector<16xf32>
        %get3A_211 = arith.index_cast %scan3A_174 : i32 to index
        %get3A_212 = arith.constant 64 : index
        %get3A_213 = tpu.vector_load %arg6[%get3A_211, %get3A_212] {strides = array<i32>} : memref<96x192xf32, #tpu.memory_space<vmem>>, vector<16xf32>,
        %get3A_214 = arith.index_cast %scan3A_174 : i32 to index
        %get3A_215 = arith.constant 64 : index
        %get3A_216 = tpu.vector_load %arg8[%get3A_214, %get3A_215] {strides = array<i32>} : memref<96x192xf32, #tpu.memory_space<vmem>>, vector<16xf32>,
        %sub3A_217 = arith.subf %get3A_213, %get3A_216 : vector<16xf32>
        %abs3A_218 = math.absf %sub3A_217 : vector<16xf32>
        %add3A_219 = arith.addf %add3A_210, %abs3A_218 : vector<16xf32>
        %get3A_220 = arith.index_cast %scan3A_174 : i32 to index
        %get3A_221 = arith.constant 80 : index
        %get3A_222 = tpu.vector_load %arg6[%get3A_220, %get3A_221] {strides = array<i32>} : memref<96x192xf32, #tpu.memory_space<vmem>>, vector<16xf32>,
        %get3A_223 = arith.index_cast %scan3A_174 : i32 to index
        %get3A_224 = arith.constant 80 : index
        %get3A_225 = tpu.vector_load %arg8[%get3A_223, %get3A_224] {strides = array<i32>} : memref<96x192xf32, #tpu.memory_space<vmem>>, vector<16xf32>,
        %sub3A_226 = arith.subf %get3A_222, %get3A_225 : vector<16xf32>
        %abs3A_227 = math.absf %sub3A_226 : vector<16xf32>
        %add3A_228 = arith.addf %add3A_219, %abs3A_227 : vector<16xf32>
        %get3A_229 = arith.index_cast %scan3A_174 : i32 to index
        %get3A_230 = arith.constant 96 : index
        %get3A_231 = tpu.vector_load %arg6[%get3A_229, %get3A_230] {strides = array<i32>} : memref<96x192xf32, #tpu.memory_space<vmem>>, vector<16xf32>,
        %get3A_232 = arith.index_cast %scan3A_174 : i32 to index
        %get3A_233 = arith.constant 96 : index
        %get3A_234 = tpu.vector_load %arg8[%get3A_232, %get3A_233] {strides = array<i32>} : memref<96x192xf32, #tpu.memory_space<vmem>>, vector<16xf32>,
        %sub3A_235 = arith.subf %get3A_231, %get3A_234 : vector<16xf32>
        %abs3A_236 = math.absf %sub3A_235 : vector<16xf32>
        %add3A_237 = arith.addf %add3A_228, %abs3A_236 : vector<16xf32>
        %get3A_238 = arith.index_cast %scan3A_174 : i32 to index
        %get3A_239 = arith.constant 112 : index
        %get3A_240 = tpu.vector_load %arg6[%get3A_238, %get3A_239] {strides = array<i32>} : memref<96x192xf32, #tpu.memory_space<vmem>>, vector<16xf32>,
        %get3A_241 = arith.index_cast %scan3A_174 : i32 to index
        %get3A_242 = arith.constant 112 : index
        %get3A_243 = tpu.vector_load %arg8[%get3A_241, %get3A_242] {strides = array<i32>} : memref<96x192xf32, #tpu.memory_space<vmem>>, vector<16xf32>,
        %sub3A_244 = arith.subf %get3A_240, %get3A_243 : vector<16xf32>
        %abs3A_245 = math.absf %sub3A_244 : vector<16xf32>
        %add3A_246 = arith.addf %add3A_237, %abs3A_245 : vector<16xf32>
        %get3A_247 = arith.index_cast %scan3A_174 : i32 to index
        %get3A_248 = arith.constant 128 : index
        %get3A_249 = tpu.vector_load %arg6[%get3A_247, %get3A_248] {strides = array<i32>} : memref<96x192xf32, #tpu.memory_space<vmem>>, vector<16xf32>,
        %get3A_250 = arith.index_cast %scan3A_174 : i32 to index
        %get3A_251 = arith.constant 128 : index
        %get3A_252 = tpu.vector_load %arg8[%get3A_250, %get3A_251] {strides = array<i32>} : memref<96x192xf32, #tpu.memory_space<vmem>>, vector<16xf32>,
        %sub3A_253 = arith.subf %get3A_249, %get3A_252 : vector<16xf32>
        %abs3A_254 = math.absf %sub3A_253 : vector<16xf32>
        %add3A_255 = arith.addf %add3A_246, %abs3A_254 : vector<16xf32>
        %get3A_256 = arith.index_cast %scan3A_174 : i32 to index
        %get3A_257 = arith.constant 144 : index
        %get3A_258 = tpu.vector_load %arg6[%get3A_256, %get3A_257] {strides = array<i32>} : memref<96x192xf32, #tpu.memory_space<vmem>>, vector<16xf32>,
        %get3A_259 = arith.index_cast %scan3A_174 : i32 to index
        %get3A_260 = arith.constant 144 : index
        %get3A_261 = tpu.vector_load %arg8[%get3A_259, %get3A_260] {strides = array<i32>} : memref<96x192xf32, #tpu.memory_space<vmem>>, vector<16xf32>,
        %sub3A_262 = arith.subf %get3A_258, %get3A_261 : vector<16xf32>
        %abs3A_263 = math.absf %sub3A_262 : vector<16xf32>
        %add3A_264 = arith.addf %add3A_255, %abs3A_263 : vector<16xf32>
        %get3A_265 = arith.index_cast %scan3A_174 : i32 to index
        %get3A_266 = arith.constant 160 : index
        %get3A_267 = tpu.vector_load %arg6[%get3A_265, %get3A_266] {strides = array<i32>} : memref<96x192xf32, #tpu.memory_space<vmem>>, vector<16xf32>,
        %get3A_268 = arith.index_cast %scan3A_174 : i32 to index
        %get3A_269 = arith.constant 160 : index
        %get3A_270 = tpu.vector_load %arg8[%get3A_268, %get3A_269] {strides = array<i32>} : memref<96x192xf32, #tpu.memory_space<vmem>>, vector<16xf32>,
        %sub3A_271 = arith.subf %get3A_267, %get3A_270 : vector<16xf32>
        %abs3A_272 = math.absf %sub3A_271 : vector<16xf32>
        %add3A_273 = arith.addf %add3A_264, %abs3A_272 : vector<16xf32>
        %get3A_274 = arith.index_cast %scan3A_174 : i32 to index
        %get3A_275 = arith.constant 176 : index
        %get3A_276 = tpu.vector_load %arg6[%get3A_274, %get3A_275] {strides = array<i32>} : memref<96x192xf32, #tpu.memory_space<vmem>>, vector<16xf32>,
        %get3A_277 = arith.index_cast %scan3A_174 : i32 to index
        %get3A_278 = arith.constant 176 : index
        %get3A_279 = tpu.vector_load %arg8[%get3A_277, %get3A_278] {strides = array<i32>} : memref<96x192xf32, #tpu.memory_space<vmem>>, vector<16xf32>,
        %sub3A_280 = arith.subf %get3A_276, %get3A_279 : vector<16xf32>
        %abs3A_281 = math.absf %sub3A_280 : vector<16xf32>
        %add3A_282 = arith.addf %add3A_273, %abs3A_281 : vector<16xf32>
        scf.yield %add3A_282 : vector<16xf32>
      }
      %scan3A_143 = arith.constant 96 : i32
      %add3A_144 = arith.addf %while3A_111, %scan3A_142 : vector<16xf32>
      %add3A_145 = arith.constant 2 : i32
      %add3A_146 = arith.addi %mul3A_113, %add3A_145 : i32
      %lt3A_147 = arith.cmpi slt, %add3A_146, %mul3A_63 : i32
      %convert_element_type3A_148 = arith.extui %lt3A_147 : i1 to i32
      %cond3A_149 = arith.constant 0 : i32
      %cond3A_150 = arith.cmpi ne, %convert_element_type3A_148, %cond3A_149 : i32
      scf.if %cond3A_150 {
        %add3A_174 = arith.constant 2 : i32
        %add3A_175 = arith.addi %mul3A_113, %add3A_174 : i32
        %jit3A_176 = arith.constant 6 : i32
        %div3A_177 = arith.divsi %add3A_175, %jit3A_176 : i32
        %sign3A_178 = arith.constant 0 : i32
        %sign3A_179 = arith.cmpi sgt, %add3A_175, %sign3A_178 : i32
        %sign3A_180 = arith.extui %sign3A_179 : i1 to i32
        %sign3A_181 = arith.constant 0 : i32
        %sign3A_182 = arith.cmpi slt, %add3A_175, %sign3A_181 : i32
        %sign3A_183 = arith.extui %sign3A_182 : i1 to i32
        %sign3A_184 = arith.subi %sign3A_180, %sign3A_183 : i32
        %sign3A_185 = arith.constant 0 : i32
        %sign3A_186 = arith.cmpi sgt, %jit3A_176, %sign3A_185 : i32
        %sign3A_187 = arith.extui %sign3A_186 : i1 to i32
        %sign3A_188 = arith.constant 0 : i32
        %sign3A_189 = arith.cmpi slt, %jit3A_176, %sign3A_188 : i32
        %sign3A_190 = arith.extui %sign3A_189 : i1 to i32
        %sign3A_191 = arith.subi %sign3A_187, %sign3A_190 : i32
        %ne3A_192 = arith.cmpi ne, %sign3A_184, %sign3A_191 : i32
        %rem3A_193 = arith.remsi %add3A_175, %jit3A_176 : i32
        %ne3A_194 = arith.constant 0 : i32
        %ne3A_195 = arith.cmpi ne, %rem3A_193, %ne3A_194 : i32
        %and3A_196 = arith.andi %ne3A_192, %ne3A_195 : i1
        %sub3A_197 = arith.constant 1 : i32
        %sub3A_198 = arith.subi %div3A_177, %sub3A_197 : i32
        %select_n3A_199 = arith.select %and3A_196, %sub3A_198, %div3A_177 : i32
        %mul3A_200 = arith.constant 6 : i32
        %mul3A_201 = arith.muli %select_n3A_199, %mul3A_200 : i32
        %sub3A_202 = arith.subi %add3A_175, %mul3A_201 : i32
        %mul3A_203 = arith.constant 32 : i32
        %mul3A_204 = arith.muli %mul3A_203, %select_n3A_199 : i32
        %add3A_205 = arith.addi %add3A, %mul3A_204 : i32
        %le3A = vector.broadcast %add3A_205 : i32 to vector<16xi32>
        %le3A_206 = arith.cmpi sle, %masked_cumsum3A, %le3A : vector<16xi32>
        %convert_element_type3A_207 = arith.extui %le3A_206 : vector<16xi1> to vector<16xi32>
        %reduce_sum3A = arith.constant true
        %reduce_sum3A_208 = vector.broadcast %reduce_sum3A : i1 to vector<16xi1>
        %reduce_sum3A_209 = tpu.scan <sum>, %convert_element_type3A_207 masked %reduce_sum3A_208 : vector<16xi32>, vector<16xi1> -> vector<16xi32>
        %reduce_sum3A_210 = vector.extract %reduce_sum3A_209[15] : i32 from vector<16xi32>
        %eq3A = vector.broadcast %reduce_sum3A_210 : i32 to vector<16xi32>
        %eq3A_211 = arith.cmpi eq, %iota3A, %eq3A : vector<16xi32>
        %jit3A_212 = arith.constant 0 : i32
        %broadcast_in_dim3A_213 = vector.broadcast %jit3A_212 : i32 to vector<16xi32>
        %select_n3A_214 = arith.select %eq3A_211, %sub3A, %broadcast_in_dim3A_213 : vector<16xi1>, vector<16xi32>
        %reduce_sum3A_215 = arith.constant true
        %reduce_sum3A_216 = vector.broadcast %reduce_sum3A_215 : i1 to vector<16xi1>
        %reduce_sum3A_217 = tpu.scan <sum>, %select_n3A_214 masked %reduce_sum3A_216 : vector<16xi32>, vector<16xi1> -> vector<16xi32>
        %reduce_sum3A_218 = vector.extract %reduce_sum3A_217[15] : i32 from vector<16xi32>
        %sub3A_219 = arith.subi %add3A_205, %reduce_sum3A_218 : i32
        %jit3A_220 = arith.constant 2 : i32
        %div3A_221 = arith.divsi %sub3A_202, %jit3A_220 : i32
        %sign3A_222 = arith.constant 0 : i32
        %sign3A_223 = arith.cmpi sgt, %sub3A_202, %sign3A_222 : i32
        %sign3A_224 = arith.extui %sign3A_223 : i1 to i32
        %sign3A_225 = arith.constant 0 : i32
        %sign3A_226 = arith.cmpi slt, %sub3A_202, %sign3A_225 : i32
        %sign3A_227 = arith.extui %sign3A_226 : i1 to i32
        %sign3A_228 = arith.subi %sign3A_224, %sign3A_227 : i32
        %sign3A_229 = arith.constant 0 : i32
        %sign3A_230 = arith.cmpi sgt, %jit3A_220, %sign3A_229 : i32
        %sign3A_231 = arith.extui %sign3A_230 : i1 to i32
        %sign3A_232 = arith.constant 0 : i32
        %sign3A_233 = arith.cmpi slt, %jit3A_220, %sign3A_232 : i32
        %sign3A_234 = arith.extui %sign3A_233 : i1 to i32
        %sign3A_235 = arith.subi %sign3A_231, %sign3A_234 : i32
        %ne3A_236 = arith.cmpi ne, %sign3A_228, %sign3A_235 : i32
        %rem3A_237 = arith.remsi %sub3A_202, %jit3A_220 : i32
        %ne3A_238 = arith.constant 0 : i32
        %ne3A_239 = arith.cmpi ne, %rem3A_237, %ne3A_238 : i32
        %and3A_240 = arith.andi %ne3A_236, %ne3A_239 : i1
        %sub3A_241 = arith.constant 1 : i32
        %sub3A_242 = arith.subi %div3A_221, %sub3A_241 : i32
        %select_n3A_243 = arith.select %and3A_240, %sub3A_242, %div3A_221 : i32
        %mul3A_244 = arith.constant 2 : i32
        %mul3A_245 = arith.muli %mul3A_244, %select_n3A_243 : i32
        %sub3A_246 = arith.subi %sub3A_202, %mul3A_245 : i32
        %mul3A_247 = arith.constant 96 : i32
        %mul3A_248 = arith.muli %sub3A_246, %mul3A_247 : i32
        %dma_start3A = arith.constant 0 : i32
        %dma_start3A_249 = tpu.memref_slice %arg2[%reduce_sum3A_210, %sub3A_219, %select_n3A_243, %mul3A_248, %dma_start3A] : memref<8x40x3x192x192xf32, #tpu.memory_space<hbm>> -> memref<1x1x1x96x192xf32, #tpu.memory_space<hbm>>
        %dma_start3A_250 = tpu.memref_squeeze %dma_start3A_249 : memref<1x1x1x96x192xf32, #tpu.memory_space<hbm>> -> memref<96x192xf32, #tpu.memory_space<hbm>>
        %dma_start3A_251 = arith.constant 0 : i32
        %dma_start3A_252 = tpu.memref_slice %arg2[%reduce_sum3A_210, %sub3A_219, %select_n3A_243, %mul3A_248, %dma_start3A_251] : memref<8x40x3x192x192xf32, #tpu.memory_space<hbm>> -> memref<1x1x1x96x192xf32, #tpu.memory_space<hbm>>
        %dma_start3A_253 = tpu.memref_squeeze %dma_start3A_252 : memref<1x1x1x96x192xf32, #tpu.memory_space<hbm>> -> memref<96x192xf32, #tpu.memory_space<hbm>>
        tpu.enqueue_dma source(%dma_start3A_253 : memref<96x192xf32, #tpu.memory_space<hbm>>) target(%arg6 : memref<96x192xf32, #tpu.memory_space<vmem>>) target_semaphore(%arg12 : memref<!tpu.dma_semaphore, #tpu.memory_space<semaphore_mem>>)
        %dma_start3A_254 = arith.constant 0 : i32
        %dma_start3A_255 = tpu.memref_slice %arg3[%reduce_sum3A_210, %sub3A_219, %select_n3A_243, %mul3A_248, %dma_start3A_254] : memref<8x40x3x192x192xf32, #tpu.memory_space<hbm>> -> memref<1x1x1x96x192xf32, #tpu.memory_space<hbm>>
        %dma_start3A_256 = tpu.memref_squeeze %dma_start3A_255 : memref<1x1x1x96x192xf32, #tpu.memory_space<hbm>> -> memref<96x192xf32, #tpu.memory_space<hbm>>
        %dma_start3A_257 = arith.constant 0 : i32
        %dma_start3A_258 = tpu.memref_slice %arg3[%reduce_sum3A_210, %sub3A_219, %select_n3A_243, %mul3A_248, %dma_start3A_257] : memref<8x40x3x192x192xf32, #tpu.memory_space<hbm>> -> memref<1x1x1x96x192xf32, #tpu.memory_space<hbm>>
        %dma_start3A_259 = tpu.memref_squeeze %dma_start3A_258 : memref<1x1x1x96x192xf32, #tpu.memory_space<hbm>> -> memref<96x192xf32, #tpu.memory_space<hbm>>
        tpu.enqueue_dma source(%dma_start3A_259 : memref<96x192xf32, #tpu.memory_space<hbm>>) target(%arg8 : memref<96x192xf32, #tpu.memory_space<vmem>>) target_semaphore(%arg14 : memref<!tpu.dma_semaphore, #tpu.memory_space<semaphore_mem>>)
      } else {
      }
      %lt3A_151 = arith.cmpi slt, %add3A_115, %mul3A_63 : i32
      %convert_element_type3A_152 = arith.extui %lt3A_151 : i1 to i32
      %cond3A_153 = arith.constant 0 : i32
      %cond3A_154 = arith.cmpi ne, %convert_element_type3A_152, %cond3A_153 : i32
      scf.if %cond3A_154 {
        %dma_wait3A_174 = arith.constant 0 : i32
        %dma_wait3A_175 = arith.constant 0 : i32
        %dma_wait3A_176 = arith.constant 0 : i32
        %dma_wait3A_177 = arith.constant 0 : i32
        %dma_wait3A_178 = arith.constant 0 : i32
        %dma_wait3A_179 = tpu.memref_slice %arg2[%dma_wait3A_174, %dma_wait3A_175, %dma_wait3A_176, %dma_wait3A_177, %dma_wait3A_178] : memref<8x40x3x192x192xf32, #tpu.memory_space<hbm>> -> memref<1x1x1x96x192xf32, #tpu.memory_space<hbm>>
        %dma_wait3A_180 = tpu.memref_squeeze %dma_wait3A_179 : memref<1x1x1x96x192xf32, #tpu.memory_space<hbm>> -> memref<96x192xf32, #tpu.memory_space<hbm>>
        %dma_wait3A_181 = arith.constant 0 : i32
        %dma_wait3A_182 = arith.constant 0 : i32
        %dma_wait3A_183 = tpu.memref_slice %arg2[%dma_wait3A_174, %dma_wait3A_175, %dma_wait3A_176, %dma_wait3A_181, %dma_wait3A_182] : memref<8x40x3x192x192xf32, #tpu.memory_space<hbm>> -> memref<1x1x1x96x192xf32, #tpu.memory_space<hbm>>
        %dma_wait3A_184 = tpu.memref_squeeze %dma_wait3A_183 : memref<1x1x1x96x192xf32, #tpu.memory_space<hbm>> -> memref<96x192xf32, #tpu.memory_space<hbm>>
        tpu.wait_dma2 semaphore(%arg13 : memref<!tpu.dma_semaphore, #tpu.memory_space<semaphore_mem>>) src(%dma_wait3A_184 : memref<96x192xf32, #tpu.memory_space<hbm>>) dst(%arg7 : memref<96x192xf32, #tpu.memory_space<vmem>>)
        %dma_wait3A_185 = arith.constant 0 : i32
        %dma_wait3A_186 = arith.constant 0 : i32
        %dma_wait3A_187 = arith.constant 0 : i32
        %dma_wait3A_188 = arith.constant 0 : i32
        %dma_wait3A_189 = arith.constant 0 : i32
        %dma_wait3A_190 = tpu.memref_slice %arg3[%dma_wait3A_185, %dma_wait3A_186, %dma_wait3A_187, %dma_wait3A_188, %dma_wait3A_189] : memref<8x40x3x192x192xf32, #tpu.memory_space<hbm>> -> memref<1x1x1x96x192xf32, #tpu.memory_space<hbm>>
        %dma_wait3A_191 = tpu.memref_squeeze %dma_wait3A_190 : memref<1x1x1x96x192xf32, #tpu.memory_space<hbm>> -> memref<96x192xf32, #tpu.memory_space<hbm>>
        %dma_wait3A_192 = arith.constant 0 : i32
        %dma_wait3A_193 = arith.constant 0 : i32
        %dma_wait3A_194 = tpu.memref_slice %arg3[%dma_wait3A_185, %dma_wait3A_186, %dma_wait3A_187, %dma_wait3A_192, %dma_wait3A_193] : memref<8x40x3x192x192xf32, #tpu.memory_space<hbm>> -> memref<1x1x1x96x192xf32, #tpu.memory_space<hbm>>
        %dma_wait3A_195 = tpu.memref_squeeze %dma_wait3A_194 : memref<1x1x1x96x192xf32, #tpu.memory_space<hbm>> -> memref<96x192xf32, #tpu.memory_space<hbm>>
        tpu.wait_dma2 semaphore(%arg15 : memref<!tpu.dma_semaphore, #tpu.memory_space<semaphore_mem>>) src(%dma_wait3A_195 : memref<96x192xf32, #tpu.memory_space<hbm>>) dst(%arg9 : memref<96x192xf32, #tpu.memory_space<vmem>>)
      } else {
      }
      %broadcast_in_dim3A_155 = arith.constant 0.000000e+00 : f32
      %broadcast_in_dim3A_156 = vector.broadcast %broadcast_in_dim3A_155 : f32 to vector<16xf32>
      %scan3A_157 = arith.constant 0 : i32
      %scan3A_158 = arith.constant 96 : i32
      %scan3A_159 = arith.addi %scan3A_157, %scan3A_158 : i32
      %scan3A_160 = arith.constant 1 : i32
      %scan3A_161 = scf.for %scan3A_174 = %scan3A_157 to %scan3A_159 step %scan3A_160 iter_args(%scan3A_175 = %broadcast_in_dim3A_156) -> (vector<16xf32>)  : i32 {
        %get3A_176 = arith.index_cast %scan3A_174 : i32 to index
        %get3A_177 = arith.constant 0 : index
        %get3A_178 = tpu.vector_load %arg7[%get3A_176, %get3A_177] {strides = array<i32>} : memref<96x192xf32, #tpu.memory_space<vmem>>, vector<16xf32>,
        %get3A_179 = arith.index_cast %scan3A_174 : i32 to index
        %get3A_180 = arith.constant 0 : index
        %get3A_181 = tpu.vector_load %arg9[%get3A_179, %get3A_180] {strides = array<i32>} : memref<96x192xf32, #tpu.memory_space<vmem>>, vector<16xf32>,
        %sub3A_182 = arith.subf %get3A_178, %get3A_181 : vector<16xf32>
        %abs3A = math.absf %sub3A_182 : vector<16xf32>
        %add3A_183 = arith.addf %scan3A_175, %abs3A : vector<16xf32>
        %get3A_184 = arith.index_cast %scan3A_174 : i32 to index
        %get3A_185 = arith.constant 16 : index
        %get3A_186 = tpu.vector_load %arg7[%get3A_184, %get3A_185] {strides = array<i32>} : memref<96x192xf32, #tpu.memory_space<vmem>>, vector<16xf32>,
        %get3A_187 = arith.index_cast %scan3A_174 : i32 to index
        %get3A_188 = arith.constant 16 : index
        %get3A_189 = tpu.vector_load %arg9[%get3A_187, %get3A_188] {strides = array<i32>} : memref<96x192xf32, #tpu.memory_space<vmem>>, vector<16xf32>,
        %sub3A_190 = arith.subf %get3A_186, %get3A_189 : vector<16xf32>
        %abs3A_191 = math.absf %sub3A_190 : vector<16xf32>
        %add3A_192 = arith.addf %add3A_183, %abs3A_191 : vector<16xf32>
        %get3A_193 = arith.index_cast %scan3A_174 : i32 to index
        %get3A_194 = arith.constant 32 : index
        %get3A_195 = tpu.vector_load %arg7[%get3A_193, %get3A_194] {strides = array<i32>} : memref<96x192xf32, #tpu.memory_space<vmem>>, vector<16xf32>,
        %get3A_196 = arith.index_cast %scan3A_174 : i32 to index
        %get3A_197 = arith.constant 32 : index
        %get3A_198 = tpu.vector_load %arg9[%get3A_196, %get3A_197] {strides = array<i32>} : memref<96x192xf32, #tpu.memory_space<vmem>>, vector<16xf32>,
        %sub3A_199 = arith.subf %get3A_195, %get3A_198 : vector<16xf32>
        %abs3A_200 = math.absf %sub3A_199 : vector<16xf32>
        %add3A_201 = arith.addf %add3A_192, %abs3A_200 : vector<16xf32>
        %get3A_202 = arith.index_cast %scan3A_174 : i32 to index
        %get3A_203 = arith.constant 48 : index
        %get3A_204 = tpu.vector_load %arg7[%get3A_202, %get3A_203] {strides = array<i32>} : memref<96x192xf32, #tpu.memory_space<vmem>>, vector<16xf32>,
        %get3A_205 = arith.index_cast %scan3A_174 : i32 to index
        %get3A_206 = arith.constant 48 : index
        %get3A_207 = tpu.vector_load %arg9[%get3A_205, %get3A_206] {strides = array<i32>} : memref<96x192xf32, #tpu.memory_space<vmem>>, vector<16xf32>,
        %sub3A_208 = arith.subf %get3A_204, %get3A_207 : vector<16xf32>
        %abs3A_209 = math.absf %sub3A_208 : vector<16xf32>
        %add3A_210 = arith.addf %add3A_201, %abs3A_209 : vector<16xf32>
        %get3A_211 = arith.index_cast %scan3A_174 : i32 to index
        %get3A_212 = arith.constant 64 : index
        %get3A_213 = tpu.vector_load %arg7[%get3A_211, %get3A_212] {strides = array<i32>} : memref<96x192xf32, #tpu.memory_space<vmem>>, vector<16xf32>,
        %get3A_214 = arith.index_cast %scan3A_174 : i32 to index
        %get3A_215 = arith.constant 64 : index
        %get3A_216 = tpu.vector_load %arg9[%get3A_214, %get3A_215] {strides = array<i32>} : memref<96x192xf32, #tpu.memory_space<vmem>>, vector<16xf32>,
        %sub3A_217 = arith.subf %get3A_213, %get3A_216 : vector<16xf32>
        %abs3A_218 = math.absf %sub3A_217 : vector<16xf32>
        %add3A_219 = arith.addf %add3A_210, %abs3A_218 : vector<16xf32>
        %get3A_220 = arith.index_cast %scan3A_174 : i32 to index
        %get3A_221 = arith.constant 80 : index
        %get3A_222 = tpu.vector_load %arg7[%get3A_220, %get3A_221] {strides = array<i32>} : memref<96x192xf32, #tpu.memory_space<vmem>>, vector<16xf32>,
        %get3A_223 = arith.index_cast %scan3A_174 : i32 to index
        %get3A_224 = arith.constant 80 : index
        %get3A_225 = tpu.vector_load %arg9[%get3A_223, %get3A_224] {strides = array<i32>} : memref<96x192xf32, #tpu.memory_space<vmem>>, vector<16xf32>,
        %sub3A_226 = arith.subf %get3A_222, %get3A_225 : vector<16xf32>
        %abs3A_227 = math.absf %sub3A_226 : vector<16xf32>
        %add3A_228 = arith.addf %add3A_219, %abs3A_227 : vector<16xf32>
        %get3A_229 = arith.index_cast %scan3A_174 : i32 to index
        %get3A_230 = arith.constant 96 : index
        %get3A_231 = tpu.vector_load %arg7[%get3A_229, %get3A_230] {strides = array<i32>} : memref<96x192xf32, #tpu.memory_space<vmem>>, vector<16xf32>,
        %get3A_232 = arith.index_cast %scan3A_174 : i32 to index
        %get3A_233 = arith.constant 96 : index
        %get3A_234 = tpu.vector_load %arg9[%get3A_232, %get3A_233] {strides = array<i32>} : memref<96x192xf32, #tpu.memory_space<vmem>>, vector<16xf32>,
        %sub3A_235 = arith.subf %get3A_231, %get3A_234 : vector<16xf32>
        %abs3A_236 = math.absf %sub3A_235 : vector<16xf32>
        %add3A_237 = arith.addf %add3A_228, %abs3A_236 : vector<16xf32>
        %get3A_238 = arith.index_cast %scan3A_174 : i32 to index
        %get3A_239 = arith.constant 112 : index
        %get3A_240 = tpu.vector_load %arg7[%get3A_238, %get3A_239] {strides = array<i32>} : memref<96x192xf32, #tpu.memory_space<vmem>>, vector<16xf32>,
        %get3A_241 = arith.index_cast %scan3A_174 : i32 to index
        %get3A_242 = arith.constant 112 : index
        %get3A_243 = tpu.vector_load %arg9[%get3A_241, %get3A_242] {strides = array<i32>} : memref<96x192xf32, #tpu.memory_space<vmem>>, vector<16xf32>,
        %sub3A_244 = arith.subf %get3A_240, %get3A_243 : vector<16xf32>
        %abs3A_245 = math.absf %sub3A_244 : vector<16xf32>
        %add3A_246 = arith.addf %add3A_237, %abs3A_245 : vector<16xf32>
        %get3A_247 = arith.index_cast %scan3A_174 : i32 to index
        %get3A_248 = arith.constant 128 : index
        %get3A_249 = tpu.vector_load %arg7[%get3A_247, %get3A_248] {strides = array<i32>} : memref<96x192xf32, #tpu.memory_space<vmem>>, vector<16xf32>,
        %get3A_250 = arith.index_cast %scan3A_174 : i32 to index
        %get3A_251 = arith.constant 128 : index
        %get3A_252 = tpu.vector_load %arg9[%get3A_250, %get3A_251] {strides = array<i32>} : memref<96x192xf32, #tpu.memory_space<vmem>>, vector<16xf32>,
        %sub3A_253 = arith.subf %get3A_249, %get3A_252 : vector<16xf32>
        %abs3A_254 = math.absf %sub3A_253 : vector<16xf32>
        %add3A_255 = arith.addf %add3A_246, %abs3A_254 : vector<16xf32>
        %get3A_256 = arith.index_cast %scan3A_174 : i32 to index
        %get3A_257 = arith.constant 144 : index
        %get3A_258 = tpu.vector_load %arg7[%get3A_256, %get3A_257] {strides = array<i32>} : memref<96x192xf32, #tpu.memory_space<vmem>>, vector<16xf32>,
        %get3A_259 = arith.index_cast %scan3A_174 : i32 to index
        %get3A_260 = arith.constant 144 : index
        %get3A_261 = tpu.vector_load %arg9[%get3A_259, %get3A_260] {strides = array<i32>} : memref<96x192xf32, #tpu.memory_space<vmem>>, vector<16xf32>,
        %sub3A_262 = arith.subf %get3A_258, %get3A_261 : vector<16xf32>
        %abs3A_263 = math.absf %sub3A_262 : vector<16xf32>
        %add3A_264 = arith.addf %add3A_255, %abs3A_263 : vector<16xf32>
        %get3A_265 = arith.index_cast %scan3A_174 : i32 to index
        %get3A_266 = arith.constant 160 : index
        %get3A_267 = tpu.vector_load %arg7[%get3A_265, %get3A_266] {strides = array<i32>} : memref<96x192xf32, #tpu.memory_space<vmem>>, vector<16xf32>,
        %get3A_268 = arith.index_cast %scan3A_174 : i32 to index
        %get3A_269 = arith.constant 160 : index
        %get3A_270 = tpu.vector_load %arg9[%get3A_268, %get3A_269] {strides = array<i32>} : memref<96x192xf32, #tpu.memory_space<vmem>>, vector<16xf32>,
        %sub3A_271 = arith.subf %get3A_267, %get3A_270 : vector<16xf32>
        %abs3A_272 = math.absf %sub3A_271 : vector<16xf32>
        %add3A_273 = arith.addf %add3A_264, %abs3A_272 : vector<16xf32>
        %get3A_274 = arith.index_cast %scan3A_174 : i32 to index
        %get3A_275 = arith.constant 176 : index
        %get3A_276 = tpu.vector_load %arg7[%get3A_274, %get3A_275] {strides = array<i32>} : memref<96x192xf32, #tpu.memory_space<vmem>>, vector<16xf32>,
        %get3A_277 = arith.index_cast %scan3A_174 : i32 to index
        %get3A_278 = arith.constant 176 : index
        %get3A_279 = tpu.vector_load %arg9[%get3A_277, %get3A_278] {strides = array<i32>} : memref<96x192xf32, #tpu.memory_space<vmem>>, vector<16xf32>,
        %sub3A_280 = arith.subf %get3A_276, %get3A_279 : vector<16xf32>
        %abs3A_281 = math.absf %sub3A_280 : vector<16xf32>
        %add3A_282 = arith.addf %add3A_273, %abs3A_281 : vector<16xf32>
        scf.yield %add3A_282 : vector<16xf32>
      }
      %scan3A_162 = arith.constant 96 : i32
      %lt3A_163 = arith.cmpi slt, %add3A_115, %mul3A_63 : i32
      %jit3A_164 = arith.constant 0.000000e+00 : f32
      %broadcast_in_dim3A_165 = vector.broadcast %jit3A_164 : f32 to vector<16xf32>
      %select_n3A_166 = arith.select %lt3A_163, %scan3A_161, %broadcast_in_dim3A_165 : vector<16xf32>
      %add3A_167 = arith.addf %add3A_144, %select_n3A_166 : vector<16xf32>
      %add3A_168 = arith.constant 2 : i32
      %add3A_169 = arith.addi %add3A_115, %add3A_168 : i32
      %lt3A_170 = arith.cmpi slt, %add3A_169, %mul3A_63 : i32
      %convert_element_type3A_171 = arith.extui %lt3A_170 : i1 to i32
      %cond3A_172 = arith.constant 0 : i32
      %cond3A_173 = arith.cmpi ne, %convert_element_type3A_171, %cond3A_172 : i32
      scf.if %cond3A_173 {
        %add3A_174 = arith.constant 2 : i32
        %add3A_175 = arith.addi %add3A_115, %add3A_174 : i32
        %jit3A_176 = arith.constant 6 : i32
        %div3A_177 = arith.divsi %add3A_175, %jit3A_176 : i32
        %sign3A_178 = arith.constant 0 : i32
        %sign3A_179 = arith.cmpi sgt, %add3A_175, %sign3A_178 : i32
        %sign3A_180 = arith.extui %sign3A_179 : i1 to i32
        %sign3A_181 = arith.constant 0 : i32
        %sign3A_182 = arith.cmpi slt, %add3A_175, %sign3A_181 : i32
        %sign3A_183 = arith.extui %sign3A_182 : i1 to i32
        %sign3A_184 = arith.subi %sign3A_180, %sign3A_183 : i32
        %sign3A_185 = arith.constant 0 : i32
        %sign3A_186 = arith.cmpi sgt, %jit3A_176, %sign3A_185 : i32
        %sign3A_187 = arith.extui %sign3A_186 : i1 to i32
        %sign3A_188 = arith.constant 0 : i32
        %sign3A_189 = arith.cmpi slt, %jit3A_176, %sign3A_188 : i32
        %sign3A_190 = arith.extui %sign3A_189 : i1 to i32
        %sign3A_191 = arith.subi %sign3A_187, %sign3A_190 : i32
        %ne3A_192 = arith.cmpi ne, %sign3A_184, %sign3A_191 : i32
        %rem3A_193 = arith.remsi %add3A_175, %jit3A_176 : i32
        %ne3A_194 = arith.constant 0 : i32
        %ne3A_195 = arith.cmpi ne, %rem3A_193, %ne3A_194 : i32
        %and3A_196 = arith.andi %ne3A_192, %ne3A_195 : i1
        %sub3A_197 = arith.constant 1 : i32
        %sub3A_198 = arith.subi %div3A_177, %sub3A_197 : i32
        %select_n3A_199 = arith.select %and3A_196, %sub3A_198, %div3A_177 : i32
        %mul3A_200 = arith.constant 6 : i32
        %mul3A_201 = arith.muli %select_n3A_199, %mul3A_200 : i32
        %sub3A_202 = arith.subi %add3A_175, %mul3A_201 : i32
        %mul3A_203 = arith.constant 32 : i32
        %mul3A_204 = arith.muli %mul3A_203, %select_n3A_199 : i32
        %add3A_205 = arith.addi %add3A, %mul3A_204 : i32
        %le3A = vector.broadcast %add3A_205 : i32 to vector<16xi32>
        %le3A_206 = arith.cmpi sle, %masked_cumsum3A, %le3A : vector<16xi32>
        %convert_element_type3A_207 = arith.extui %le3A_206 : vector<16xi1> to vector<16xi32>
        %reduce_sum3A = arith.constant true
        %reduce_sum3A_208 = vector.broadcast %reduce_sum3A : i1 to vector<16xi1>
        %reduce_sum3A_209 = tpu.scan <sum>, %convert_element_type3A_207 masked %reduce_sum3A_208 : vector<16xi32>, vector<16xi1> -> vector<16xi32>
        %reduce_sum3A_210 = vector.extract %reduce_sum3A_209[15] : i32 from vector<16xi32>
        %eq3A = vector.broadcast %reduce_sum3A_210 : i32 to vector<16xi32>
        %eq3A_211 = arith.cmpi eq, %iota3A, %eq3A : vector<16xi32>
        %jit3A_212 = arith.constant 0 : i32
        %broadcast_in_dim3A_213 = vector.broadcast %jit3A_212 : i32 to vector<16xi32>
        %select_n3A_214 = arith.select %eq3A_211, %sub3A, %broadcast_in_dim3A_213 : vector<16xi1>, vector<16xi32>
        %reduce_sum3A_215 = arith.constant true
        %reduce_sum3A_216 = vector.broadcast %reduce_sum3A_215 : i1 to vector<16xi1>
        %reduce_sum3A_217 = tpu.scan <sum>, %select_n3A_214 masked %reduce_sum3A_216 : vector<16xi32>, vector<16xi1> -> vector<16xi32>
        %reduce_sum3A_218 = vector.extract %reduce_sum3A_217[15] : i32 from vector<16xi32>
        %sub3A_219 = arith.subi %add3A_205, %reduce_sum3A_218 : i32
        %jit3A_220 = arith.constant 2 : i32
        %div3A_221 = arith.divsi %sub3A_202, %jit3A_220 : i32
        %sign3A_222 = arith.constant 0 : i32
        %sign3A_223 = arith.cmpi sgt, %sub3A_202, %sign3A_222 : i32
        %sign3A_224 = arith.extui %sign3A_223 : i1 to i32
        %sign3A_225 = arith.constant 0 : i32
        %sign3A_226 = arith.cmpi slt, %sub3A_202, %sign3A_225 : i32
        %sign3A_227 = arith.extui %sign3A_226 : i1 to i32
        %sign3A_228 = arith.subi %sign3A_224, %sign3A_227 : i32
        %sign3A_229 = arith.constant 0 : i32
        %sign3A_230 = arith.cmpi sgt, %jit3A_220, %sign3A_229 : i32
        %sign3A_231 = arith.extui %sign3A_230 : i1 to i32
        %sign3A_232 = arith.constant 0 : i32
        %sign3A_233 = arith.cmpi slt, %jit3A_220, %sign3A_232 : i32
        %sign3A_234 = arith.extui %sign3A_233 : i1 to i32
        %sign3A_235 = arith.subi %sign3A_231, %sign3A_234 : i32
        %ne3A_236 = arith.cmpi ne, %sign3A_228, %sign3A_235 : i32
        %rem3A_237 = arith.remsi %sub3A_202, %jit3A_220 : i32
        %ne3A_238 = arith.constant 0 : i32
        %ne3A_239 = arith.cmpi ne, %rem3A_237, %ne3A_238 : i32
        %and3A_240 = arith.andi %ne3A_236, %ne3A_239 : i1
        %sub3A_241 = arith.constant 1 : i32
        %sub3A_242 = arith.subi %div3A_221, %sub3A_241 : i32
        %select_n3A_243 = arith.select %and3A_240, %sub3A_242, %div3A_221 : i32
        %mul3A_244 = arith.constant 2 : i32
        %mul3A_245 = arith.muli %mul3A_244, %select_n3A_243 : i32
        %sub3A_246 = arith.subi %sub3A_202, %mul3A_245 : i32
        %mul3A_247 = arith.constant 96 : i32
        %mul3A_248 = arith.muli %sub3A_246, %mul3A_247 : i32
        %dma_start3A = arith.constant 0 : i32
        %dma_start3A_249 = tpu.memref_slice %arg2[%reduce_sum3A_210, %sub3A_219, %select_n3A_243, %mul3A_248, %dma_start3A] : memref<8x40x3x192x192xf32, #tpu.memory_space<hbm>> -> memref<1x1x1x96x192xf32, #tpu.memory_space<hbm>>
        %dma_start3A_250 = tpu.memref_squeeze %dma_start3A_249 : memref<1x1x1x96x192xf32, #tpu.memory_space<hbm>> -> memref<96x192xf32, #tpu.memory_space<hbm>>
        %dma_start3A_251 = arith.constant 0 : i32
        %dma_start3A_252 = tpu.memref_slice %arg2[%reduce_sum3A_210, %sub3A_219, %select_n3A_243, %mul3A_248, %dma_start3A_251] : memref<8x40x3x192x192xf32, #tpu.memory_space<hbm>> -> memref<1x1x1x96x192xf32, #tpu.memory_space<hbm>>
        %dma_start3A_253 = tpu.memref_squeeze %dma_start3A_252 : memref<1x1x1x96x192xf32, #tpu.memory_space<hbm>> -> memref<96x192xf32, #tpu.memory_space<hbm>>
        tpu.enqueue_dma source(%dma_start3A_253 : memref<96x192xf32, #tpu.memory_space<hbm>>) target(%arg7 : memref<96x192xf32, #tpu.memory_space<vmem>>) target_semaphore(%arg13 : memref<!tpu.dma_semaphore, #tpu.memory_space<semaphore_mem>>)
        %dma_start3A_254 = arith.constant 0 : i32
        %dma_start3A_255 = tpu.memref_slice %arg3[%reduce_sum3A_210, %sub3A_219, %select_n3A_243, %mul3A_248, %dma_start3A_254] : memref<8x40x3x192x192xf32, #tpu.memory_space<hbm>> -> memref<1x1x1x96x192xf32, #tpu.memory_space<hbm>>
        %dma_start3A_256 = tpu.memref_squeeze %dma_start3A_255 : memref<1x1x1x96x192xf32, #tpu.memory_space<hbm>> -> memref<96x192xf32, #tpu.memory_space<hbm>>
        %dma_start3A_257 = arith.constant 0 : i32
        %dma_start3A_258 = tpu.memref_slice %arg3[%reduce_sum3A_210, %sub3A_219, %select_n3A_243, %mul3A_248, %dma_start3A_257] : memref<8x40x3x192x192xf32, #tpu.memory_space<hbm>> -> memref<1x1x1x96x192xf32, #tpu.memory_space<hbm>>
        %dma_start3A_259 = tpu.memref_squeeze %dma_start3A_258 : memref<1x1x1x96x192xf32, #tpu.memory_space<hbm>> -> memref<96x192xf32, #tpu.memory_space<hbm>>
        tpu.enqueue_dma source(%dma_start3A_259 : memref<96x192xf32, #tpu.memory_space<hbm>>) target(%arg9 : memref<96x192xf32, #tpu.memory_space<vmem>>) target_semaphore(%arg15 : memref<!tpu.dma_semaphore, #tpu.memory_space<semaphore_mem>>)
      } else {
      }
      scf.yield %add3A_167 : vector<16xf32>
    }
    %swap3A = arith.constant 0 : index
    %swap3A_109 = tpu.vector_load %arg11[%swap3A] {strides = array<i32>} : memref<16xf32, #tpu.memory_space<vmem>>, vector<16xf32>,
    tpu.vector_store %arg11[%swap3A], %while3A_108 {strides = array<i32>} : memref<16xf32, #tpu.memory_space<vmem>>, vector<16xf32>,
    "tpu.region"() ({
      %run_scoped3A = tpu.sem_alloc : memref<!tpu.dma_semaphore, #tpu.memory_space<semaphore_mem>>
      %dma_start3A = arith.constant 0 : i32
      %dma_start3A_110 = tpu.memref_slice %arg5[%add3A, %dma_start3A] : memref<32x16xf32, #tpu.memory_space<hbm>> -> memref<1x16xf32, #tpu.memory_space<hbm>>
      %dma_start3A_111 = tpu.memref_squeeze %dma_start3A_110 : memref<1x16xf32, #tpu.memory_space<hbm>> -> memref<16xf32, #tpu.memory_space<hbm>>
      %dma_start3A_112 = arith.constant 0 : i32
      %dma_start3A_113 = tpu.memref_slice %arg5[%add3A, %dma_start3A_112] : memref<32x16xf32, #tpu.memory_space<hbm>> -> memref<1x16xf32, #tpu.memory_space<hbm>>
      %dma_start3A_114 = tpu.memref_squeeze %dma_start3A_113 : memref<1x16xf32, #tpu.memory_space<hbm>> -> memref<16xf32, #tpu.memory_space<hbm>>
      tpu.enqueue_dma source(%arg11 : memref<16xf32, #tpu.memory_space<vmem>>) target(%dma_start3A_114 : memref<16xf32, #tpu.memory_space<hbm>>) target_semaphore(%run_scoped3A : memref<!tpu.dma_semaphore, #tpu.memory_space<semaphore_mem>>)
      %dma_wait3A = arith.constant 0 : i32
      %dma_wait3A_115 = tpu.memref_slice %arg5[%add3A, %dma_wait3A] : memref<32x16xf32, #tpu.memory_space<hbm>> -> memref<1x16xf32, #tpu.memory_space<hbm>>
      %dma_wait3A_116 = tpu.memref_squeeze %dma_wait3A_115 : memref<1x16xf32, #tpu.memory_space<hbm>> -> memref<16xf32, #tpu.memory_space<hbm>>
      %dma_wait3A_117 = arith.constant 0 : i32
      %dma_wait3A_118 = tpu.memref_slice %arg5[%add3A, %dma_wait3A_117] : memref<32x16xf32, #tpu.memory_space<hbm>> -> memref<1x16xf32, #tpu.memory_space<hbm>>
      %dma_wait3A_119 = tpu.memref_squeeze %dma_wait3A_118 : memref<1x16xf32, #tpu.memory_space<hbm>> -> memref<16xf32, #tpu.memory_space<hbm>>
      tpu.wait_dma2 semaphore(%run_scoped3A : memref<!tpu.dma_semaphore, #tpu.memory_space<semaphore_mem>>) src(%arg11 : memref<16xf32, #tpu.memory_space<vmem>>) dst(%dma_wait3A_119 : memref<16xf32, #tpu.memory_space<hbm>>)
      tpu.yield
    }) : () -> ()
    return
  }
}

module attributes {stable_mosaic.version = 14 : i64} {
  func.func @_tc_body(%arg0: i32, %arg1: memref<8xi32, #tpu.memory_space<smem>>, %arg2: memref<8x40x3x192x192xf32, #tpu.memory_space<hbm>>, %arg3: memref<8x40x3x192x192xf32, #tpu.memory_space<hbm>>, %arg4: memref<1x1xf32, #tpu.memory_space<smem>>, %arg5: memref<3x192x192xf32, #tpu.memory_space<vmem>>, %arg6: memref<3x192x192xf32, #tpu.memory_space<vmem>>, %arg7: memref<3x192x192xf32, #tpu.memory_space<vmem>>, %arg8: memref<3x192x192xf32, #tpu.memory_space<vmem>>, %arg9: memref<3x192x192xf32, #tpu.memory_space<vmem>>, %arg10: memref<3x192x192xf32, #tpu.memory_space<vmem>>, %arg11: memref<3x192x192xf32, #tpu.memory_space<vmem>>, %arg12: memref<3x192x192xf32, #tpu.memory_space<vmem>>, %arg13: memref<3x192x192xf32, #tpu.memory_space<vmem>>, %arg14: memref<3x192x192xf32, #tpu.memory_space<vmem>>, %arg15: memref<3x192x192xf32, #tpu.memory_space<vmem>>, %arg16: memref<3x192x192xf32, #tpu.memory_space<vmem>>, %arg17: memref<3x192x192xf32, #tpu.memory_space<vmem>>, %arg18: memref<3x192x192xf32, #tpu.memory_space<vmem>>, %arg19: memref<3x192x192xf32, #tpu.memory_space<vmem>>, %arg20: memref<3x192x192xf32, #tpu.memory_space<vmem>>, %arg21: memref<!tpu.dma_semaphore, #tpu.memory_space<semaphore_mem>>, %arg22: memref<!tpu.dma_semaphore, #tpu.memory_space<semaphore_mem>>, %arg23: memref<!tpu.dma_semaphore, #tpu.memory_space<semaphore_mem>>, %arg24: memref<!tpu.dma_semaphore, #tpu.memory_space<semaphore_mem>>, %arg25: memref<!tpu.dma_semaphore, #tpu.memory_space<semaphore_mem>>, %arg26: memref<!tpu.dma_semaphore, #tpu.memory_space<semaphore_mem>>, %arg27: memref<!tpu.dma_semaphore, #tpu.memory_space<semaphore_mem>>, %arg28: memref<!tpu.dma_semaphore, #tpu.memory_space<semaphore_mem>>, %arg29: memref<!tpu.dma_semaphore, #tpu.memory_space<semaphore_mem>>, %arg30: memref<!tpu.dma_semaphore, #tpu.memory_space<semaphore_mem>>, %arg31: memref<!tpu.dma_semaphore, #tpu.memory_space<semaphore_mem>>, %arg32: memref<!tpu.dma_semaphore, #tpu.memory_space<semaphore_mem>>, %arg33: memref<!tpu.dma_semaphore, #tpu.memory_space<semaphore_mem>>, %arg34: memref<!tpu.dma_semaphore, #tpu.memory_space<semaphore_mem>>, %arg35: memref<!tpu.dma_semaphore, #tpu.memory_space<semaphore_mem>>, %arg36: memref<!tpu.dma_semaphore, #tpu.memory_space<semaphore_mem>>) attributes {dimension_semantics = [#tpu.dimension_semantics<arbitrary>], iteration_bounds = array<i64: 1>, scalar_prefetch = 0 : i64, scratch_operands = 32 : i64, tpu.core_type = #tpu.core_type<tc>, window_params = [{transform_indices = @transform_0, window_bounds = array<i64: 8>}, {}, {}, {transform_indices = @transform_3, window_bounds = array<i64: 1, 1>}]} {
    %scan3A = arith.constant 0 : i32
    %scan3A_0 = arith.constant 0 : i32
    %scan3A_1 = arith.constant 8 : i32
    %scan3A_2 = arith.addi %scan3A_0, %scan3A_1 : i32
    %scan3A_3 = arith.constant 1 : i32
    %scan3A_4 = scf.for %scan3A_105 = %scan3A_0 to %scan3A_2 step %scan3A_3 iter_args(%scan3A_106 = %scan3A) -> (i32)  : i32 {
      %get3A = arith.index_cast %scan3A_105 : i32 to index
      %get3A_107 = memref.load %arg1[%get3A] : memref<8xi32, #tpu.memory_space<smem>>
      %add3A_108 = arith.addi %scan3A_106, %get3A_107 : i32
      scf.yield %add3A_108 : i32
    }
    %scan3A_5 = arith.constant 8 : i32
    %mul3A = arith.constant 9 : i32
    %mul3A_6 = arith.muli %scan3A_4, %mul3A : i32
    %jit3A = arith.constant 32 : i32
    %div3A = arith.divsi %mul3A_6, %jit3A : i32
    %sign3A = arith.constant 0 : i32
    %sign3A_7 = arith.cmpi sgt, %mul3A_6, %sign3A : i32
    %sign3A_8 = arith.extui %sign3A_7 : i1 to i32
    %sign3A_9 = arith.constant 0 : i32
    %sign3A_10 = arith.cmpi slt, %mul3A_6, %sign3A_9 : i32
    %sign3A_11 = arith.extui %sign3A_10 : i1 to i32
    %sign3A_12 = arith.subi %sign3A_8, %sign3A_11 : i32
    %sign3A_13 = arith.constant 0 : i32
    %sign3A_14 = arith.cmpi sgt, %jit3A, %sign3A_13 : i32
    %sign3A_15 = arith.extui %sign3A_14 : i1 to i32
    %sign3A_16 = arith.constant 0 : i32
    %sign3A_17 = arith.cmpi slt, %jit3A, %sign3A_16 : i32
    %sign3A_18 = arith.extui %sign3A_17 : i1 to i32
    %sign3A_19 = arith.subi %sign3A_15, %sign3A_18 : i32
    %ne3A = arith.cmpi ne, %sign3A_12, %sign3A_19 : i32
    %rem3A = arith.remsi %mul3A_6, %jit3A : i32
    %ne3A_20 = arith.constant 0 : i32
    %ne3A_21 = arith.cmpi ne, %rem3A, %ne3A_20 : i32
    %and3A = arith.andi %ne3A, %ne3A_21 : i1
    %sub3A = arith.constant 1 : i32
    %sub3A_22 = arith.subi %div3A, %sub3A : i32
    %select_n3A = arith.select %and3A, %sub3A_22, %div3A : i32
    %sub3A_23 = arith.subi %scan3A_4, %select_n3A : i32
    %gt3A = arith.constant 0 : i32
    %gt3A_24 = arith.cmpi sgt, %sub3A_23, %gt3A : i32
    %convert_element_type3A = arith.extui %gt3A_24 : i1 to i32
    %cond3A = arith.constant 0 : i32
    %cond3A_25 = arith.cmpi ne, %convert_element_type3A, %cond3A : i32
    scf.if %cond3A_25 {
      %add3A_105 = arith.constant 0 : i32
      %add3A_106 = arith.addi %select_n3A, %add3A_105 : i32
      %scan3A_107 = arith.constant 0 : i32
      %scan3A_108 = arith.constant 0 : i32
      %scan3A_109 = arith.constant 0 : i32
      %scan3A_110 = arith.constant 0 : i32
      %scan3A_111 = arith.constant 8 : i32
      %scan3A_112 = arith.addi %scan3A_110, %scan3A_111 : i32
      %scan3A_113 = arith.constant 1 : i32
      %scan3A_114:3 = scf.for %scan3A_126 = %scan3A_110 to %scan3A_112 step %scan3A_113 iter_args(%scan3A_127 = %scan3A_107, %scan3A_128 = %scan3A_108, %scan3A_129 = %scan3A_109) -> (i32, i32, i32)  : i32 {
        %get3A = arith.index_cast %scan3A_126 : i32 to index
        %get3A_130 = memref.load %arg1[%get3A] : memref<8xi32, #tpu.memory_space<smem>>
        %add3A_131 = arith.addi %scan3A_128, %get3A_130 : i32
        %le3A = arith.cmpi sle, %add3A_131, %add3A_106 : i32
        %add3A_132 = arith.constant 1 : i32
        %add3A_133 = arith.addi %scan3A_127, %add3A_132 : i32
        %select_n3A_134 = arith.select %le3A, %add3A_133, %scan3A_127 : i32
        %select_n3A_135 = arith.select %le3A, %add3A_131, %scan3A_129 : i32
        scf.yield %select_n3A_134, %add3A_131, %select_n3A_135 : i32, i32, i32
      }
      %scan3A_115 = arith.constant 8 : i32
      %sub3A_116 = arith.subi %add3A_106, %scan3A_114#2 : i32
      %dma_start3A = arith.constant 0 : i32
      %dma_start3A_117 = arith.constant 0 : i32
      %dma_start3A_118 = arith.constant 0 : i32
      %dma_start3A_119 = tpu.memref_slice %arg2[%scan3A_114#0, %sub3A_116, %dma_start3A, %dma_start3A_117, %dma_start3A_118] : memref<8x40x3x192x192xf32, #tpu.memory_space<hbm>> -> memref<1x1x3x192x192xf32, #tpu.memory_space<hbm>>
      %dma_start3A_120 = tpu.memref_squeeze %dma_start3A_119 : memref<1x1x3x192x192xf32, #tpu.memory_space<hbm>> -> memref<3x192x192xf32, #tpu.memory_space<hbm>>
      tpu.enqueue_dma source(%dma_start3A_120 : memref<3x192x192xf32, #tpu.memory_space<hbm>>) target(%arg5 : memref<3x192x192xf32, #tpu.memory_space<vmem>>) target_semaphore(%arg21 : memref<!tpu.dma_semaphore, #tpu.memory_space<semaphore_mem>>)
      %dma_start3A_121 = arith.constant 0 : i32
      %dma_start3A_122 = arith.constant 0 : i32
      %dma_start3A_123 = arith.constant 0 : i32
      %dma_start3A_124 = tpu.memref_slice %arg3[%scan3A_114#0, %sub3A_116, %dma_start3A_121, %dma_start3A_122, %dma_start3A_123] : memref<8x40x3x192x192xf32, #tpu.memory_space<hbm>> -> memref<1x1x3x192x192xf32, #tpu.memory_space<hbm>>
      %dma_start3A_125 = tpu.memref_squeeze %dma_start3A_124 : memref<1x1x3x192x192xf32, #tpu.memory_space<hbm>> -> memref<3x192x192xf32, #tpu.memory_space<hbm>>
      tpu.enqueue_dma source(%dma_start3A_125 : memref<3x192x192xf32, #tpu.memory_space<hbm>>) target(%arg13 : memref<3x192x192xf32, #tpu.memory_space<vmem>>) target_semaphore(%arg29 : memref<!tpu.dma_semaphore, #tpu.memory_space<semaphore_mem>>)
    } else {
    }
    %gt3A_26 = arith.constant 1 : i32
    %gt3A_27 = arith.cmpi sgt, %sub3A_23, %gt3A_26 : i32
    %convert_element_type3A_28 = arith.extui %gt3A_27 : i1 to i32
    %cond3A_29 = arith.constant 0 : i32
    %cond3A_30 = arith.cmpi ne, %convert_element_type3A_28, %cond3A_29 : i32
    scf.if %cond3A_30 {
      %add3A_105 = arith.constant 1 : i32
      %add3A_106 = arith.addi %select_n3A, %add3A_105 : i32
      %scan3A_107 = arith.constant 0 : i32
      %scan3A_108 = arith.constant 0 : i32
      %scan3A_109 = arith.constant 0 : i32
      %scan3A_110 = arith.constant 0 : i32
      %scan3A_111 = arith.constant 8 : i32
      %scan3A_112 = arith.addi %scan3A_110, %scan3A_111 : i32
      %scan3A_113 = arith.constant 1 : i32
      %scan3A_114:3 = scf.for %scan3A_126 = %scan3A_110 to %scan3A_112 step %scan3A_113 iter_args(%scan3A_127 = %scan3A_107, %scan3A_128 = %scan3A_108, %scan3A_129 = %scan3A_109) -> (i32, i32, i32)  : i32 {
        %get3A = arith.index_cast %scan3A_126 : i32 to index
        %get3A_130 = memref.load %arg1[%get3A] : memref<8xi32, #tpu.memory_space<smem>>
        %add3A_131 = arith.addi %scan3A_128, %get3A_130 : i32
        %le3A = arith.cmpi sle, %add3A_131, %add3A_106 : i32
        %add3A_132 = arith.constant 1 : i32
        %add3A_133 = arith.addi %scan3A_127, %add3A_132 : i32
        %select_n3A_134 = arith.select %le3A, %add3A_133, %scan3A_127 : i32
        %select_n3A_135 = arith.select %le3A, %add3A_131, %scan3A_129 : i32
        scf.yield %select_n3A_134, %add3A_131, %select_n3A_135 : i32, i32, i32
      }
      %scan3A_115 = arith.constant 8 : i32
      %sub3A_116 = arith.subi %add3A_106, %scan3A_114#2 : i32
      %dma_start3A = arith.constant 0 : i32
      %dma_start3A_117 = arith.constant 0 : i32
      %dma_start3A_118 = arith.constant 0 : i32
      %dma_start3A_119 = tpu.memref_slice %arg2[%scan3A_114#0, %sub3A_116, %dma_start3A, %dma_start3A_117, %dma_start3A_118] : memref<8x40x3x192x192xf32, #tpu.memory_space<hbm>> -> memref<1x1x3x192x192xf32, #tpu.memory_space<hbm>>
      %dma_start3A_120 = tpu.memref_squeeze %dma_start3A_119 : memref<1x1x3x192x192xf32, #tpu.memory_space<hbm>> -> memref<3x192x192xf32, #tpu.memory_space<hbm>>
      tpu.enqueue_dma source(%dma_start3A_120 : memref<3x192x192xf32, #tpu.memory_space<hbm>>) target(%arg6 : memref<3x192x192xf32, #tpu.memory_space<vmem>>) target_semaphore(%arg22 : memref<!tpu.dma_semaphore, #tpu.memory_space<semaphore_mem>>)
      %dma_start3A_121 = arith.constant 0 : i32
      %dma_start3A_122 = arith.constant 0 : i32
      %dma_start3A_123 = arith.constant 0 : i32
      %dma_start3A_124 = tpu.memref_slice %arg3[%scan3A_114#0, %sub3A_116, %dma_start3A_121, %dma_start3A_122, %dma_start3A_123] : memref<8x40x3x192x192xf32, #tpu.memory_space<hbm>> -> memref<1x1x3x192x192xf32, #tpu.memory_space<hbm>>
      %dma_start3A_125 = tpu.memref_squeeze %dma_start3A_124 : memref<1x1x3x192x192xf32, #tpu.memory_space<hbm>> -> memref<3x192x192xf32, #tpu.memory_space<hbm>>
      tpu.enqueue_dma source(%dma_start3A_125 : memref<3x192x192xf32, #tpu.memory_space<hbm>>) target(%arg14 : memref<3x192x192xf32, #tpu.memory_space<vmem>>) target_semaphore(%arg30 : memref<!tpu.dma_semaphore, #tpu.memory_space<semaphore_mem>>)
    } else {
    }
    %gt3A_31 = arith.constant 2 : i32
    %gt3A_32 = arith.cmpi sgt, %sub3A_23, %gt3A_31 : i32
    %convert_element_type3A_33 = arith.extui %gt3A_32 : i1 to i32
    %cond3A_34 = arith.constant 0 : i32
    %cond3A_35 = arith.cmpi ne, %convert_element_type3A_33, %cond3A_34 : i32
    scf.if %cond3A_35 {
      %add3A_105 = arith.constant 2 : i32
      %add3A_106 = arith.addi %select_n3A, %add3A_105 : i32
      %scan3A_107 = arith.constant 0 : i32
      %scan3A_108 = arith.constant 0 : i32
      %scan3A_109 = arith.constant 0 : i32
      %scan3A_110 = arith.constant 0 : i32
      %scan3A_111 = arith.constant 8 : i32
      %scan3A_112 = arith.addi %scan3A_110, %scan3A_111 : i32
      %scan3A_113 = arith.constant 1 : i32
      %scan3A_114:3 = scf.for %scan3A_126 = %scan3A_110 to %scan3A_112 step %scan3A_113 iter_args(%scan3A_127 = %scan3A_107, %scan3A_128 = %scan3A_108, %scan3A_129 = %scan3A_109) -> (i32, i32, i32)  : i32 {
        %get3A = arith.index_cast %scan3A_126 : i32 to index
        %get3A_130 = memref.load %arg1[%get3A] : memref<8xi32, #tpu.memory_space<smem>>
        %add3A_131 = arith.addi %scan3A_128, %get3A_130 : i32
        %le3A = arith.cmpi sle, %add3A_131, %add3A_106 : i32
        %add3A_132 = arith.constant 1 : i32
        %add3A_133 = arith.addi %scan3A_127, %add3A_132 : i32
        %select_n3A_134 = arith.select %le3A, %add3A_133, %scan3A_127 : i32
        %select_n3A_135 = arith.select %le3A, %add3A_131, %scan3A_129 : i32
        scf.yield %select_n3A_134, %add3A_131, %select_n3A_135 : i32, i32, i32
      }
      %scan3A_115 = arith.constant 8 : i32
      %sub3A_116 = arith.subi %add3A_106, %scan3A_114#2 : i32
      %dma_start3A = arith.constant 0 : i32
      %dma_start3A_117 = arith.constant 0 : i32
      %dma_start3A_118 = arith.constant 0 : i32
      %dma_start3A_119 = tpu.memref_slice %arg2[%scan3A_114#0, %sub3A_116, %dma_start3A, %dma_start3A_117, %dma_start3A_118] : memref<8x40x3x192x192xf32, #tpu.memory_space<hbm>> -> memref<1x1x3x192x192xf32, #tpu.memory_space<hbm>>
      %dma_start3A_120 = tpu.memref_squeeze %dma_start3A_119 : memref<1x1x3x192x192xf32, #tpu.memory_space<hbm>> -> memref<3x192x192xf32, #tpu.memory_space<hbm>>
      tpu.enqueue_dma source(%dma_start3A_120 : memref<3x192x192xf32, #tpu.memory_space<hbm>>) target(%arg7 : memref<3x192x192xf32, #tpu.memory_space<vmem>>) target_semaphore(%arg23 : memref<!tpu.dma_semaphore, #tpu.memory_space<semaphore_mem>>)
      %dma_start3A_121 = arith.constant 0 : i32
      %dma_start3A_122 = arith.constant 0 : i32
      %dma_start3A_123 = arith.constant 0 : i32
      %dma_start3A_124 = tpu.memref_slice %arg3[%scan3A_114#0, %sub3A_116, %dma_start3A_121, %dma_start3A_122, %dma_start3A_123] : memref<8x40x3x192x192xf32, #tpu.memory_space<hbm>> -> memref<1x1x3x192x192xf32, #tpu.memory_space<hbm>>
      %dma_start3A_125 = tpu.memref_squeeze %dma_start3A_124 : memref<1x1x3x192x192xf32, #tpu.memory_space<hbm>> -> memref<3x192x192xf32, #tpu.memory_space<hbm>>
      tpu.enqueue_dma source(%dma_start3A_125 : memref<3x192x192xf32, #tpu.memory_space<hbm>>) target(%arg15 : memref<3x192x192xf32, #tpu.memory_space<vmem>>) target_semaphore(%arg31 : memref<!tpu.dma_semaphore, #tpu.memory_space<semaphore_mem>>)
    } else {
    }
    %gt3A_36 = arith.constant 3 : i32
    %gt3A_37 = arith.cmpi sgt, %sub3A_23, %gt3A_36 : i32
    %convert_element_type3A_38 = arith.extui %gt3A_37 : i1 to i32
    %cond3A_39 = arith.constant 0 : i32
    %cond3A_40 = arith.cmpi ne, %convert_element_type3A_38, %cond3A_39 : i32
    scf.if %cond3A_40 {
      %add3A_105 = arith.constant 3 : i32
      %add3A_106 = arith.addi %select_n3A, %add3A_105 : i32
      %scan3A_107 = arith.constant 0 : i32
      %scan3A_108 = arith.constant 0 : i32
      %scan3A_109 = arith.constant 0 : i32
      %scan3A_110 = arith.constant 0 : i32
      %scan3A_111 = arith.constant 8 : i32
      %scan3A_112 = arith.addi %scan3A_110, %scan3A_111 : i32
      %scan3A_113 = arith.constant 1 : i32
      %scan3A_114:3 = scf.for %scan3A_126 = %scan3A_110 to %scan3A_112 step %scan3A_113 iter_args(%scan3A_127 = %scan3A_107, %scan3A_128 = %scan3A_108, %scan3A_129 = %scan3A_109) -> (i32, i32, i32)  : i32 {
        %get3A = arith.index_cast %scan3A_126 : i32 to index
        %get3A_130 = memref.load %arg1[%get3A] : memref<8xi32, #tpu.memory_space<smem>>
        %add3A_131 = arith.addi %scan3A_128, %get3A_130 : i32
        %le3A = arith.cmpi sle, %add3A_131, %add3A_106 : i32
        %add3A_132 = arith.constant 1 : i32
        %add3A_133 = arith.addi %scan3A_127, %add3A_132 : i32
        %select_n3A_134 = arith.select %le3A, %add3A_133, %scan3A_127 : i32
        %select_n3A_135 = arith.select %le3A, %add3A_131, %scan3A_129 : i32
        scf.yield %select_n3A_134, %add3A_131, %select_n3A_135 : i32, i32, i32
      }
      %scan3A_115 = arith.constant 8 : i32
      %sub3A_116 = arith.subi %add3A_106, %scan3A_114#2 : i32
      %dma_start3A = arith.constant 0 : i32
      %dma_start3A_117 = arith.constant 0 : i32
      %dma_start3A_118 = arith.constant 0 : i32
      %dma_start3A_119 = tpu.memref_slice %arg2[%scan3A_114#0, %sub3A_116, %dma_start3A, %dma_start3A_117, %dma_start3A_118] : memref<8x40x3x192x192xf32, #tpu.memory_space<hbm>> -> memref<1x1x3x192x192xf32, #tpu.memory_space<hbm>>
      %dma_start3A_120 = tpu.memref_squeeze %dma_start3A_119 : memref<1x1x3x192x192xf32, #tpu.memory_space<hbm>> -> memref<3x192x192xf32, #tpu.memory_space<hbm>>
      tpu.enqueue_dma source(%dma_start3A_120 : memref<3x192x192xf32, #tpu.memory_space<hbm>>) target(%arg8 : memref<3x192x192xf32, #tpu.memory_space<vmem>>) target_semaphore(%arg24 : memref<!tpu.dma_semaphore, #tpu.memory_space<semaphore_mem>>)
      %dma_start3A_121 = arith.constant 0 : i32
      %dma_start3A_122 = arith.constant 0 : i32
      %dma_start3A_123 = arith.constant 0 : i32
      %dma_start3A_124 = tpu.memref_slice %arg3[%scan3A_114#0, %sub3A_116, %dma_start3A_121, %dma_start3A_122, %dma_start3A_123] : memref<8x40x3x192x192xf32, #tpu.memory_space<hbm>> -> memref<1x1x3x192x192xf32, #tpu.memory_space<hbm>>
      %dma_start3A_125 = tpu.memref_squeeze %dma_start3A_124 : memref<1x1x3x192x192xf32, #tpu.memory_space<hbm>> -> memref<3x192x192xf32, #tpu.memory_space<hbm>>
      tpu.enqueue_dma source(%dma_start3A_125 : memref<3x192x192xf32, #tpu.memory_space<hbm>>) target(%arg16 : memref<3x192x192xf32, #tpu.memory_space<vmem>>) target_semaphore(%arg32 : memref<!tpu.dma_semaphore, #tpu.memory_space<semaphore_mem>>)
    } else {
    }
    %gt3A_41 = arith.constant 4 : i32
    %gt3A_42 = arith.cmpi sgt, %sub3A_23, %gt3A_41 : i32
    %convert_element_type3A_43 = arith.extui %gt3A_42 : i1 to i32
    %cond3A_44 = arith.constant 0 : i32
    %cond3A_45 = arith.cmpi ne, %convert_element_type3A_43, %cond3A_44 : i32
    scf.if %cond3A_45 {
      %add3A_105 = arith.constant 4 : i32
      %add3A_106 = arith.addi %select_n3A, %add3A_105 : i32
      %scan3A_107 = arith.constant 0 : i32
      %scan3A_108 = arith.constant 0 : i32
      %scan3A_109 = arith.constant 0 : i32
      %scan3A_110 = arith.constant 0 : i32
      %scan3A_111 = arith.constant 8 : i32
      %scan3A_112 = arith.addi %scan3A_110, %scan3A_111 : i32
      %scan3A_113 = arith.constant 1 : i32
      %scan3A_114:3 = scf.for %scan3A_126 = %scan3A_110 to %scan3A_112 step %scan3A_113 iter_args(%scan3A_127 = %scan3A_107, %scan3A_128 = %scan3A_108, %scan3A_129 = %scan3A_109) -> (i32, i32, i32)  : i32 {
        %get3A = arith.index_cast %scan3A_126 : i32 to index
        %get3A_130 = memref.load %arg1[%get3A] : memref<8xi32, #tpu.memory_space<smem>>
        %add3A_131 = arith.addi %scan3A_128, %get3A_130 : i32
        %le3A = arith.cmpi sle, %add3A_131, %add3A_106 : i32
        %add3A_132 = arith.constant 1 : i32
        %add3A_133 = arith.addi %scan3A_127, %add3A_132 : i32
        %select_n3A_134 = arith.select %le3A, %add3A_133, %scan3A_127 : i32
        %select_n3A_135 = arith.select %le3A, %add3A_131, %scan3A_129 : i32
        scf.yield %select_n3A_134, %add3A_131, %select_n3A_135 : i32, i32, i32
      }
      %scan3A_115 = arith.constant 8 : i32
      %sub3A_116 = arith.subi %add3A_106, %scan3A_114#2 : i32
      %dma_start3A = arith.constant 0 : i32
      %dma_start3A_117 = arith.constant 0 : i32
      %dma_start3A_118 = arith.constant 0 : i32
      %dma_start3A_119 = tpu.memref_slice %arg2[%scan3A_114#0, %sub3A_116, %dma_start3A, %dma_start3A_117, %dma_start3A_118] : memref<8x40x3x192x192xf32, #tpu.memory_space<hbm>> -> memref<1x1x3x192x192xf32, #tpu.memory_space<hbm>>
      %dma_start3A_120 = tpu.memref_squeeze %dma_start3A_119 : memref<1x1x3x192x192xf32, #tpu.memory_space<hbm>> -> memref<3x192x192xf32, #tpu.memory_space<hbm>>
      tpu.enqueue_dma source(%dma_start3A_120 : memref<3x192x192xf32, #tpu.memory_space<hbm>>) target(%arg9 : memref<3x192x192xf32, #tpu.memory_space<vmem>>) target_semaphore(%arg25 : memref<!tpu.dma_semaphore, #tpu.memory_space<semaphore_mem>>)
      %dma_start3A_121 = arith.constant 0 : i32
      %dma_start3A_122 = arith.constant 0 : i32
      %dma_start3A_123 = arith.constant 0 : i32
      %dma_start3A_124 = tpu.memref_slice %arg3[%scan3A_114#0, %sub3A_116, %dma_start3A_121, %dma_start3A_122, %dma_start3A_123] : memref<8x40x3x192x192xf32, #tpu.memory_space<hbm>> -> memref<1x1x3x192x192xf32, #tpu.memory_space<hbm>>
      %dma_start3A_125 = tpu.memref_squeeze %dma_start3A_124 : memref<1x1x3x192x192xf32, #tpu.memory_space<hbm>> -> memref<3x192x192xf32, #tpu.memory_space<hbm>>
      tpu.enqueue_dma source(%dma_start3A_125 : memref<3x192x192xf32, #tpu.memory_space<hbm>>) target(%arg17 : memref<3x192x192xf32, #tpu.memory_space<vmem>>) target_semaphore(%arg33 : memref<!tpu.dma_semaphore, #tpu.memory_space<semaphore_mem>>)
    } else {
    }
    %gt3A_46 = arith.constant 5 : i32
    %gt3A_47 = arith.cmpi sgt, %sub3A_23, %gt3A_46 : i32
    %convert_element_type3A_48 = arith.extui %gt3A_47 : i1 to i32
    %cond3A_49 = arith.constant 0 : i32
    %cond3A_50 = arith.cmpi ne, %convert_element_type3A_48, %cond3A_49 : i32
    scf.if %cond3A_50 {
      %add3A_105 = arith.constant 5 : i32
      %add3A_106 = arith.addi %select_n3A, %add3A_105 : i32
      %scan3A_107 = arith.constant 0 : i32
      %scan3A_108 = arith.constant 0 : i32
      %scan3A_109 = arith.constant 0 : i32
      %scan3A_110 = arith.constant 0 : i32
      %scan3A_111 = arith.constant 8 : i32
      %scan3A_112 = arith.addi %scan3A_110, %scan3A_111 : i32
      %scan3A_113 = arith.constant 1 : i32
      %scan3A_114:3 = scf.for %scan3A_126 = %scan3A_110 to %scan3A_112 step %scan3A_113 iter_args(%scan3A_127 = %scan3A_107, %scan3A_128 = %scan3A_108, %scan3A_129 = %scan3A_109) -> (i32, i32, i32)  : i32 {
        %get3A = arith.index_cast %scan3A_126 : i32 to index
        %get3A_130 = memref.load %arg1[%get3A] : memref<8xi32, #tpu.memory_space<smem>>
        %add3A_131 = arith.addi %scan3A_128, %get3A_130 : i32
        %le3A = arith.cmpi sle, %add3A_131, %add3A_106 : i32
        %add3A_132 = arith.constant 1 : i32
        %add3A_133 = arith.addi %scan3A_127, %add3A_132 : i32
        %select_n3A_134 = arith.select %le3A, %add3A_133, %scan3A_127 : i32
        %select_n3A_135 = arith.select %le3A, %add3A_131, %scan3A_129 : i32
        scf.yield %select_n3A_134, %add3A_131, %select_n3A_135 : i32, i32, i32
      }
      %scan3A_115 = arith.constant 8 : i32
      %sub3A_116 = arith.subi %add3A_106, %scan3A_114#2 : i32
      %dma_start3A = arith.constant 0 : i32
      %dma_start3A_117 = arith.constant 0 : i32
      %dma_start3A_118 = arith.constant 0 : i32
      %dma_start3A_119 = tpu.memref_slice %arg2[%scan3A_114#0, %sub3A_116, %dma_start3A, %dma_start3A_117, %dma_start3A_118] : memref<8x40x3x192x192xf32, #tpu.memory_space<hbm>> -> memref<1x1x3x192x192xf32, #tpu.memory_space<hbm>>
      %dma_start3A_120 = tpu.memref_squeeze %dma_start3A_119 : memref<1x1x3x192x192xf32, #tpu.memory_space<hbm>> -> memref<3x192x192xf32, #tpu.memory_space<hbm>>
      tpu.enqueue_dma source(%dma_start3A_120 : memref<3x192x192xf32, #tpu.memory_space<hbm>>) target(%arg10 : memref<3x192x192xf32, #tpu.memory_space<vmem>>) target_semaphore(%arg26 : memref<!tpu.dma_semaphore, #tpu.memory_space<semaphore_mem>>)
      %dma_start3A_121 = arith.constant 0 : i32
      %dma_start3A_122 = arith.constant 0 : i32
      %dma_start3A_123 = arith.constant 0 : i32
      %dma_start3A_124 = tpu.memref_slice %arg3[%scan3A_114#0, %sub3A_116, %dma_start3A_121, %dma_start3A_122, %dma_start3A_123] : memref<8x40x3x192x192xf32, #tpu.memory_space<hbm>> -> memref<1x1x3x192x192xf32, #tpu.memory_space<hbm>>
      %dma_start3A_125 = tpu.memref_squeeze %dma_start3A_124 : memref<1x1x3x192x192xf32, #tpu.memory_space<hbm>> -> memref<3x192x192xf32, #tpu.memory_space<hbm>>
      tpu.enqueue_dma source(%dma_start3A_125 : memref<3x192x192xf32, #tpu.memory_space<hbm>>) target(%arg18 : memref<3x192x192xf32, #tpu.memory_space<vmem>>) target_semaphore(%arg34 : memref<!tpu.dma_semaphore, #tpu.memory_space<semaphore_mem>>)
    } else {
    }
    %gt3A_51 = arith.constant 6 : i32
    %gt3A_52 = arith.cmpi sgt, %sub3A_23, %gt3A_51 : i32
    %convert_element_type3A_53 = arith.extui %gt3A_52 : i1 to i32
    %cond3A_54 = arith.constant 0 : i32
    %cond3A_55 = arith.cmpi ne, %convert_element_type3A_53, %cond3A_54 : i32
    scf.if %cond3A_55 {
      %add3A_105 = arith.constant 6 : i32
      %add3A_106 = arith.addi %select_n3A, %add3A_105 : i32
      %scan3A_107 = arith.constant 0 : i32
      %scan3A_108 = arith.constant 0 : i32
      %scan3A_109 = arith.constant 0 : i32
      %scan3A_110 = arith.constant 0 : i32
      %scan3A_111 = arith.constant 8 : i32
      %scan3A_112 = arith.addi %scan3A_110, %scan3A_111 : i32
      %scan3A_113 = arith.constant 1 : i32
      %scan3A_114:3 = scf.for %scan3A_126 = %scan3A_110 to %scan3A_112 step %scan3A_113 iter_args(%scan3A_127 = %scan3A_107, %scan3A_128 = %scan3A_108, %scan3A_129 = %scan3A_109) -> (i32, i32, i32)  : i32 {
        %get3A = arith.index_cast %scan3A_126 : i32 to index
        %get3A_130 = memref.load %arg1[%get3A] : memref<8xi32, #tpu.memory_space<smem>>
        %add3A_131 = arith.addi %scan3A_128, %get3A_130 : i32
        %le3A = arith.cmpi sle, %add3A_131, %add3A_106 : i32
        %add3A_132 = arith.constant 1 : i32
        %add3A_133 = arith.addi %scan3A_127, %add3A_132 : i32
        %select_n3A_134 = arith.select %le3A, %add3A_133, %scan3A_127 : i32
        %select_n3A_135 = arith.select %le3A, %add3A_131, %scan3A_129 : i32
        scf.yield %select_n3A_134, %add3A_131, %select_n3A_135 : i32, i32, i32
      }
      %scan3A_115 = arith.constant 8 : i32
      %sub3A_116 = arith.subi %add3A_106, %scan3A_114#2 : i32
      %dma_start3A = arith.constant 0 : i32
      %dma_start3A_117 = arith.constant 0 : i32
      %dma_start3A_118 = arith.constant 0 : i32
      %dma_start3A_119 = tpu.memref_slice %arg2[%scan3A_114#0, %sub3A_116, %dma_start3A, %dma_start3A_117, %dma_start3A_118] : memref<8x40x3x192x192xf32, #tpu.memory_space<hbm>> -> memref<1x1x3x192x192xf32, #tpu.memory_space<hbm>>
      %dma_start3A_120 = tpu.memref_squeeze %dma_start3A_119 : memref<1x1x3x192x192xf32, #tpu.memory_space<hbm>> -> memref<3x192x192xf32, #tpu.memory_space<hbm>>
      tpu.enqueue_dma source(%dma_start3A_120 : memref<3x192x192xf32, #tpu.memory_space<hbm>>) target(%arg11 : memref<3x192x192xf32, #tpu.memory_space<vmem>>) target_semaphore(%arg27 : memref<!tpu.dma_semaphore, #tpu.memory_space<semaphore_mem>>)
      %dma_start3A_121 = arith.constant 0 : i32
      %dma_start3A_122 = arith.constant 0 : i32
      %dma_start3A_123 = arith.constant 0 : i32
      %dma_start3A_124 = tpu.memref_slice %arg3[%scan3A_114#0, %sub3A_116, %dma_start3A_121, %dma_start3A_122, %dma_start3A_123] : memref<8x40x3x192x192xf32, #tpu.memory_space<hbm>> -> memref<1x1x3x192x192xf32, #tpu.memory_space<hbm>>
      %dma_start3A_125 = tpu.memref_squeeze %dma_start3A_124 : memref<1x1x3x192x192xf32, #tpu.memory_space<hbm>> -> memref<3x192x192xf32, #tpu.memory_space<hbm>>
      tpu.enqueue_dma source(%dma_start3A_125 : memref<3x192x192xf32, #tpu.memory_space<hbm>>) target(%arg19 : memref<3x192x192xf32, #tpu.memory_space<vmem>>) target_semaphore(%arg35 : memref<!tpu.dma_semaphore, #tpu.memory_space<semaphore_mem>>)
    } else {
    }
    %gt3A_56 = arith.constant 7 : i32
    %gt3A_57 = arith.cmpi sgt, %sub3A_23, %gt3A_56 : i32
    %convert_element_type3A_58 = arith.extui %gt3A_57 : i1 to i32
    %cond3A_59 = arith.constant 0 : i32
    %cond3A_60 = arith.cmpi ne, %convert_element_type3A_58, %cond3A_59 : i32
    scf.if %cond3A_60 {
      %add3A_105 = arith.constant 7 : i32
      %add3A_106 = arith.addi %select_n3A, %add3A_105 : i32
      %scan3A_107 = arith.constant 0 : i32
      %scan3A_108 = arith.constant 0 : i32
      %scan3A_109 = arith.constant 0 : i32
      %scan3A_110 = arith.constant 0 : i32
      %scan3A_111 = arith.constant 8 : i32
      %scan3A_112 = arith.addi %scan3A_110, %scan3A_111 : i32
      %scan3A_113 = arith.constant 1 : i32
      %scan3A_114:3 = scf.for %scan3A_126 = %scan3A_110 to %scan3A_112 step %scan3A_113 iter_args(%scan3A_127 = %scan3A_107, %scan3A_128 = %scan3A_108, %scan3A_129 = %scan3A_109) -> (i32, i32, i32)  : i32 {
        %get3A = arith.index_cast %scan3A_126 : i32 to index
        %get3A_130 = memref.load %arg1[%get3A] : memref<8xi32, #tpu.memory_space<smem>>
        %add3A_131 = arith.addi %scan3A_128, %get3A_130 : i32
        %le3A = arith.cmpi sle, %add3A_131, %add3A_106 : i32
        %add3A_132 = arith.constant 1 : i32
        %add3A_133 = arith.addi %scan3A_127, %add3A_132 : i32
        %select_n3A_134 = arith.select %le3A, %add3A_133, %scan3A_127 : i32
        %select_n3A_135 = arith.select %le3A, %add3A_131, %scan3A_129 : i32
        scf.yield %select_n3A_134, %add3A_131, %select_n3A_135 : i32, i32, i32
      }
      %scan3A_115 = arith.constant 8 : i32
      %sub3A_116 = arith.subi %add3A_106, %scan3A_114#2 : i32
      %dma_start3A = arith.constant 0 : i32
      %dma_start3A_117 = arith.constant 0 : i32
      %dma_start3A_118 = arith.constant 0 : i32
      %dma_start3A_119 = tpu.memref_slice %arg2[%scan3A_114#0, %sub3A_116, %dma_start3A, %dma_start3A_117, %dma_start3A_118] : memref<8x40x3x192x192xf32, #tpu.memory_space<hbm>> -> memref<1x1x3x192x192xf32, #tpu.memory_space<hbm>>
      %dma_start3A_120 = tpu.memref_squeeze %dma_start3A_119 : memref<1x1x3x192x192xf32, #tpu.memory_space<hbm>> -> memref<3x192x192xf32, #tpu.memory_space<hbm>>
      tpu.enqueue_dma source(%dma_start3A_120 : memref<3x192x192xf32, #tpu.memory_space<hbm>>) target(%arg12 : memref<3x192x192xf32, #tpu.memory_space<vmem>>) target_semaphore(%arg28 : memref<!tpu.dma_semaphore, #tpu.memory_space<semaphore_mem>>)
      %dma_start3A_121 = arith.constant 0 : i32
      %dma_start3A_122 = arith.constant 0 : i32
      %dma_start3A_123 = arith.constant 0 : i32
      %dma_start3A_124 = tpu.memref_slice %arg3[%scan3A_114#0, %sub3A_116, %dma_start3A_121, %dma_start3A_122, %dma_start3A_123] : memref<8x40x3x192x192xf32, #tpu.memory_space<hbm>> -> memref<1x1x3x192x192xf32, #tpu.memory_space<hbm>>
      %dma_start3A_125 = tpu.memref_squeeze %dma_start3A_124 : memref<1x1x3x192x192xf32, #tpu.memory_space<hbm>> -> memref<3x192x192xf32, #tpu.memory_space<hbm>>
      tpu.enqueue_dma source(%dma_start3A_125 : memref<3x192x192xf32, #tpu.memory_space<hbm>>) target(%arg20 : memref<3x192x192xf32, #tpu.memory_space<vmem>>) target_semaphore(%arg36 : memref<!tpu.dma_semaphore, #tpu.memory_space<semaphore_mem>>)
    } else {
    }
    %add3A = arith.constant 8 : i32
    %add3A_61 = arith.addi %sub3A_23, %add3A : i32
    %sub3A_62 = arith.constant 1 : i32
    %sub3A_63 = arith.subi %add3A_61, %sub3A_62 : i32
    %jit3A_64 = arith.constant 8 : i32
    %div3A_65 = arith.divsi %sub3A_63, %jit3A_64 : i32
    %sign3A_66 = arith.constant 0 : i32
    %sign3A_67 = arith.cmpi sgt, %sub3A_63, %sign3A_66 : i32
    %sign3A_68 = arith.extui %sign3A_67 : i1 to i32
    %sign3A_69 = arith.constant 0 : i32
    %sign3A_70 = arith.cmpi slt, %sub3A_63, %sign3A_69 : i32
    %sign3A_71 = arith.extui %sign3A_70 : i1 to i32
    %sign3A_72 = arith.subi %sign3A_68, %sign3A_71 : i32
    %sign3A_73 = arith.constant 0 : i32
    %sign3A_74 = arith.cmpi sgt, %jit3A_64, %sign3A_73 : i32
    %sign3A_75 = arith.extui %sign3A_74 : i1 to i32
    %sign3A_76 = arith.constant 0 : i32
    %sign3A_77 = arith.cmpi slt, %jit3A_64, %sign3A_76 : i32
    %sign3A_78 = arith.extui %sign3A_77 : i1 to i32
    %sign3A_79 = arith.subi %sign3A_75, %sign3A_78 : i32
    %ne3A_80 = arith.cmpi ne, %sign3A_72, %sign3A_79 : i32
    %rem3A_81 = arith.remsi %sub3A_63, %jit3A_64 : i32
    %ne3A_82 = arith.constant 0 : i32
    %ne3A_83 = arith.cmpi ne, %rem3A_81, %ne3A_82 : i32
    %and3A_84 = arith.andi %ne3A_80, %ne3A_83 : i1
    %sub3A_85 = arith.constant 1 : i32
    %sub3A_86 = arith.subi %div3A_65, %sub3A_85 : i32
    %select_n3A_87 = arith.select %and3A_84, %sub3A_86, %div3A_65 : i32
    %broadcast_in_dim3A = arith.constant 0.000000e+00 : f32
    %broadcast_in_dim3A_88 = vector.broadcast %broadcast_in_dim3A : f32 to vector<192x192xf32>
    %while3A = arith.constant 0 : i32
    %while3A_89 = arith.subi %select_n3A_87, %while3A : i32
    %while3A_90 = arith.addi %while3A, %while3A_89 : i32
    %while3A_91 = arith.constant 1 : i32
    %while3A_92 = arith.divsi %while3A_89, %while3A_91 : i32
    %while3A_93 = arith.muli %while3A_92, %while3A_91 : i32
    %while3A_94 = arith.addi %while3A, %while3A_93 : i32
    %while3A_95 = arith.constant 1 : i32
    %while3A_96 = scf.for %while3A_105 = %while3A to %while3A_94 step %while3A_95 iter_args(%while3A_106 = %broadcast_in_dim3A_88) -> (vector<192x192xf32>)  : i32 {
      %mul3A_107 = arith.constant 8 : i32
      %mul3A_108 = arith.muli %mul3A_107, %while3A_105 : i32
      %dma_wait3A = arith.constant 0 : i32
      %dma_wait3A_109 = arith.constant 0 : i32
      %dma_wait3A_110 = arith.constant 0 : i32
      %dma_wait3A_111 = arith.constant 0 : i32
      %dma_wait3A_112 = arith.constant 0 : i32
      %dma_wait3A_113 = tpu.memref_slice %arg2[%dma_wait3A, %dma_wait3A_109, %dma_wait3A_110, %dma_wait3A_111, %dma_wait3A_112] : memref<8x40x3x192x192xf32, #tpu.memory_space<hbm>> -> memref<1x1x3x192x192xf32, #tpu.memory_space<hbm>>
      %dma_wait3A_114 = tpu.memref_squeeze %dma_wait3A_113 : memref<1x1x3x192x192xf32, #tpu.memory_space<hbm>> -> memref<3x192x192xf32, #tpu.memory_space<hbm>>
      tpu.wait_dma2 semaphore(%arg21 : memref<!tpu.dma_semaphore, #tpu.memory_space<semaphore_mem>>) src(%dma_wait3A_114 : memref<3x192x192xf32, #tpu.memory_space<hbm>>) dst(%arg5 : memref<3x192x192xf32, #tpu.memory_space<vmem>>)
      %dma_wait3A_115 = arith.constant 0 : i32
      %dma_wait3A_116 = arith.constant 0 : i32
      %dma_wait3A_117 = arith.constant 0 : i32
      %dma_wait3A_118 = arith.constant 0 : i32
      %dma_wait3A_119 = arith.constant 0 : i32
      %dma_wait3A_120 = tpu.memref_slice %arg3[%dma_wait3A_115, %dma_wait3A_116, %dma_wait3A_117, %dma_wait3A_118, %dma_wait3A_119] : memref<8x40x3x192x192xf32, #tpu.memory_space<hbm>> -> memref<1x1x3x192x192xf32, #tpu.memory_space<hbm>>
      %dma_wait3A_121 = tpu.memref_squeeze %dma_wait3A_120 : memref<1x1x3x192x192xf32, #tpu.memory_space<hbm>> -> memref<3x192x192xf32, #tpu.memory_space<hbm>>
      tpu.wait_dma2 semaphore(%arg29 : memref<!tpu.dma_semaphore, #tpu.memory_space<semaphore_mem>>) src(%dma_wait3A_121 : memref<3x192x192xf32, #tpu.memory_space<hbm>>) dst(%arg13 : memref<3x192x192xf32, #tpu.memory_space<vmem>>)
      %get3A = arith.constant 0 : index
      %get3A_122 = arith.constant 0 : index
      %get3A_123 = arith.constant 0 : index
      %get3A_124 = vector.load %arg5[%get3A, %get3A_122, %get3A_123] : memref<3x192x192xf32, #tpu.memory_space<vmem>>, vector<3x192x192xf32>
      %get3A_125 = arith.constant 0 : index
      %get3A_126 = arith.constant 0 : index
      %get3A_127 = arith.constant 0 : index
      %get3A_128 = vector.load %arg13[%get3A_125, %get3A_126, %get3A_127] : memref<3x192x192xf32, #tpu.memory_space<vmem>>, vector<3x192x192xf32>
      %sub3A_129 = arith.subf %get3A_124, %get3A_128 : vector<3x192x192xf32>
      %abs3A = math.absf %sub3A_129 : vector<3x192x192xf32>
      %slice3A = vector.extract_strided_slice %abs3A {offsets = [0, 0, 0], sizes = [1, 192, 192], strides = [1, 1, 1]} : vector<3x192x192xf32> to vector<1x192x192xf32>
      %squeeze3A = vector.shape_cast %slice3A : vector<1x192x192xf32> to vector<192x192xf32>
      %slice3A_130 = vector.extract_strided_slice %abs3A {offsets = [1, 0, 0], sizes = [1, 192, 192], strides = [1, 1, 1]} : vector<3x192x192xf32> to vector<1x192x192xf32>
      %squeeze3A_131 = vector.shape_cast %slice3A_130 : vector<1x192x192xf32> to vector<192x192xf32>
      %add3A_132 = arith.addf %squeeze3A, %squeeze3A_131 : vector<192x192xf32>
      %slice3A_133 = vector.extract_strided_slice %abs3A {offsets = [2, 0, 0], sizes = [1, 192, 192], strides = [1, 1, 1]} : vector<3x192x192xf32> to vector<1x192x192xf32>
      %squeeze3A_134 = vector.shape_cast %slice3A_133 : vector<1x192x192xf32> to vector<192x192xf32>
      %add3A_135 = arith.addf %add3A_132, %squeeze3A_134 : vector<192x192xf32>
      %add3A_136 = arith.addf %while3A_106, %add3A_135 : vector<192x192xf32>
      %add3A_137 = arith.constant 8 : i32
      %add3A_138 = arith.addi %mul3A_108, %add3A_137 : i32
      %lt3A = arith.cmpi slt, %add3A_138, %sub3A_23 : i32
      %convert_element_type3A_139 = arith.extui %lt3A : i1 to i32
      %cond3A_140 = arith.constant 0 : i32
      %cond3A_141 = arith.cmpi ne, %convert_element_type3A_139, %cond3A_140 : i32
      scf.if %cond3A_141 {
        %add3A_387 = arith.constant 8 : i32
        %add3A_388 = arith.addi %mul3A_108, %add3A_387 : i32
        %add3A_389 = arith.addi %select_n3A, %add3A_388 : i32
        %scan3A_390 = arith.constant 0 : i32
        %scan3A_391 = arith.constant 0 : i32
        %scan3A_392 = arith.constant 0 : i32
        %scan3A_393 = arith.constant 0 : i32
        %scan3A_394 = arith.constant 8 : i32
        %scan3A_395 = arith.addi %scan3A_393, %scan3A_394 : i32
        %scan3A_396 = arith.constant 1 : i32
        %scan3A_397:3 = scf.for %scan3A_409 = %scan3A_393 to %scan3A_395 step %scan3A_396 iter_args(%scan3A_410 = %scan3A_390, %scan3A_411 = %scan3A_391, %scan3A_412 = %scan3A_392) -> (i32, i32, i32)  : i32 {
          %get3A_413 = arith.index_cast %scan3A_409 : i32 to index
          %get3A_414 = memref.load %arg1[%get3A_413] : memref<8xi32, #tpu.memory_space<smem>>
          %add3A_415 = arith.addi %scan3A_411, %get3A_414 : i32
          %le3A = arith.cmpi sle, %add3A_415, %add3A_389 : i32
          %add3A_416 = arith.constant 1 : i32
          %add3A_417 = arith.addi %scan3A_410, %add3A_416 : i32
          %select_n3A_418 = arith.select %le3A, %add3A_417, %scan3A_410 : i32
          %select_n3A_419 = arith.select %le3A, %add3A_415, %scan3A_412 : i32
          scf.yield %select_n3A_418, %add3A_415, %select_n3A_419 : i32, i32, i32
        }
        %scan3A_398 = arith.constant 8 : i32
        %sub3A_399 = arith.subi %add3A_389, %scan3A_397#2 : i32
        %dma_start3A = arith.constant 0 : i32
        %dma_start3A_400 = arith.constant 0 : i32
        %dma_start3A_401 = arith.constant 0 : i32
        %dma_start3A_402 = tpu.memref_slice %arg2[%scan3A_397#0, %sub3A_399, %dma_start3A, %dma_start3A_400, %dma_start3A_401] : memref<8x40x3x192x192xf32, #tpu.memory_space<hbm>> -> memref<1x1x3x192x192xf32, #tpu.memory_space<hbm>>
        %dma_start3A_403 = tpu.memref_squeeze %dma_start3A_402 : memref<1x1x3x192x192xf32, #tpu.memory_space<hbm>> -> memref<3x192x192xf32, #tpu.memory_space<hbm>>
        tpu.enqueue_dma source(%dma_start3A_403 : memref<3x192x192xf32, #tpu.memory_space<hbm>>) target(%arg5 : memref<3x192x192xf32, #tpu.memory_space<vmem>>) target_semaphore(%arg21 : memref<!tpu.dma_semaphore, #tpu.memory_space<semaphore_mem>>)
        %dma_start3A_404 = arith.constant 0 : i32
        %dma_start3A_405 = arith.constant 0 : i32
        %dma_start3A_406 = arith.constant 0 : i32
        %dma_start3A_407 = tpu.memref_slice %arg3[%scan3A_397#0, %sub3A_399, %dma_start3A_404, %dma_start3A_405, %dma_start3A_406] : memref<8x40x3x192x192xf32, #tpu.memory_space<hbm>> -> memref<1x1x3x192x192xf32, #tpu.memory_space<hbm>>
        %dma_start3A_408 = tpu.memref_squeeze %dma_start3A_407 : memref<1x1x3x192x192xf32, #tpu.memory_space<hbm>> -> memref<3x192x192xf32, #tpu.memory_space<hbm>>
        tpu.enqueue_dma source(%dma_start3A_408 : memref<3x192x192xf32, #tpu.memory_space<hbm>>) target(%arg13 : memref<3x192x192xf32, #tpu.memory_space<vmem>>) target_semaphore(%arg29 : memref<!tpu.dma_semaphore, #tpu.memory_space<semaphore_mem>>)
      } else {
      }
      %add3A_142 = arith.constant 1 : i32
      %add3A_143 = arith.addi %mul3A_108, %add3A_142 : i32
      %lt3A_144 = arith.cmpi slt, %add3A_143, %sub3A_23 : i32
      %convert_element_type3A_145 = arith.extui %lt3A_144 : i1 to i32
      %cond3A_146 = arith.constant 0 : i32
      %cond3A_147 = arith.cmpi ne, %convert_element_type3A_145, %cond3A_146 : i32
      scf.if %cond3A_147 {
        %dma_wait3A_387 = arith.constant 0 : i32
        %dma_wait3A_388 = arith.constant 0 : i32
        %dma_wait3A_389 = arith.constant 0 : i32
        %dma_wait3A_390 = arith.constant 0 : i32
        %dma_wait3A_391 = arith.constant 0 : i32
        %dma_wait3A_392 = tpu.memref_slice %arg2[%dma_wait3A_387, %dma_wait3A_388, %dma_wait3A_389, %dma_wait3A_390, %dma_wait3A_391] : memref<8x40x3x192x192xf32, #tpu.memory_space<hbm>> -> memref<1x1x3x192x192xf32, #tpu.memory_space<hbm>>
        %dma_wait3A_393 = tpu.memref_squeeze %dma_wait3A_392 : memref<1x1x3x192x192xf32, #tpu.memory_space<hbm>> -> memref<3x192x192xf32, #tpu.memory_space<hbm>>
        tpu.wait_dma2 semaphore(%arg22 : memref<!tpu.dma_semaphore, #tpu.memory_space<semaphore_mem>>) src(%dma_wait3A_393 : memref<3x192x192xf32, #tpu.memory_space<hbm>>) dst(%arg6 : memref<3x192x192xf32, #tpu.memory_space<vmem>>)
        %dma_wait3A_394 = arith.constant 0 : i32
        %dma_wait3A_395 = arith.constant 0 : i32
        %dma_wait3A_396 = arith.constant 0 : i32
        %dma_wait3A_397 = arith.constant 0 : i32
        %dma_wait3A_398 = arith.constant 0 : i32
        %dma_wait3A_399 = tpu.memref_slice %arg3[%dma_wait3A_394, %dma_wait3A_395, %dma_wait3A_396, %dma_wait3A_397, %dma_wait3A_398] : memref<8x40x3x192x192xf32, #tpu.memory_space<hbm>> -> memref<1x1x3x192x192xf32, #tpu.memory_space<hbm>>
        %dma_wait3A_400 = tpu.memref_squeeze %dma_wait3A_399 : memref<1x1x3x192x192xf32, #tpu.memory_space<hbm>> -> memref<3x192x192xf32, #tpu.memory_space<hbm>>
        tpu.wait_dma2 semaphore(%arg30 : memref<!tpu.dma_semaphore, #tpu.memory_space<semaphore_mem>>) src(%dma_wait3A_400 : memref<3x192x192xf32, #tpu.memory_space<hbm>>) dst(%arg14 : memref<3x192x192xf32, #tpu.memory_space<vmem>>)
      } else {
      }
      %get3A_148 = arith.constant 0 : index
      %get3A_149 = arith.constant 0 : index
      %get3A_150 = arith.constant 0 : index
      %get3A_151 = vector.load %arg6[%get3A_148, %get3A_149, %get3A_150] : memref<3x192x192xf32, #tpu.memory_space<vmem>>, vector<3x192x192xf32>
      %get3A_152 = arith.constant 0 : index
      %get3A_153 = arith.constant 0 : index
      %get3A_154 = arith.constant 0 : index
      %get3A_155 = vector.load %arg14[%get3A_152, %get3A_153, %get3A_154] : memref<3x192x192xf32, #tpu.memory_space<vmem>>, vector<3x192x192xf32>
      %sub3A_156 = arith.subf %get3A_151, %get3A_155 : vector<3x192x192xf32>
      %abs3A_157 = math.absf %sub3A_156 : vector<3x192x192xf32>
      %slice3A_158 = vector.extract_strided_slice %abs3A_157 {offsets = [0, 0, 0], sizes = [1, 192, 192], strides = [1, 1, 1]} : vector<3x192x192xf32> to vector<1x192x192xf32>
      %squeeze3A_159 = vector.shape_cast %slice3A_158 : vector<1x192x192xf32> to vector<192x192xf32>
      %slice3A_160 = vector.extract_strided_slice %abs3A_157 {offsets = [1, 0, 0], sizes = [1, 192, 192], strides = [1, 1, 1]} : vector<3x192x192xf32> to vector<1x192x192xf32>
      %squeeze3A_161 = vector.shape_cast %slice3A_160 : vector<1x192x192xf32> to vector<192x192xf32>
      %add3A_162 = arith.addf %squeeze3A_159, %squeeze3A_161 : vector<192x192xf32>
      %slice3A_163 = vector.extract_strided_slice %abs3A_157 {offsets = [2, 0, 0], sizes = [1, 192, 192], strides = [1, 1, 1]} : vector<3x192x192xf32> to vector<1x192x192xf32>
      %squeeze3A_164 = vector.shape_cast %slice3A_163 : vector<1x192x192xf32> to vector<192x192xf32>
      %add3A_165 = arith.addf %add3A_162, %squeeze3A_164 : vector<192x192xf32>
      %lt3A_166 = arith.cmpi slt, %add3A_143, %sub3A_23 : i32
      %broadcast_in_dim3A_167 = arith.constant 0.000000e+00 : f32
      %broadcast_in_dim3A_168 = vector.broadcast %broadcast_in_dim3A_167 : f32 to vector<192x192xf32>
      %select_n3A_169 = arith.select %lt3A_166, %add3A_165, %broadcast_in_dim3A_168 : vector<192x192xf32>
      %add3A_170 = arith.addf %add3A_136, %select_n3A_169 : vector<192x192xf32>
      %add3A_171 = arith.constant 8 : i32
      %add3A_172 = arith.addi %add3A_143, %add3A_171 : i32
      %lt3A_173 = arith.cmpi slt, %add3A_172, %sub3A_23 : i32
      %convert_element_type3A_174 = arith.extui %lt3A_173 : i1 to i32
      %cond3A_175 = arith.constant 0 : i32
      %cond3A_176 = arith.cmpi ne, %convert_element_type3A_174, %cond3A_175 : i32
      scf.if %cond3A_176 {
        %add3A_387 = arith.constant 8 : i32
        %add3A_388 = arith.addi %add3A_143, %add3A_387 : i32
        %add3A_389 = arith.addi %select_n3A, %add3A_388 : i32
        %scan3A_390 = arith.constant 0 : i32
        %scan3A_391 = arith.constant 0 : i32
        %scan3A_392 = arith.constant 0 : i32
        %scan3A_393 = arith.constant 0 : i32
        %scan3A_394 = arith.constant 8 : i32
        %scan3A_395 = arith.addi %scan3A_393, %scan3A_394 : i32
        %scan3A_396 = arith.constant 1 : i32
        %scan3A_397:3 = scf.for %scan3A_409 = %scan3A_393 to %scan3A_395 step %scan3A_396 iter_args(%scan3A_410 = %scan3A_390, %scan3A_411 = %scan3A_391, %scan3A_412 = %scan3A_392) -> (i32, i32, i32)  : i32 {
          %get3A_413 = arith.index_cast %scan3A_409 : i32 to index
          %get3A_414 = memref.load %arg1[%get3A_413] : memref<8xi32, #tpu.memory_space<smem>>
          %add3A_415 = arith.addi %scan3A_411, %get3A_414 : i32
          %le3A = arith.cmpi sle, %add3A_415, %add3A_389 : i32
          %add3A_416 = arith.constant 1 : i32
          %add3A_417 = arith.addi %scan3A_410, %add3A_416 : i32
          %select_n3A_418 = arith.select %le3A, %add3A_417, %scan3A_410 : i32
          %select_n3A_419 = arith.select %le3A, %add3A_415, %scan3A_412 : i32
          scf.yield %select_n3A_418, %add3A_415, %select_n3A_419 : i32, i32, i32
        }
        %scan3A_398 = arith.constant 8 : i32
        %sub3A_399 = arith.subi %add3A_389, %scan3A_397#2 : i32
        %dma_start3A = arith.constant 0 : i32
        %dma_start3A_400 = arith.constant 0 : i32
        %dma_start3A_401 = arith.constant 0 : i32
        %dma_start3A_402 = tpu.memref_slice %arg2[%scan3A_397#0, %sub3A_399, %dma_start3A, %dma_start3A_400, %dma_start3A_401] : memref<8x40x3x192x192xf32, #tpu.memory_space<hbm>> -> memref<1x1x3x192x192xf32, #tpu.memory_space<hbm>>
        %dma_start3A_403 = tpu.memref_squeeze %dma_start3A_402 : memref<1x1x3x192x192xf32, #tpu.memory_space<hbm>> -> memref<3x192x192xf32, #tpu.memory_space<hbm>>
        tpu.enqueue_dma source(%dma_start3A_403 : memref<3x192x192xf32, #tpu.memory_space<hbm>>) target(%arg6 : memref<3x192x192xf32, #tpu.memory_space<vmem>>) target_semaphore(%arg22 : memref<!tpu.dma_semaphore, #tpu.memory_space<semaphore_mem>>)
        %dma_start3A_404 = arith.constant 0 : i32
        %dma_start3A_405 = arith.constant 0 : i32
        %dma_start3A_406 = arith.constant 0 : i32
        %dma_start3A_407 = tpu.memref_slice %arg3[%scan3A_397#0, %sub3A_399, %dma_start3A_404, %dma_start3A_405, %dma_start3A_406] : memref<8x40x3x192x192xf32, #tpu.memory_space<hbm>> -> memref<1x1x3x192x192xf32, #tpu.memory_space<hbm>>
        %dma_start3A_408 = tpu.memref_squeeze %dma_start3A_407 : memref<1x1x3x192x192xf32, #tpu.memory_space<hbm>> -> memref<3x192x192xf32, #tpu.memory_space<hbm>>
        tpu.enqueue_dma source(%dma_start3A_408 : memref<3x192x192xf32, #tpu.memory_space<hbm>>) target(%arg14 : memref<3x192x192xf32, #tpu.memory_space<vmem>>) target_semaphore(%arg30 : memref<!tpu.dma_semaphore, #tpu.memory_space<semaphore_mem>>)
      } else {
      }
      %add3A_177 = arith.constant 2 : i32
      %add3A_178 = arith.addi %mul3A_108, %add3A_177 : i32
      %lt3A_179 = arith.cmpi slt, %add3A_178, %sub3A_23 : i32
      %convert_element_type3A_180 = arith.extui %lt3A_179 : i1 to i32
      %cond3A_181 = arith.constant 0 : i32
      %cond3A_182 = arith.cmpi ne, %convert_element_type3A_180, %cond3A_181 : i32
      scf.if %cond3A_182 {
        %dma_wait3A_387 = arith.constant 0 : i32
        %dma_wait3A_388 = arith.constant 0 : i32
        %dma_wait3A_389 = arith.constant 0 : i32
        %dma_wait3A_390 = arith.constant 0 : i32
        %dma_wait3A_391 = arith.constant 0 : i32
        %dma_wait3A_392 = tpu.memref_slice %arg2[%dma_wait3A_387, %dma_wait3A_388, %dma_wait3A_389, %dma_wait3A_390, %dma_wait3A_391] : memref<8x40x3x192x192xf32, #tpu.memory_space<hbm>> -> memref<1x1x3x192x192xf32, #tpu.memory_space<hbm>>
        %dma_wait3A_393 = tpu.memref_squeeze %dma_wait3A_392 : memref<1x1x3x192x192xf32, #tpu.memory_space<hbm>> -> memref<3x192x192xf32, #tpu.memory_space<hbm>>
        tpu.wait_dma2 semaphore(%arg23 : memref<!tpu.dma_semaphore, #tpu.memory_space<semaphore_mem>>) src(%dma_wait3A_393 : memref<3x192x192xf32, #tpu.memory_space<hbm>>) dst(%arg7 : memref<3x192x192xf32, #tpu.memory_space<vmem>>)
        %dma_wait3A_394 = arith.constant 0 : i32
        %dma_wait3A_395 = arith.constant 0 : i32
        %dma_wait3A_396 = arith.constant 0 : i32
        %dma_wait3A_397 = arith.constant 0 : i32
        %dma_wait3A_398 = arith.constant 0 : i32
        %dma_wait3A_399 = tpu.memref_slice %arg3[%dma_wait3A_394, %dma_wait3A_395, %dma_wait3A_396, %dma_wait3A_397, %dma_wait3A_398] : memref<8x40x3x192x192xf32, #tpu.memory_space<hbm>> -> memref<1x1x3x192x192xf32, #tpu.memory_space<hbm>>
        %dma_wait3A_400 = tpu.memref_squeeze %dma_wait3A_399 : memref<1x1x3x192x192xf32, #tpu.memory_space<hbm>> -> memref<3x192x192xf32, #tpu.memory_space<hbm>>
        tpu.wait_dma2 semaphore(%arg31 : memref<!tpu.dma_semaphore, #tpu.memory_space<semaphore_mem>>) src(%dma_wait3A_400 : memref<3x192x192xf32, #tpu.memory_space<hbm>>) dst(%arg15 : memref<3x192x192xf32, #tpu.memory_space<vmem>>)
      } else {
      }
      %get3A_183 = arith.constant 0 : index
      %get3A_184 = arith.constant 0 : index
      %get3A_185 = arith.constant 0 : index
      %get3A_186 = vector.load %arg7[%get3A_183, %get3A_184, %get3A_185] : memref<3x192x192xf32, #tpu.memory_space<vmem>>, vector<3x192x192xf32>
      %get3A_187 = arith.constant 0 : index
      %get3A_188 = arith.constant 0 : index
      %get3A_189 = arith.constant 0 : index
      %get3A_190 = vector.load %arg15[%get3A_187, %get3A_188, %get3A_189] : memref<3x192x192xf32, #tpu.memory_space<vmem>>, vector<3x192x192xf32>
      %sub3A_191 = arith.subf %get3A_186, %get3A_190 : vector<3x192x192xf32>
      %abs3A_192 = math.absf %sub3A_191 : vector<3x192x192xf32>
      %slice3A_193 = vector.extract_strided_slice %abs3A_192 {offsets = [0, 0, 0], sizes = [1, 192, 192], strides = [1, 1, 1]} : vector<3x192x192xf32> to vector<1x192x192xf32>
      %squeeze3A_194 = vector.shape_cast %slice3A_193 : vector<1x192x192xf32> to vector<192x192xf32>
      %slice3A_195 = vector.extract_strided_slice %abs3A_192 {offsets = [1, 0, 0], sizes = [1, 192, 192], strides = [1, 1, 1]} : vector<3x192x192xf32> to vector<1x192x192xf32>
      %squeeze3A_196 = vector.shape_cast %slice3A_195 : vector<1x192x192xf32> to vector<192x192xf32>
      %add3A_197 = arith.addf %squeeze3A_194, %squeeze3A_196 : vector<192x192xf32>
      %slice3A_198 = vector.extract_strided_slice %abs3A_192 {offsets = [2, 0, 0], sizes = [1, 192, 192], strides = [1, 1, 1]} : vector<3x192x192xf32> to vector<1x192x192xf32>
      %squeeze3A_199 = vector.shape_cast %slice3A_198 : vector<1x192x192xf32> to vector<192x192xf32>
      %add3A_200 = arith.addf %add3A_197, %squeeze3A_199 : vector<192x192xf32>
      %lt3A_201 = arith.cmpi slt, %add3A_178, %sub3A_23 : i32
      %broadcast_in_dim3A_202 = arith.constant 0.000000e+00 : f32
      %broadcast_in_dim3A_203 = vector.broadcast %broadcast_in_dim3A_202 : f32 to vector<192x192xf32>
      %select_n3A_204 = arith.select %lt3A_201, %add3A_200, %broadcast_in_dim3A_203 : vector<192x192xf32>
      %add3A_205 = arith.addf %add3A_170, %select_n3A_204 : vector<192x192xf32>
      %add3A_206 = arith.constant 8 : i32
      %add3A_207 = arith.addi %add3A_178, %add3A_206 : i32
      %lt3A_208 = arith.cmpi slt, %add3A_207, %sub3A_23 : i32
      %convert_element_type3A_209 = arith.extui %lt3A_208 : i1 to i32
      %cond3A_210 = arith.constant 0 : i32
      %cond3A_211 = arith.cmpi ne, %convert_element_type3A_209, %cond3A_210 : i32
      scf.if %cond3A_211 {
        %add3A_387 = arith.constant 8 : i32
        %add3A_388 = arith.addi %add3A_178, %add3A_387 : i32
        %add3A_389 = arith.addi %select_n3A, %add3A_388 : i32
        %scan3A_390 = arith.constant 0 : i32
        %scan3A_391 = arith.constant 0 : i32
        %scan3A_392 = arith.constant 0 : i32
        %scan3A_393 = arith.constant 0 : i32
        %scan3A_394 = arith.constant 8 : i32
        %scan3A_395 = arith.addi %scan3A_393, %scan3A_394 : i32
        %scan3A_396 = arith.constant 1 : i32
        %scan3A_397:3 = scf.for %scan3A_409 = %scan3A_393 to %scan3A_395 step %scan3A_396 iter_args(%scan3A_410 = %scan3A_390, %scan3A_411 = %scan3A_391, %scan3A_412 = %scan3A_392) -> (i32, i32, i32)  : i32 {
          %get3A_413 = arith.index_cast %scan3A_409 : i32 to index
          %get3A_414 = memref.load %arg1[%get3A_413] : memref<8xi32, #tpu.memory_space<smem>>
          %add3A_415 = arith.addi %scan3A_411, %get3A_414 : i32
          %le3A = arith.cmpi sle, %add3A_415, %add3A_389 : i32
          %add3A_416 = arith.constant 1 : i32
          %add3A_417 = arith.addi %scan3A_410, %add3A_416 : i32
          %select_n3A_418 = arith.select %le3A, %add3A_417, %scan3A_410 : i32
          %select_n3A_419 = arith.select %le3A, %add3A_415, %scan3A_412 : i32
          scf.yield %select_n3A_418, %add3A_415, %select_n3A_419 : i32, i32, i32
        }
        %scan3A_398 = arith.constant 8 : i32
        %sub3A_399 = arith.subi %add3A_389, %scan3A_397#2 : i32
        %dma_start3A = arith.constant 0 : i32
        %dma_start3A_400 = arith.constant 0 : i32
        %dma_start3A_401 = arith.constant 0 : i32
        %dma_start3A_402 = tpu.memref_slice %arg2[%scan3A_397#0, %sub3A_399, %dma_start3A, %dma_start3A_400, %dma_start3A_401] : memref<8x40x3x192x192xf32, #tpu.memory_space<hbm>> -> memref<1x1x3x192x192xf32, #tpu.memory_space<hbm>>
        %dma_start3A_403 = tpu.memref_squeeze %dma_start3A_402 : memref<1x1x3x192x192xf32, #tpu.memory_space<hbm>> -> memref<3x192x192xf32, #tpu.memory_space<hbm>>
        tpu.enqueue_dma source(%dma_start3A_403 : memref<3x192x192xf32, #tpu.memory_space<hbm>>) target(%arg7 : memref<3x192x192xf32, #tpu.memory_space<vmem>>) target_semaphore(%arg23 : memref<!tpu.dma_semaphore, #tpu.memory_space<semaphore_mem>>)
        %dma_start3A_404 = arith.constant 0 : i32
        %dma_start3A_405 = arith.constant 0 : i32
        %dma_start3A_406 = arith.constant 0 : i32
        %dma_start3A_407 = tpu.memref_slice %arg3[%scan3A_397#0, %sub3A_399, %dma_start3A_404, %dma_start3A_405, %dma_start3A_406] : memref<8x40x3x192x192xf32, #tpu.memory_space<hbm>> -> memref<1x1x3x192x192xf32, #tpu.memory_space<hbm>>
        %dma_start3A_408 = tpu.memref_squeeze %dma_start3A_407 : memref<1x1x3x192x192xf32, #tpu.memory_space<hbm>> -> memref<3x192x192xf32, #tpu.memory_space<hbm>>
        tpu.enqueue_dma source(%dma_start3A_408 : memref<3x192x192xf32, #tpu.memory_space<hbm>>) target(%arg15 : memref<3x192x192xf32, #tpu.memory_space<vmem>>) target_semaphore(%arg31 : memref<!tpu.dma_semaphore, #tpu.memory_space<semaphore_mem>>)
      } else {
      }
      %add3A_212 = arith.constant 3 : i32
      %add3A_213 = arith.addi %mul3A_108, %add3A_212 : i32
      %lt3A_214 = arith.cmpi slt, %add3A_213, %sub3A_23 : i32
      %convert_element_type3A_215 = arith.extui %lt3A_214 : i1 to i32
      %cond3A_216 = arith.constant 0 : i32
      %cond3A_217 = arith.cmpi ne, %convert_element_type3A_215, %cond3A_216 : i32
      scf.if %cond3A_217 {
        %dma_wait3A_387 = arith.constant 0 : i32
        %dma_wait3A_388 = arith.constant 0 : i32
        %dma_wait3A_389 = arith.constant 0 : i32
        %dma_wait3A_390 = arith.constant 0 : i32
        %dma_wait3A_391 = arith.constant 0 : i32
        %dma_wait3A_392 = tpu.memref_slice %arg2[%dma_wait3A_387, %dma_wait3A_388, %dma_wait3A_389, %dma_wait3A_390, %dma_wait3A_391] : memref<8x40x3x192x192xf32, #tpu.memory_space<hbm>> -> memref<1x1x3x192x192xf32, #tpu.memory_space<hbm>>
        %dma_wait3A_393 = tpu.memref_squeeze %dma_wait3A_392 : memref<1x1x3x192x192xf32, #tpu.memory_space<hbm>> -> memref<3x192x192xf32, #tpu.memory_space<hbm>>
        tpu.wait_dma2 semaphore(%arg24 : memref<!tpu.dma_semaphore, #tpu.memory_space<semaphore_mem>>) src(%dma_wait3A_393 : memref<3x192x192xf32, #tpu.memory_space<hbm>>) dst(%arg8 : memref<3x192x192xf32, #tpu.memory_space<vmem>>)
        %dma_wait3A_394 = arith.constant 0 : i32
        %dma_wait3A_395 = arith.constant 0 : i32
        %dma_wait3A_396 = arith.constant 0 : i32
        %dma_wait3A_397 = arith.constant 0 : i32
        %dma_wait3A_398 = arith.constant 0 : i32
        %dma_wait3A_399 = tpu.memref_slice %arg3[%dma_wait3A_394, %dma_wait3A_395, %dma_wait3A_396, %dma_wait3A_397, %dma_wait3A_398] : memref<8x40x3x192x192xf32, #tpu.memory_space<hbm>> -> memref<1x1x3x192x192xf32, #tpu.memory_space<hbm>>
        %dma_wait3A_400 = tpu.memref_squeeze %dma_wait3A_399 : memref<1x1x3x192x192xf32, #tpu.memory_space<hbm>> -> memref<3x192x192xf32, #tpu.memory_space<hbm>>
        tpu.wait_dma2 semaphore(%arg32 : memref<!tpu.dma_semaphore, #tpu.memory_space<semaphore_mem>>) src(%dma_wait3A_400 : memref<3x192x192xf32, #tpu.memory_space<hbm>>) dst(%arg16 : memref<3x192x192xf32, #tpu.memory_space<vmem>>)
      } else {
      }
      %get3A_218 = arith.constant 0 : index
      %get3A_219 = arith.constant 0 : index
      %get3A_220 = arith.constant 0 : index
      %get3A_221 = vector.load %arg8[%get3A_218, %get3A_219, %get3A_220] : memref<3x192x192xf32, #tpu.memory_space<vmem>>, vector<3x192x192xf32>
      %get3A_222 = arith.constant 0 : index
      %get3A_223 = arith.constant 0 : index
      %get3A_224 = arith.constant 0 : index
      %get3A_225 = vector.load %arg16[%get3A_222, %get3A_223, %get3A_224] : memref<3x192x192xf32, #tpu.memory_space<vmem>>, vector<3x192x192xf32>
      %sub3A_226 = arith.subf %get3A_221, %get3A_225 : vector<3x192x192xf32>
      %abs3A_227 = math.absf %sub3A_226 : vector<3x192x192xf32>
      %slice3A_228 = vector.extract_strided_slice %abs3A_227 {offsets = [0, 0, 0], sizes = [1, 192, 192], strides = [1, 1, 1]} : vector<3x192x192xf32> to vector<1x192x192xf32>
      %squeeze3A_229 = vector.shape_cast %slice3A_228 : vector<1x192x192xf32> to vector<192x192xf32>
      %slice3A_230 = vector.extract_strided_slice %abs3A_227 {offsets = [1, 0, 0], sizes = [1, 192, 192], strides = [1, 1, 1]} : vector<3x192x192xf32> to vector<1x192x192xf32>
      %squeeze3A_231 = vector.shape_cast %slice3A_230 : vector<1x192x192xf32> to vector<192x192xf32>
      %add3A_232 = arith.addf %squeeze3A_229, %squeeze3A_231 : vector<192x192xf32>
      %slice3A_233 = vector.extract_strided_slice %abs3A_227 {offsets = [2, 0, 0], sizes = [1, 192, 192], strides = [1, 1, 1]} : vector<3x192x192xf32> to vector<1x192x192xf32>
      %squeeze3A_234 = vector.shape_cast %slice3A_233 : vector<1x192x192xf32> to vector<192x192xf32>
      %add3A_235 = arith.addf %add3A_232, %squeeze3A_234 : vector<192x192xf32>
      %lt3A_236 = arith.cmpi slt, %add3A_213, %sub3A_23 : i32
      %broadcast_in_dim3A_237 = arith.constant 0.000000e+00 : f32
      %broadcast_in_dim3A_238 = vector.broadcast %broadcast_in_dim3A_237 : f32 to vector<192x192xf32>
      %select_n3A_239 = arith.select %lt3A_236, %add3A_235, %broadcast_in_dim3A_238 : vector<192x192xf32>
      %add3A_240 = arith.addf %add3A_205, %select_n3A_239 : vector<192x192xf32>
      %add3A_241 = arith.constant 8 : i32
      %add3A_242 = arith.addi %add3A_213, %add3A_241 : i32
      %lt3A_243 = arith.cmpi slt, %add3A_242, %sub3A_23 : i32
      %convert_element_type3A_244 = arith.extui %lt3A_243 : i1 to i32
      %cond3A_245 = arith.constant 0 : i32
      %cond3A_246 = arith.cmpi ne, %convert_element_type3A_244, %cond3A_245 : i32
      scf.if %cond3A_246 {
        %add3A_387 = arith.constant 8 : i32
        %add3A_388 = arith.addi %add3A_213, %add3A_387 : i32
        %add3A_389 = arith.addi %select_n3A, %add3A_388 : i32
        %scan3A_390 = arith.constant 0 : i32
        %scan3A_391 = arith.constant 0 : i32
        %scan3A_392 = arith.constant 0 : i32
        %scan3A_393 = arith.constant 0 : i32
        %scan3A_394 = arith.constant 8 : i32
        %scan3A_395 = arith.addi %scan3A_393, %scan3A_394 : i32
        %scan3A_396 = arith.constant 1 : i32
        %scan3A_397:3 = scf.for %scan3A_409 = %scan3A_393 to %scan3A_395 step %scan3A_396 iter_args(%scan3A_410 = %scan3A_390, %scan3A_411 = %scan3A_391, %scan3A_412 = %scan3A_392) -> (i32, i32, i32)  : i32 {
          %get3A_413 = arith.index_cast %scan3A_409 : i32 to index
          %get3A_414 = memref.load %arg1[%get3A_413] : memref<8xi32, #tpu.memory_space<smem>>
          %add3A_415 = arith.addi %scan3A_411, %get3A_414 : i32
          %le3A = arith.cmpi sle, %add3A_415, %add3A_389 : i32
          %add3A_416 = arith.constant 1 : i32
          %add3A_417 = arith.addi %scan3A_410, %add3A_416 : i32
          %select_n3A_418 = arith.select %le3A, %add3A_417, %scan3A_410 : i32
          %select_n3A_419 = arith.select %le3A, %add3A_415, %scan3A_412 : i32
          scf.yield %select_n3A_418, %add3A_415, %select_n3A_419 : i32, i32, i32
        }
        %scan3A_398 = arith.constant 8 : i32
        %sub3A_399 = arith.subi %add3A_389, %scan3A_397#2 : i32
        %dma_start3A = arith.constant 0 : i32
        %dma_start3A_400 = arith.constant 0 : i32
        %dma_start3A_401 = arith.constant 0 : i32
        %dma_start3A_402 = tpu.memref_slice %arg2[%scan3A_397#0, %sub3A_399, %dma_start3A, %dma_start3A_400, %dma_start3A_401] : memref<8x40x3x192x192xf32, #tpu.memory_space<hbm>> -> memref<1x1x3x192x192xf32, #tpu.memory_space<hbm>>
        %dma_start3A_403 = tpu.memref_squeeze %dma_start3A_402 : memref<1x1x3x192x192xf32, #tpu.memory_space<hbm>> -> memref<3x192x192xf32, #tpu.memory_space<hbm>>
        tpu.enqueue_dma source(%dma_start3A_403 : memref<3x192x192xf32, #tpu.memory_space<hbm>>) target(%arg8 : memref<3x192x192xf32, #tpu.memory_space<vmem>>) target_semaphore(%arg24 : memref<!tpu.dma_semaphore, #tpu.memory_space<semaphore_mem>>)
        %dma_start3A_404 = arith.constant 0 : i32
        %dma_start3A_405 = arith.constant 0 : i32
        %dma_start3A_406 = arith.constant 0 : i32
        %dma_start3A_407 = tpu.memref_slice %arg3[%scan3A_397#0, %sub3A_399, %dma_start3A_404, %dma_start3A_405, %dma_start3A_406] : memref<8x40x3x192x192xf32, #tpu.memory_space<hbm>> -> memref<1x1x3x192x192xf32, #tpu.memory_space<hbm>>
        %dma_start3A_408 = tpu.memref_squeeze %dma_start3A_407 : memref<1x1x3x192x192xf32, #tpu.memory_space<hbm>> -> memref<3x192x192xf32, #tpu.memory_space<hbm>>
        tpu.enqueue_dma source(%dma_start3A_408 : memref<3x192x192xf32, #tpu.memory_space<hbm>>) target(%arg16 : memref<3x192x192xf32, #tpu.memory_space<vmem>>) target_semaphore(%arg32 : memref<!tpu.dma_semaphore, #tpu.memory_space<semaphore_mem>>)
      } else {
      }
      %add3A_247 = arith.constant 4 : i32
      %add3A_248 = arith.addi %mul3A_108, %add3A_247 : i32
      %lt3A_249 = arith.cmpi slt, %add3A_248, %sub3A_23 : i32
      %convert_element_type3A_250 = arith.extui %lt3A_249 : i1 to i32
      %cond3A_251 = arith.constant 0 : i32
      %cond3A_252 = arith.cmpi ne, %convert_element_type3A_250, %cond3A_251 : i32
      scf.if %cond3A_252 {
        %dma_wait3A_387 = arith.constant 0 : i32
        %dma_wait3A_388 = arith.constant 0 : i32
        %dma_wait3A_389 = arith.constant 0 : i32
        %dma_wait3A_390 = arith.constant 0 : i32
        %dma_wait3A_391 = arith.constant 0 : i32
        %dma_wait3A_392 = tpu.memref_slice %arg2[%dma_wait3A_387, %dma_wait3A_388, %dma_wait3A_389, %dma_wait3A_390, %dma_wait3A_391] : memref<8x40x3x192x192xf32, #tpu.memory_space<hbm>> -> memref<1x1x3x192x192xf32, #tpu.memory_space<hbm>>
        %dma_wait3A_393 = tpu.memref_squeeze %dma_wait3A_392 : memref<1x1x3x192x192xf32, #tpu.memory_space<hbm>> -> memref<3x192x192xf32, #tpu.memory_space<hbm>>
        tpu.wait_dma2 semaphore(%arg25 : memref<!tpu.dma_semaphore, #tpu.memory_space<semaphore_mem>>) src(%dma_wait3A_393 : memref<3x192x192xf32, #tpu.memory_space<hbm>>) dst(%arg9 : memref<3x192x192xf32, #tpu.memory_space<vmem>>)
        %dma_wait3A_394 = arith.constant 0 : i32
        %dma_wait3A_395 = arith.constant 0 : i32
        %dma_wait3A_396 = arith.constant 0 : i32
        %dma_wait3A_397 = arith.constant 0 : i32
        %dma_wait3A_398 = arith.constant 0 : i32
        %dma_wait3A_399 = tpu.memref_slice %arg3[%dma_wait3A_394, %dma_wait3A_395, %dma_wait3A_396, %dma_wait3A_397, %dma_wait3A_398] : memref<8x40x3x192x192xf32, #tpu.memory_space<hbm>> -> memref<1x1x3x192x192xf32, #tpu.memory_space<hbm>>
        %dma_wait3A_400 = tpu.memref_squeeze %dma_wait3A_399 : memref<1x1x3x192x192xf32, #tpu.memory_space<hbm>> -> memref<3x192x192xf32, #tpu.memory_space<hbm>>
        tpu.wait_dma2 semaphore(%arg33 : memref<!tpu.dma_semaphore, #tpu.memory_space<semaphore_mem>>) src(%dma_wait3A_400 : memref<3x192x192xf32, #tpu.memory_space<hbm>>) dst(%arg17 : memref<3x192x192xf32, #tpu.memory_space<vmem>>)
      } else {
      }
      %get3A_253 = arith.constant 0 : index
      %get3A_254 = arith.constant 0 : index
      %get3A_255 = arith.constant 0 : index
      %get3A_256 = vector.load %arg9[%get3A_253, %get3A_254, %get3A_255] : memref<3x192x192xf32, #tpu.memory_space<vmem>>, vector<3x192x192xf32>
      %get3A_257 = arith.constant 0 : index
      %get3A_258 = arith.constant 0 : index
      %get3A_259 = arith.constant 0 : index
      %get3A_260 = vector.load %arg17[%get3A_257, %get3A_258, %get3A_259] : memref<3x192x192xf32, #tpu.memory_space<vmem>>, vector<3x192x192xf32>
      %sub3A_261 = arith.subf %get3A_256, %get3A_260 : vector<3x192x192xf32>
      %abs3A_262 = math.absf %sub3A_261 : vector<3x192x192xf32>
      %slice3A_263 = vector.extract_strided_slice %abs3A_262 {offsets = [0, 0, 0], sizes = [1, 192, 192], strides = [1, 1, 1]} : vector<3x192x192xf32> to vector<1x192x192xf32>
      %squeeze3A_264 = vector.shape_cast %slice3A_263 : vector<1x192x192xf32> to vector<192x192xf32>
      %slice3A_265 = vector.extract_strided_slice %abs3A_262 {offsets = [1, 0, 0], sizes = [1, 192, 192], strides = [1, 1, 1]} : vector<3x192x192xf32> to vector<1x192x192xf32>
      %squeeze3A_266 = vector.shape_cast %slice3A_265 : vector<1x192x192xf32> to vector<192x192xf32>
      %add3A_267 = arith.addf %squeeze3A_264, %squeeze3A_266 : vector<192x192xf32>
      %slice3A_268 = vector.extract_strided_slice %abs3A_262 {offsets = [2, 0, 0], sizes = [1, 192, 192], strides = [1, 1, 1]} : vector<3x192x192xf32> to vector<1x192x192xf32>
      %squeeze3A_269 = vector.shape_cast %slice3A_268 : vector<1x192x192xf32> to vector<192x192xf32>
      %add3A_270 = arith.addf %add3A_267, %squeeze3A_269 : vector<192x192xf32>
      %lt3A_271 = arith.cmpi slt, %add3A_248, %sub3A_23 : i32
      %broadcast_in_dim3A_272 = arith.constant 0.000000e+00 : f32
      %broadcast_in_dim3A_273 = vector.broadcast %broadcast_in_dim3A_272 : f32 to vector<192x192xf32>
      %select_n3A_274 = arith.select %lt3A_271, %add3A_270, %broadcast_in_dim3A_273 : vector<192x192xf32>
      %add3A_275 = arith.addf %add3A_240, %select_n3A_274 : vector<192x192xf32>
      %add3A_276 = arith.constant 8 : i32
      %add3A_277 = arith.addi %add3A_248, %add3A_276 : i32
      %lt3A_278 = arith.cmpi slt, %add3A_277, %sub3A_23 : i32
      %convert_element_type3A_279 = arith.extui %lt3A_278 : i1 to i32
      %cond3A_280 = arith.constant 0 : i32
      %cond3A_281 = arith.cmpi ne, %convert_element_type3A_279, %cond3A_280 : i32
      scf.if %cond3A_281 {
        %add3A_387 = arith.constant 8 : i32
        %add3A_388 = arith.addi %add3A_248, %add3A_387 : i32
        %add3A_389 = arith.addi %select_n3A, %add3A_388 : i32
        %scan3A_390 = arith.constant 0 : i32
        %scan3A_391 = arith.constant 0 : i32
        %scan3A_392 = arith.constant 0 : i32
        %scan3A_393 = arith.constant 0 : i32
        %scan3A_394 = arith.constant 8 : i32
        %scan3A_395 = arith.addi %scan3A_393, %scan3A_394 : i32
        %scan3A_396 = arith.constant 1 : i32
        %scan3A_397:3 = scf.for %scan3A_409 = %scan3A_393 to %scan3A_395 step %scan3A_396 iter_args(%scan3A_410 = %scan3A_390, %scan3A_411 = %scan3A_391, %scan3A_412 = %scan3A_392) -> (i32, i32, i32)  : i32 {
          %get3A_413 = arith.index_cast %scan3A_409 : i32 to index
          %get3A_414 = memref.load %arg1[%get3A_413] : memref<8xi32, #tpu.memory_space<smem>>
          %add3A_415 = arith.addi %scan3A_411, %get3A_414 : i32
          %le3A = arith.cmpi sle, %add3A_415, %add3A_389 : i32
          %add3A_416 = arith.constant 1 : i32
          %add3A_417 = arith.addi %scan3A_410, %add3A_416 : i32
          %select_n3A_418 = arith.select %le3A, %add3A_417, %scan3A_410 : i32
          %select_n3A_419 = arith.select %le3A, %add3A_415, %scan3A_412 : i32
          scf.yield %select_n3A_418, %add3A_415, %select_n3A_419 : i32, i32, i32
        }
        %scan3A_398 = arith.constant 8 : i32
        %sub3A_399 = arith.subi %add3A_389, %scan3A_397#2 : i32
        %dma_start3A = arith.constant 0 : i32
        %dma_start3A_400 = arith.constant 0 : i32
        %dma_start3A_401 = arith.constant 0 : i32
        %dma_start3A_402 = tpu.memref_slice %arg2[%scan3A_397#0, %sub3A_399, %dma_start3A, %dma_start3A_400, %dma_start3A_401] : memref<8x40x3x192x192xf32, #tpu.memory_space<hbm>> -> memref<1x1x3x192x192xf32, #tpu.memory_space<hbm>>
        %dma_start3A_403 = tpu.memref_squeeze %dma_start3A_402 : memref<1x1x3x192x192xf32, #tpu.memory_space<hbm>> -> memref<3x192x192xf32, #tpu.memory_space<hbm>>
        tpu.enqueue_dma source(%dma_start3A_403 : memref<3x192x192xf32, #tpu.memory_space<hbm>>) target(%arg9 : memref<3x192x192xf32, #tpu.memory_space<vmem>>) target_semaphore(%arg25 : memref<!tpu.dma_semaphore, #tpu.memory_space<semaphore_mem>>)
        %dma_start3A_404 = arith.constant 0 : i32
        %dma_start3A_405 = arith.constant 0 : i32
        %dma_start3A_406 = arith.constant 0 : i32
        %dma_start3A_407 = tpu.memref_slice %arg3[%scan3A_397#0, %sub3A_399, %dma_start3A_404, %dma_start3A_405, %dma_start3A_406] : memref<8x40x3x192x192xf32, #tpu.memory_space<hbm>> -> memref<1x1x3x192x192xf32, #tpu.memory_space<hbm>>
        %dma_start3A_408 = tpu.memref_squeeze %dma_start3A_407 : memref<1x1x3x192x192xf32, #tpu.memory_space<hbm>> -> memref<3x192x192xf32, #tpu.memory_space<hbm>>
        tpu.enqueue_dma source(%dma_start3A_408 : memref<3x192x192xf32, #tpu.memory_space<hbm>>) target(%arg17 : memref<3x192x192xf32, #tpu.memory_space<vmem>>) target_semaphore(%arg33 : memref<!tpu.dma_semaphore, #tpu.memory_space<semaphore_mem>>)
      } else {
      }
      %add3A_282 = arith.constant 5 : i32
      %add3A_283 = arith.addi %mul3A_108, %add3A_282 : i32
      %lt3A_284 = arith.cmpi slt, %add3A_283, %sub3A_23 : i32
      %convert_element_type3A_285 = arith.extui %lt3A_284 : i1 to i32
      %cond3A_286 = arith.constant 0 : i32
      %cond3A_287 = arith.cmpi ne, %convert_element_type3A_285, %cond3A_286 : i32
      scf.if %cond3A_287 {
        %dma_wait3A_387 = arith.constant 0 : i32
        %dma_wait3A_388 = arith.constant 0 : i32
        %dma_wait3A_389 = arith.constant 0 : i32
        %dma_wait3A_390 = arith.constant 0 : i32
        %dma_wait3A_391 = arith.constant 0 : i32
        %dma_wait3A_392 = tpu.memref_slice %arg2[%dma_wait3A_387, %dma_wait3A_388, %dma_wait3A_389, %dma_wait3A_390, %dma_wait3A_391] : memref<8x40x3x192x192xf32, #tpu.memory_space<hbm>> -> memref<1x1x3x192x192xf32, #tpu.memory_space<hbm>>
        %dma_wait3A_393 = tpu.memref_squeeze %dma_wait3A_392 : memref<1x1x3x192x192xf32, #tpu.memory_space<hbm>> -> memref<3x192x192xf32, #tpu.memory_space<hbm>>
        tpu.wait_dma2 semaphore(%arg26 : memref<!tpu.dma_semaphore, #tpu.memory_space<semaphore_mem>>) src(%dma_wait3A_393 : memref<3x192x192xf32, #tpu.memory_space<hbm>>) dst(%arg10 : memref<3x192x192xf32, #tpu.memory_space<vmem>>)
        %dma_wait3A_394 = arith.constant 0 : i32
        %dma_wait3A_395 = arith.constant 0 : i32
        %dma_wait3A_396 = arith.constant 0 : i32
        %dma_wait3A_397 = arith.constant 0 : i32
        %dma_wait3A_398 = arith.constant 0 : i32
        %dma_wait3A_399 = tpu.memref_slice %arg3[%dma_wait3A_394, %dma_wait3A_395, %dma_wait3A_396, %dma_wait3A_397, %dma_wait3A_398] : memref<8x40x3x192x192xf32, #tpu.memory_space<hbm>> -> memref<1x1x3x192x192xf32, #tpu.memory_space<hbm>>
        %dma_wait3A_400 = tpu.memref_squeeze %dma_wait3A_399 : memref<1x1x3x192x192xf32, #tpu.memory_space<hbm>> -> memref<3x192x192xf32, #tpu.memory_space<hbm>>
        tpu.wait_dma2 semaphore(%arg34 : memref<!tpu.dma_semaphore, #tpu.memory_space<semaphore_mem>>) src(%dma_wait3A_400 : memref<3x192x192xf32, #tpu.memory_space<hbm>>) dst(%arg18 : memref<3x192x192xf32, #tpu.memory_space<vmem>>)
      } else {
      }
      %get3A_288 = arith.constant 0 : index
      %get3A_289 = arith.constant 0 : index
      %get3A_290 = arith.constant 0 : index
      %get3A_291 = vector.load %arg10[%get3A_288, %get3A_289, %get3A_290] : memref<3x192x192xf32, #tpu.memory_space<vmem>>, vector<3x192x192xf32>
      %get3A_292 = arith.constant 0 : index
      %get3A_293 = arith.constant 0 : index
      %get3A_294 = arith.constant 0 : index
      %get3A_295 = vector.load %arg18[%get3A_292, %get3A_293, %get3A_294] : memref<3x192x192xf32, #tpu.memory_space<vmem>>, vector<3x192x192xf32>
      %sub3A_296 = arith.subf %get3A_291, %get3A_295 : vector<3x192x192xf32>
      %abs3A_297 = math.absf %sub3A_296 : vector<3x192x192xf32>
      %slice3A_298 = vector.extract_strided_slice %abs3A_297 {offsets = [0, 0, 0], sizes = [1, 192, 192], strides = [1, 1, 1]} : vector<3x192x192xf32> to vector<1x192x192xf32>
      %squeeze3A_299 = vector.shape_cast %slice3A_298 : vector<1x192x192xf32> to vector<192x192xf32>
      %slice3A_300 = vector.extract_strided_slice %abs3A_297 {offsets = [1, 0, 0], sizes = [1, 192, 192], strides = [1, 1, 1]} : vector<3x192x192xf32> to vector<1x192x192xf32>
      %squeeze3A_301 = vector.shape_cast %slice3A_300 : vector<1x192x192xf32> to vector<192x192xf32>
      %add3A_302 = arith.addf %squeeze3A_299, %squeeze3A_301 : vector<192x192xf32>
      %slice3A_303 = vector.extract_strided_slice %abs3A_297 {offsets = [2, 0, 0], sizes = [1, 192, 192], strides = [1, 1, 1]} : vector<3x192x192xf32> to vector<1x192x192xf32>
      %squeeze3A_304 = vector.shape_cast %slice3A_303 : vector<1x192x192xf32> to vector<192x192xf32>
      %add3A_305 = arith.addf %add3A_302, %squeeze3A_304 : vector<192x192xf32>
      %lt3A_306 = arith.cmpi slt, %add3A_283, %sub3A_23 : i32
      %broadcast_in_dim3A_307 = arith.constant 0.000000e+00 : f32
      %broadcast_in_dim3A_308 = vector.broadcast %broadcast_in_dim3A_307 : f32 to vector<192x192xf32>
      %select_n3A_309 = arith.select %lt3A_306, %add3A_305, %broadcast_in_dim3A_308 : vector<192x192xf32>
      %add3A_310 = arith.addf %add3A_275, %select_n3A_309 : vector<192x192xf32>
      %add3A_311 = arith.constant 8 : i32
      %add3A_312 = arith.addi %add3A_283, %add3A_311 : i32
      %lt3A_313 = arith.cmpi slt, %add3A_312, %sub3A_23 : i32
      %convert_element_type3A_314 = arith.extui %lt3A_313 : i1 to i32
      %cond3A_315 = arith.constant 0 : i32
      %cond3A_316 = arith.cmpi ne, %convert_element_type3A_314, %cond3A_315 : i32
      scf.if %cond3A_316 {
        %add3A_387 = arith.constant 8 : i32
        %add3A_388 = arith.addi %add3A_283, %add3A_387 : i32
        %add3A_389 = arith.addi %select_n3A, %add3A_388 : i32
        %scan3A_390 = arith.constant 0 : i32
        %scan3A_391 = arith.constant 0 : i32
        %scan3A_392 = arith.constant 0 : i32
        %scan3A_393 = arith.constant 0 : i32
        %scan3A_394 = arith.constant 8 : i32
        %scan3A_395 = arith.addi %scan3A_393, %scan3A_394 : i32
        %scan3A_396 = arith.constant 1 : i32
        %scan3A_397:3 = scf.for %scan3A_409 = %scan3A_393 to %scan3A_395 step %scan3A_396 iter_args(%scan3A_410 = %scan3A_390, %scan3A_411 = %scan3A_391, %scan3A_412 = %scan3A_392) -> (i32, i32, i32)  : i32 {
          %get3A_413 = arith.index_cast %scan3A_409 : i32 to index
          %get3A_414 = memref.load %arg1[%get3A_413] : memref<8xi32, #tpu.memory_space<smem>>
          %add3A_415 = arith.addi %scan3A_411, %get3A_414 : i32
          %le3A = arith.cmpi sle, %add3A_415, %add3A_389 : i32
          %add3A_416 = arith.constant 1 : i32
          %add3A_417 = arith.addi %scan3A_410, %add3A_416 : i32
          %select_n3A_418 = arith.select %le3A, %add3A_417, %scan3A_410 : i32
          %select_n3A_419 = arith.select %le3A, %add3A_415, %scan3A_412 : i32
          scf.yield %select_n3A_418, %add3A_415, %select_n3A_419 : i32, i32, i32
        }
        %scan3A_398 = arith.constant 8 : i32
        %sub3A_399 = arith.subi %add3A_389, %scan3A_397#2 : i32
        %dma_start3A = arith.constant 0 : i32
        %dma_start3A_400 = arith.constant 0 : i32
        %dma_start3A_401 = arith.constant 0 : i32
        %dma_start3A_402 = tpu.memref_slice %arg2[%scan3A_397#0, %sub3A_399, %dma_start3A, %dma_start3A_400, %dma_start3A_401] : memref<8x40x3x192x192xf32, #tpu.memory_space<hbm>> -> memref<1x1x3x192x192xf32, #tpu.memory_space<hbm>>
        %dma_start3A_403 = tpu.memref_squeeze %dma_start3A_402 : memref<1x1x3x192x192xf32, #tpu.memory_space<hbm>> -> memref<3x192x192xf32, #tpu.memory_space<hbm>>
        tpu.enqueue_dma source(%dma_start3A_403 : memref<3x192x192xf32, #tpu.memory_space<hbm>>) target(%arg10 : memref<3x192x192xf32, #tpu.memory_space<vmem>>) target_semaphore(%arg26 : memref<!tpu.dma_semaphore, #tpu.memory_space<semaphore_mem>>)
        %dma_start3A_404 = arith.constant 0 : i32
        %dma_start3A_405 = arith.constant 0 : i32
        %dma_start3A_406 = arith.constant 0 : i32
        %dma_start3A_407 = tpu.memref_slice %arg3[%scan3A_397#0, %sub3A_399, %dma_start3A_404, %dma_start3A_405, %dma_start3A_406] : memref<8x40x3x192x192xf32, #tpu.memory_space<hbm>> -> memref<1x1x3x192x192xf32, #tpu.memory_space<hbm>>
        %dma_start3A_408 = tpu.memref_squeeze %dma_start3A_407 : memref<1x1x3x192x192xf32, #tpu.memory_space<hbm>> -> memref<3x192x192xf32, #tpu.memory_space<hbm>>
        tpu.enqueue_dma source(%dma_start3A_408 : memref<3x192x192xf32, #tpu.memory_space<hbm>>) target(%arg18 : memref<3x192x192xf32, #tpu.memory_space<vmem>>) target_semaphore(%arg34 : memref<!tpu.dma_semaphore, #tpu.memory_space<semaphore_mem>>)
      } else {
      }
      %add3A_317 = arith.constant 6 : i32
      %add3A_318 = arith.addi %mul3A_108, %add3A_317 : i32
      %lt3A_319 = arith.cmpi slt, %add3A_318, %sub3A_23 : i32
      %convert_element_type3A_320 = arith.extui %lt3A_319 : i1 to i32
      %cond3A_321 = arith.constant 0 : i32
      %cond3A_322 = arith.cmpi ne, %convert_element_type3A_320, %cond3A_321 : i32
      scf.if %cond3A_322 {
        %dma_wait3A_387 = arith.constant 0 : i32
        %dma_wait3A_388 = arith.constant 0 : i32
        %dma_wait3A_389 = arith.constant 0 : i32
        %dma_wait3A_390 = arith.constant 0 : i32
        %dma_wait3A_391 = arith.constant 0 : i32
        %dma_wait3A_392 = tpu.memref_slice %arg2[%dma_wait3A_387, %dma_wait3A_388, %dma_wait3A_389, %dma_wait3A_390, %dma_wait3A_391] : memref<8x40x3x192x192xf32, #tpu.memory_space<hbm>> -> memref<1x1x3x192x192xf32, #tpu.memory_space<hbm>>
        %dma_wait3A_393 = tpu.memref_squeeze %dma_wait3A_392 : memref<1x1x3x192x192xf32, #tpu.memory_space<hbm>> -> memref<3x192x192xf32, #tpu.memory_space<hbm>>
        tpu.wait_dma2 semaphore(%arg27 : memref<!tpu.dma_semaphore, #tpu.memory_space<semaphore_mem>>) src(%dma_wait3A_393 : memref<3x192x192xf32, #tpu.memory_space<hbm>>) dst(%arg11 : memref<3x192x192xf32, #tpu.memory_space<vmem>>)
        %dma_wait3A_394 = arith.constant 0 : i32
        %dma_wait3A_395 = arith.constant 0 : i32
        %dma_wait3A_396 = arith.constant 0 : i32
        %dma_wait3A_397 = arith.constant 0 : i32
        %dma_wait3A_398 = arith.constant 0 : i32
        %dma_wait3A_399 = tpu.memref_slice %arg3[%dma_wait3A_394, %dma_wait3A_395, %dma_wait3A_396, %dma_wait3A_397, %dma_wait3A_398] : memref<8x40x3x192x192xf32, #tpu.memory_space<hbm>> -> memref<1x1x3x192x192xf32, #tpu.memory_space<hbm>>
        %dma_wait3A_400 = tpu.memref_squeeze %dma_wait3A_399 : memref<1x1x3x192x192xf32, #tpu.memory_space<hbm>> -> memref<3x192x192xf32, #tpu.memory_space<hbm>>
        tpu.wait_dma2 semaphore(%arg35 : memref<!tpu.dma_semaphore, #tpu.memory_space<semaphore_mem>>) src(%dma_wait3A_400 : memref<3x192x192xf32, #tpu.memory_space<hbm>>) dst(%arg19 : memref<3x192x192xf32, #tpu.memory_space<vmem>>)
      } else {
      }
      %get3A_323 = arith.constant 0 : index
      %get3A_324 = arith.constant 0 : index
      %get3A_325 = arith.constant 0 : index
      %get3A_326 = vector.load %arg11[%get3A_323, %get3A_324, %get3A_325] : memref<3x192x192xf32, #tpu.memory_space<vmem>>, vector<3x192x192xf32>
      %get3A_327 = arith.constant 0 : index
      %get3A_328 = arith.constant 0 : index
      %get3A_329 = arith.constant 0 : index
      %get3A_330 = vector.load %arg19[%get3A_327, %get3A_328, %get3A_329] : memref<3x192x192xf32, #tpu.memory_space<vmem>>, vector<3x192x192xf32>
      %sub3A_331 = arith.subf %get3A_326, %get3A_330 : vector<3x192x192xf32>
      %abs3A_332 = math.absf %sub3A_331 : vector<3x192x192xf32>
      %slice3A_333 = vector.extract_strided_slice %abs3A_332 {offsets = [0, 0, 0], sizes = [1, 192, 192], strides = [1, 1, 1]} : vector<3x192x192xf32> to vector<1x192x192xf32>
      %squeeze3A_334 = vector.shape_cast %slice3A_333 : vector<1x192x192xf32> to vector<192x192xf32>
      %slice3A_335 = vector.extract_strided_slice %abs3A_332 {offsets = [1, 0, 0], sizes = [1, 192, 192], strides = [1, 1, 1]} : vector<3x192x192xf32> to vector<1x192x192xf32>
      %squeeze3A_336 = vector.shape_cast %slice3A_335 : vector<1x192x192xf32> to vector<192x192xf32>
      %add3A_337 = arith.addf %squeeze3A_334, %squeeze3A_336 : vector<192x192xf32>
      %slice3A_338 = vector.extract_strided_slice %abs3A_332 {offsets = [2, 0, 0], sizes = [1, 192, 192], strides = [1, 1, 1]} : vector<3x192x192xf32> to vector<1x192x192xf32>
      %squeeze3A_339 = vector.shape_cast %slice3A_338 : vector<1x192x192xf32> to vector<192x192xf32>
      %add3A_340 = arith.addf %add3A_337, %squeeze3A_339 : vector<192x192xf32>
      %lt3A_341 = arith.cmpi slt, %add3A_318, %sub3A_23 : i32
      %broadcast_in_dim3A_342 = arith.constant 0.000000e+00 : f32
      %broadcast_in_dim3A_343 = vector.broadcast %broadcast_in_dim3A_342 : f32 to vector<192x192xf32>
      %select_n3A_344 = arith.select %lt3A_341, %add3A_340, %broadcast_in_dim3A_343 : vector<192x192xf32>
      %add3A_345 = arith.addf %add3A_310, %select_n3A_344 : vector<192x192xf32>
      %add3A_346 = arith.constant 8 : i32
      %add3A_347 = arith.addi %add3A_318, %add3A_346 : i32
      %lt3A_348 = arith.cmpi slt, %add3A_347, %sub3A_23 : i32
      %convert_element_type3A_349 = arith.extui %lt3A_348 : i1 to i32
      %cond3A_350 = arith.constant 0 : i32
      %cond3A_351 = arith.cmpi ne, %convert_element_type3A_349, %cond3A_350 : i32
      scf.if %cond3A_351 {
        %add3A_387 = arith.constant 8 : i32
        %add3A_388 = arith.addi %add3A_318, %add3A_387 : i32
        %add3A_389 = arith.addi %select_n3A, %add3A_388 : i32
        %scan3A_390 = arith.constant 0 : i32
        %scan3A_391 = arith.constant 0 : i32
        %scan3A_392 = arith.constant 0 : i32
        %scan3A_393 = arith.constant 0 : i32
        %scan3A_394 = arith.constant 8 : i32
        %scan3A_395 = arith.addi %scan3A_393, %scan3A_394 : i32
        %scan3A_396 = arith.constant 1 : i32
        %scan3A_397:3 = scf.for %scan3A_409 = %scan3A_393 to %scan3A_395 step %scan3A_396 iter_args(%scan3A_410 = %scan3A_390, %scan3A_411 = %scan3A_391, %scan3A_412 = %scan3A_392) -> (i32, i32, i32)  : i32 {
          %get3A_413 = arith.index_cast %scan3A_409 : i32 to index
          %get3A_414 = memref.load %arg1[%get3A_413] : memref<8xi32, #tpu.memory_space<smem>>
          %add3A_415 = arith.addi %scan3A_411, %get3A_414 : i32
          %le3A = arith.cmpi sle, %add3A_415, %add3A_389 : i32
          %add3A_416 = arith.constant 1 : i32
          %add3A_417 = arith.addi %scan3A_410, %add3A_416 : i32
          %select_n3A_418 = arith.select %le3A, %add3A_417, %scan3A_410 : i32
          %select_n3A_419 = arith.select %le3A, %add3A_415, %scan3A_412 : i32
          scf.yield %select_n3A_418, %add3A_415, %select_n3A_419 : i32, i32, i32
        }
        %scan3A_398 = arith.constant 8 : i32
        %sub3A_399 = arith.subi %add3A_389, %scan3A_397#2 : i32
        %dma_start3A = arith.constant 0 : i32
        %dma_start3A_400 = arith.constant 0 : i32
        %dma_start3A_401 = arith.constant 0 : i32
        %dma_start3A_402 = tpu.memref_slice %arg2[%scan3A_397#0, %sub3A_399, %dma_start3A, %dma_start3A_400, %dma_start3A_401] : memref<8x40x3x192x192xf32, #tpu.memory_space<hbm>> -> memref<1x1x3x192x192xf32, #tpu.memory_space<hbm>>
        %dma_start3A_403 = tpu.memref_squeeze %dma_start3A_402 : memref<1x1x3x192x192xf32, #tpu.memory_space<hbm>> -> memref<3x192x192xf32, #tpu.memory_space<hbm>>
        tpu.enqueue_dma source(%dma_start3A_403 : memref<3x192x192xf32, #tpu.memory_space<hbm>>) target(%arg11 : memref<3x192x192xf32, #tpu.memory_space<vmem>>) target_semaphore(%arg27 : memref<!tpu.dma_semaphore, #tpu.memory_space<semaphore_mem>>)
        %dma_start3A_404 = arith.constant 0 : i32
        %dma_start3A_405 = arith.constant 0 : i32
        %dma_start3A_406 = arith.constant 0 : i32
        %dma_start3A_407 = tpu.memref_slice %arg3[%scan3A_397#0, %sub3A_399, %dma_start3A_404, %dma_start3A_405, %dma_start3A_406] : memref<8x40x3x192x192xf32, #tpu.memory_space<hbm>> -> memref<1x1x3x192x192xf32, #tpu.memory_space<hbm>>
        %dma_start3A_408 = tpu.memref_squeeze %dma_start3A_407 : memref<1x1x3x192x192xf32, #tpu.memory_space<hbm>> -> memref<3x192x192xf32, #tpu.memory_space<hbm>>
        tpu.enqueue_dma source(%dma_start3A_408 : memref<3x192x192xf32, #tpu.memory_space<hbm>>) target(%arg19 : memref<3x192x192xf32, #tpu.memory_space<vmem>>) target_semaphore(%arg35 : memref<!tpu.dma_semaphore, #tpu.memory_space<semaphore_mem>>)
      } else {
      }
      %add3A_352 = arith.constant 7 : i32
      %add3A_353 = arith.addi %mul3A_108, %add3A_352 : i32
      %lt3A_354 = arith.cmpi slt, %add3A_353, %sub3A_23 : i32
      %convert_element_type3A_355 = arith.extui %lt3A_354 : i1 to i32
      %cond3A_356 = arith.constant 0 : i32
      %cond3A_357 = arith.cmpi ne, %convert_element_type3A_355, %cond3A_356 : i32
      scf.if %cond3A_357 {
        %dma_wait3A_387 = arith.constant 0 : i32
        %dma_wait3A_388 = arith.constant 0 : i32
        %dma_wait3A_389 = arith.constant 0 : i32
        %dma_wait3A_390 = arith.constant 0 : i32
        %dma_wait3A_391 = arith.constant 0 : i32
        %dma_wait3A_392 = tpu.memref_slice %arg2[%dma_wait3A_387, %dma_wait3A_388, %dma_wait3A_389, %dma_wait3A_390, %dma_wait3A_391] : memref<8x40x3x192x192xf32, #tpu.memory_space<hbm>> -> memref<1x1x3x192x192xf32, #tpu.memory_space<hbm>>
        %dma_wait3A_393 = tpu.memref_squeeze %dma_wait3A_392 : memref<1x1x3x192x192xf32, #tpu.memory_space<hbm>> -> memref<3x192x192xf32, #tpu.memory_space<hbm>>
        tpu.wait_dma2 semaphore(%arg28 : memref<!tpu.dma_semaphore, #tpu.memory_space<semaphore_mem>>) src(%dma_wait3A_393 : memref<3x192x192xf32, #tpu.memory_space<hbm>>) dst(%arg12 : memref<3x192x192xf32, #tpu.memory_space<vmem>>)
        %dma_wait3A_394 = arith.constant 0 : i32
        %dma_wait3A_395 = arith.constant 0 : i32
        %dma_wait3A_396 = arith.constant 0 : i32
        %dma_wait3A_397 = arith.constant 0 : i32
        %dma_wait3A_398 = arith.constant 0 : i32
        %dma_wait3A_399 = tpu.memref_slice %arg3[%dma_wait3A_394, %dma_wait3A_395, %dma_wait3A_396, %dma_wait3A_397, %dma_wait3A_398] : memref<8x40x3x192x192xf32, #tpu.memory_space<hbm>> -> memref<1x1x3x192x192xf32, #tpu.memory_space<hbm>>
        %dma_wait3A_400 = tpu.memref_squeeze %dma_wait3A_399 : memref<1x1x3x192x192xf32, #tpu.memory_space<hbm>> -> memref<3x192x192xf32, #tpu.memory_space<hbm>>
        tpu.wait_dma2 semaphore(%arg36 : memref<!tpu.dma_semaphore, #tpu.memory_space<semaphore_mem>>) src(%dma_wait3A_400 : memref<3x192x192xf32, #tpu.memory_space<hbm>>) dst(%arg20 : memref<3x192x192xf32, #tpu.memory_space<vmem>>)
      } else {
      }
      %get3A_358 = arith.constant 0 : index
      %get3A_359 = arith.constant 0 : index
      %get3A_360 = arith.constant 0 : index
      %get3A_361 = vector.load %arg12[%get3A_358, %get3A_359, %get3A_360] : memref<3x192x192xf32, #tpu.memory_space<vmem>>, vector<3x192x192xf32>
      %get3A_362 = arith.constant 0 : index
      %get3A_363 = arith.constant 0 : index
      %get3A_364 = arith.constant 0 : index
      %get3A_365 = vector.load %arg20[%get3A_362, %get3A_363, %get3A_364] : memref<3x192x192xf32, #tpu.memory_space<vmem>>, vector<3x192x192xf32>
      %sub3A_366 = arith.subf %get3A_361, %get3A_365 : vector<3x192x192xf32>
      %abs3A_367 = math.absf %sub3A_366 : vector<3x192x192xf32>
      %slice3A_368 = vector.extract_strided_slice %abs3A_367 {offsets = [0, 0, 0], sizes = [1, 192, 192], strides = [1, 1, 1]} : vector<3x192x192xf32> to vector<1x192x192xf32>
      %squeeze3A_369 = vector.shape_cast %slice3A_368 : vector<1x192x192xf32> to vector<192x192xf32>
      %slice3A_370 = vector.extract_strided_slice %abs3A_367 {offsets = [1, 0, 0], sizes = [1, 192, 192], strides = [1, 1, 1]} : vector<3x192x192xf32> to vector<1x192x192xf32>
      %squeeze3A_371 = vector.shape_cast %slice3A_370 : vector<1x192x192xf32> to vector<192x192xf32>
      %add3A_372 = arith.addf %squeeze3A_369, %squeeze3A_371 : vector<192x192xf32>
      %slice3A_373 = vector.extract_strided_slice %abs3A_367 {offsets = [2, 0, 0], sizes = [1, 192, 192], strides = [1, 1, 1]} : vector<3x192x192xf32> to vector<1x192x192xf32>
      %squeeze3A_374 = vector.shape_cast %slice3A_373 : vector<1x192x192xf32> to vector<192x192xf32>
      %add3A_375 = arith.addf %add3A_372, %squeeze3A_374 : vector<192x192xf32>
      %lt3A_376 = arith.cmpi slt, %add3A_353, %sub3A_23 : i32
      %broadcast_in_dim3A_377 = arith.constant 0.000000e+00 : f32
      %broadcast_in_dim3A_378 = vector.broadcast %broadcast_in_dim3A_377 : f32 to vector<192x192xf32>
      %select_n3A_379 = arith.select %lt3A_376, %add3A_375, %broadcast_in_dim3A_378 : vector<192x192xf32>
      %add3A_380 = arith.addf %add3A_345, %select_n3A_379 : vector<192x192xf32>
      %add3A_381 = arith.constant 8 : i32
      %add3A_382 = arith.addi %add3A_353, %add3A_381 : i32
      %lt3A_383 = arith.cmpi slt, %add3A_382, %sub3A_23 : i32
      %convert_element_type3A_384 = arith.extui %lt3A_383 : i1 to i32
      %cond3A_385 = arith.constant 0 : i32
      %cond3A_386 = arith.cmpi ne, %convert_element_type3A_384, %cond3A_385 : i32
      scf.if %cond3A_386 {
        %add3A_387 = arith.constant 8 : i32
        %add3A_388 = arith.addi %add3A_353, %add3A_387 : i32
        %add3A_389 = arith.addi %select_n3A, %add3A_388 : i32
        %scan3A_390 = arith.constant 0 : i32
        %scan3A_391 = arith.constant 0 : i32
        %scan3A_392 = arith.constant 0 : i32
        %scan3A_393 = arith.constant 0 : i32
        %scan3A_394 = arith.constant 8 : i32
        %scan3A_395 = arith.addi %scan3A_393, %scan3A_394 : i32
        %scan3A_396 = arith.constant 1 : i32
        %scan3A_397:3 = scf.for %scan3A_409 = %scan3A_393 to %scan3A_395 step %scan3A_396 iter_args(%scan3A_410 = %scan3A_390, %scan3A_411 = %scan3A_391, %scan3A_412 = %scan3A_392) -> (i32, i32, i32)  : i32 {
          %get3A_413 = arith.index_cast %scan3A_409 : i32 to index
          %get3A_414 = memref.load %arg1[%get3A_413] : memref<8xi32, #tpu.memory_space<smem>>
          %add3A_415 = arith.addi %scan3A_411, %get3A_414 : i32
          %le3A = arith.cmpi sle, %add3A_415, %add3A_389 : i32
          %add3A_416 = arith.constant 1 : i32
          %add3A_417 = arith.addi %scan3A_410, %add3A_416 : i32
          %select_n3A_418 = arith.select %le3A, %add3A_417, %scan3A_410 : i32
          %select_n3A_419 = arith.select %le3A, %add3A_415, %scan3A_412 : i32
          scf.yield %select_n3A_418, %add3A_415, %select_n3A_419 : i32, i32, i32
        }
        %scan3A_398 = arith.constant 8 : i32
        %sub3A_399 = arith.subi %add3A_389, %scan3A_397#2 : i32
        %dma_start3A = arith.constant 0 : i32
        %dma_start3A_400 = arith.constant 0 : i32
        %dma_start3A_401 = arith.constant 0 : i32
        %dma_start3A_402 = tpu.memref_slice %arg2[%scan3A_397#0, %sub3A_399, %dma_start3A, %dma_start3A_400, %dma_start3A_401] : memref<8x40x3x192x192xf32, #tpu.memory_space<hbm>> -> memref<1x1x3x192x192xf32, #tpu.memory_space<hbm>>
        %dma_start3A_403 = tpu.memref_squeeze %dma_start3A_402 : memref<1x1x3x192x192xf32, #tpu.memory_space<hbm>> -> memref<3x192x192xf32, #tpu.memory_space<hbm>>
        tpu.enqueue_dma source(%dma_start3A_403 : memref<3x192x192xf32, #tpu.memory_space<hbm>>) target(%arg12 : memref<3x192x192xf32, #tpu.memory_space<vmem>>) target_semaphore(%arg28 : memref<!tpu.dma_semaphore, #tpu.memory_space<semaphore_mem>>)
        %dma_start3A_404 = arith.constant 0 : i32
        %dma_start3A_405 = arith.constant 0 : i32
        %dma_start3A_406 = arith.constant 0 : i32
        %dma_start3A_407 = tpu.memref_slice %arg3[%scan3A_397#0, %sub3A_399, %dma_start3A_404, %dma_start3A_405, %dma_start3A_406] : memref<8x40x3x192x192xf32, #tpu.memory_space<hbm>> -> memref<1x1x3x192x192xf32, #tpu.memory_space<hbm>>
        %dma_start3A_408 = tpu.memref_squeeze %dma_start3A_407 : memref<1x1x3x192x192xf32, #tpu.memory_space<hbm>> -> memref<3x192x192xf32, #tpu.memory_space<hbm>>
        tpu.enqueue_dma source(%dma_start3A_408 : memref<3x192x192xf32, #tpu.memory_space<hbm>>) target(%arg20 : memref<3x192x192xf32, #tpu.memory_space<vmem>>) target_semaphore(%arg36 : memref<!tpu.dma_semaphore, #tpu.memory_space<semaphore_mem>>)
      } else {
      }
      scf.yield %add3A_380 : vector<192x192xf32>
    }
    %while3A_97 = arith.constant 1 : i32
    %while3A_98 = scf.for %while3A_105 = %while3A_94 to %while3A_90 step %while3A_97 iter_args(%while3A_106 = %while3A_96) -> (vector<192x192xf32>)  : i32 {
      %mul3A_107 = arith.constant 8 : i32
      %mul3A_108 = arith.muli %mul3A_107, %while3A_105 : i32
      %dma_wait3A = arith.constant 0 : i32
      %dma_wait3A_109 = arith.constant 0 : i32
      %dma_wait3A_110 = arith.constant 0 : i32
      %dma_wait3A_111 = arith.constant 0 : i32
      %dma_wait3A_112 = arith.constant 0 : i32
      %dma_wait3A_113 = tpu.memref_slice %arg2[%dma_wait3A, %dma_wait3A_109, %dma_wait3A_110, %dma_wait3A_111, %dma_wait3A_112] : memref<8x40x3x192x192xf32, #tpu.memory_space<hbm>> -> memref<1x1x3x192x192xf32, #tpu.memory_space<hbm>>
      %dma_wait3A_114 = tpu.memref_squeeze %dma_wait3A_113 : memref<1x1x3x192x192xf32, #tpu.memory_space<hbm>> -> memref<3x192x192xf32, #tpu.memory_space<hbm>>
      tpu.wait_dma2 semaphore(%arg21 : memref<!tpu.dma_semaphore, #tpu.memory_space<semaphore_mem>>) src(%dma_wait3A_114 : memref<3x192x192xf32, #tpu.memory_space<hbm>>) dst(%arg5 : memref<3x192x192xf32, #tpu.memory_space<vmem>>)
      %dma_wait3A_115 = arith.constant 0 : i32
      %dma_wait3A_116 = arith.constant 0 : i32
      %dma_wait3A_117 = arith.constant 0 : i32
      %dma_wait3A_118 = arith.constant 0 : i32
      %dma_wait3A_119 = arith.constant 0 : i32
      %dma_wait3A_120 = tpu.memref_slice %arg3[%dma_wait3A_115, %dma_wait3A_116, %dma_wait3A_117, %dma_wait3A_118, %dma_wait3A_119] : memref<8x40x3x192x192xf32, #tpu.memory_space<hbm>> -> memref<1x1x3x192x192xf32, #tpu.memory_space<hbm>>
      %dma_wait3A_121 = tpu.memref_squeeze %dma_wait3A_120 : memref<1x1x3x192x192xf32, #tpu.memory_space<hbm>> -> memref<3x192x192xf32, #tpu.memory_space<hbm>>
      tpu.wait_dma2 semaphore(%arg29 : memref<!tpu.dma_semaphore, #tpu.memory_space<semaphore_mem>>) src(%dma_wait3A_121 : memref<3x192x192xf32, #tpu.memory_space<hbm>>) dst(%arg13 : memref<3x192x192xf32, #tpu.memory_space<vmem>>)
      %get3A = arith.constant 0 : index
      %get3A_122 = arith.constant 0 : index
      %get3A_123 = arith.constant 0 : index
      %get3A_124 = vector.load %arg5[%get3A, %get3A_122, %get3A_123] : memref<3x192x192xf32, #tpu.memory_space<vmem>>, vector<3x192x192xf32>
      %get3A_125 = arith.constant 0 : index
      %get3A_126 = arith.constant 0 : index
      %get3A_127 = arith.constant 0 : index
      %get3A_128 = vector.load %arg13[%get3A_125, %get3A_126, %get3A_127] : memref<3x192x192xf32, #tpu.memory_space<vmem>>, vector<3x192x192xf32>
      %sub3A_129 = arith.subf %get3A_124, %get3A_128 : vector<3x192x192xf32>
      %abs3A = math.absf %sub3A_129 : vector<3x192x192xf32>
      %slice3A = vector.extract_strided_slice %abs3A {offsets = [0, 0, 0], sizes = [1, 192, 192], strides = [1, 1, 1]} : vector<3x192x192xf32> to vector<1x192x192xf32>
      %squeeze3A = vector.shape_cast %slice3A : vector<1x192x192xf32> to vector<192x192xf32>
      %slice3A_130 = vector.extract_strided_slice %abs3A {offsets = [1, 0, 0], sizes = [1, 192, 192], strides = [1, 1, 1]} : vector<3x192x192xf32> to vector<1x192x192xf32>
      %squeeze3A_131 = vector.shape_cast %slice3A_130 : vector<1x192x192xf32> to vector<192x192xf32>
      %add3A_132 = arith.addf %squeeze3A, %squeeze3A_131 : vector<192x192xf32>
      %slice3A_133 = vector.extract_strided_slice %abs3A {offsets = [2, 0, 0], sizes = [1, 192, 192], strides = [1, 1, 1]} : vector<3x192x192xf32> to vector<1x192x192xf32>
      %squeeze3A_134 = vector.shape_cast %slice3A_133 : vector<1x192x192xf32> to vector<192x192xf32>
      %add3A_135 = arith.addf %add3A_132, %squeeze3A_134 : vector<192x192xf32>
      %add3A_136 = arith.addf %while3A_106, %add3A_135 : vector<192x192xf32>
      %add3A_137 = arith.constant 8 : i32
      %add3A_138 = arith.addi %mul3A_108, %add3A_137 : i32
      %lt3A = arith.cmpi slt, %add3A_138, %sub3A_23 : i32
      %convert_element_type3A_139 = arith.extui %lt3A : i1 to i32
      %cond3A_140 = arith.constant 0 : i32
      %cond3A_141 = arith.cmpi ne, %convert_element_type3A_139, %cond3A_140 : i32
      scf.if %cond3A_141 {
        %add3A_387 = arith.constant 8 : i32
        %add3A_388 = arith.addi %mul3A_108, %add3A_387 : i32
        %add3A_389 = arith.addi %select_n3A, %add3A_388 : i32
        %scan3A_390 = arith.constant 0 : i32
        %scan3A_391 = arith.constant 0 : i32
        %scan3A_392 = arith.constant 0 : i32
        %scan3A_393 = arith.constant 0 : i32
        %scan3A_394 = arith.constant 8 : i32
        %scan3A_395 = arith.addi %scan3A_393, %scan3A_394 : i32
        %scan3A_396 = arith.constant 1 : i32
        %scan3A_397:3 = scf.for %scan3A_409 = %scan3A_393 to %scan3A_395 step %scan3A_396 iter_args(%scan3A_410 = %scan3A_390, %scan3A_411 = %scan3A_391, %scan3A_412 = %scan3A_392) -> (i32, i32, i32)  : i32 {
          %get3A_413 = arith.index_cast %scan3A_409 : i32 to index
          %get3A_414 = memref.load %arg1[%get3A_413] : memref<8xi32, #tpu.memory_space<smem>>
          %add3A_415 = arith.addi %scan3A_411, %get3A_414 : i32
          %le3A = arith.cmpi sle, %add3A_415, %add3A_389 : i32
          %add3A_416 = arith.constant 1 : i32
          %add3A_417 = arith.addi %scan3A_410, %add3A_416 : i32
          %select_n3A_418 = arith.select %le3A, %add3A_417, %scan3A_410 : i32
          %select_n3A_419 = arith.select %le3A, %add3A_415, %scan3A_412 : i32
          scf.yield %select_n3A_418, %add3A_415, %select_n3A_419 : i32, i32, i32
        }
        %scan3A_398 = arith.constant 8 : i32
        %sub3A_399 = arith.subi %add3A_389, %scan3A_397#2 : i32
        %dma_start3A = arith.constant 0 : i32
        %dma_start3A_400 = arith.constant 0 : i32
        %dma_start3A_401 = arith.constant 0 : i32
        %dma_start3A_402 = tpu.memref_slice %arg2[%scan3A_397#0, %sub3A_399, %dma_start3A, %dma_start3A_400, %dma_start3A_401] : memref<8x40x3x192x192xf32, #tpu.memory_space<hbm>> -> memref<1x1x3x192x192xf32, #tpu.memory_space<hbm>>
        %dma_start3A_403 = tpu.memref_squeeze %dma_start3A_402 : memref<1x1x3x192x192xf32, #tpu.memory_space<hbm>> -> memref<3x192x192xf32, #tpu.memory_space<hbm>>
        tpu.enqueue_dma source(%dma_start3A_403 : memref<3x192x192xf32, #tpu.memory_space<hbm>>) target(%arg5 : memref<3x192x192xf32, #tpu.memory_space<vmem>>) target_semaphore(%arg21 : memref<!tpu.dma_semaphore, #tpu.memory_space<semaphore_mem>>)
        %dma_start3A_404 = arith.constant 0 : i32
        %dma_start3A_405 = arith.constant 0 : i32
        %dma_start3A_406 = arith.constant 0 : i32
        %dma_start3A_407 = tpu.memref_slice %arg3[%scan3A_397#0, %sub3A_399, %dma_start3A_404, %dma_start3A_405, %dma_start3A_406] : memref<8x40x3x192x192xf32, #tpu.memory_space<hbm>> -> memref<1x1x3x192x192xf32, #tpu.memory_space<hbm>>
        %dma_start3A_408 = tpu.memref_squeeze %dma_start3A_407 : memref<1x1x3x192x192xf32, #tpu.memory_space<hbm>> -> memref<3x192x192xf32, #tpu.memory_space<hbm>>
        tpu.enqueue_dma source(%dma_start3A_408 : memref<3x192x192xf32, #tpu.memory_space<hbm>>) target(%arg13 : memref<3x192x192xf32, #tpu.memory_space<vmem>>) target_semaphore(%arg29 : memref<!tpu.dma_semaphore, #tpu.memory_space<semaphore_mem>>)
      } else {
      }
      %add3A_142 = arith.constant 1 : i32
      %add3A_143 = arith.addi %mul3A_108, %add3A_142 : i32
      %lt3A_144 = arith.cmpi slt, %add3A_143, %sub3A_23 : i32
      %convert_element_type3A_145 = arith.extui %lt3A_144 : i1 to i32
      %cond3A_146 = arith.constant 0 : i32
      %cond3A_147 = arith.cmpi ne, %convert_element_type3A_145, %cond3A_146 : i32
      scf.if %cond3A_147 {
        %dma_wait3A_387 = arith.constant 0 : i32
        %dma_wait3A_388 = arith.constant 0 : i32
        %dma_wait3A_389 = arith.constant 0 : i32
        %dma_wait3A_390 = arith.constant 0 : i32
        %dma_wait3A_391 = arith.constant 0 : i32
        %dma_wait3A_392 = tpu.memref_slice %arg2[%dma_wait3A_387, %dma_wait3A_388, %dma_wait3A_389, %dma_wait3A_390, %dma_wait3A_391] : memref<8x40x3x192x192xf32, #tpu.memory_space<hbm>> -> memref<1x1x3x192x192xf32, #tpu.memory_space<hbm>>
        %dma_wait3A_393 = tpu.memref_squeeze %dma_wait3A_392 : memref<1x1x3x192x192xf32, #tpu.memory_space<hbm>> -> memref<3x192x192xf32, #tpu.memory_space<hbm>>
        tpu.wait_dma2 semaphore(%arg22 : memref<!tpu.dma_semaphore, #tpu.memory_space<semaphore_mem>>) src(%dma_wait3A_393 : memref<3x192x192xf32, #tpu.memory_space<hbm>>) dst(%arg6 : memref<3x192x192xf32, #tpu.memory_space<vmem>>)
        %dma_wait3A_394 = arith.constant 0 : i32
        %dma_wait3A_395 = arith.constant 0 : i32
        %dma_wait3A_396 = arith.constant 0 : i32
        %dma_wait3A_397 = arith.constant 0 : i32
        %dma_wait3A_398 = arith.constant 0 : i32
        %dma_wait3A_399 = tpu.memref_slice %arg3[%dma_wait3A_394, %dma_wait3A_395, %dma_wait3A_396, %dma_wait3A_397, %dma_wait3A_398] : memref<8x40x3x192x192xf32, #tpu.memory_space<hbm>> -> memref<1x1x3x192x192xf32, #tpu.memory_space<hbm>>
        %dma_wait3A_400 = tpu.memref_squeeze %dma_wait3A_399 : memref<1x1x3x192x192xf32, #tpu.memory_space<hbm>> -> memref<3x192x192xf32, #tpu.memory_space<hbm>>
        tpu.wait_dma2 semaphore(%arg30 : memref<!tpu.dma_semaphore, #tpu.memory_space<semaphore_mem>>) src(%dma_wait3A_400 : memref<3x192x192xf32, #tpu.memory_space<hbm>>) dst(%arg14 : memref<3x192x192xf32, #tpu.memory_space<vmem>>)
      } else {
      }
      %get3A_148 = arith.constant 0 : index
      %get3A_149 = arith.constant 0 : index
      %get3A_150 = arith.constant 0 : index
      %get3A_151 = vector.load %arg6[%get3A_148, %get3A_149, %get3A_150] : memref<3x192x192xf32, #tpu.memory_space<vmem>>, vector<3x192x192xf32>
      %get3A_152 = arith.constant 0 : index
      %get3A_153 = arith.constant 0 : index
      %get3A_154 = arith.constant 0 : index
      %get3A_155 = vector.load %arg14[%get3A_152, %get3A_153, %get3A_154] : memref<3x192x192xf32, #tpu.memory_space<vmem>>, vector<3x192x192xf32>
      %sub3A_156 = arith.subf %get3A_151, %get3A_155 : vector<3x192x192xf32>
      %abs3A_157 = math.absf %sub3A_156 : vector<3x192x192xf32>
      %slice3A_158 = vector.extract_strided_slice %abs3A_157 {offsets = [0, 0, 0], sizes = [1, 192, 192], strides = [1, 1, 1]} : vector<3x192x192xf32> to vector<1x192x192xf32>
      %squeeze3A_159 = vector.shape_cast %slice3A_158 : vector<1x192x192xf32> to vector<192x192xf32>
      %slice3A_160 = vector.extract_strided_slice %abs3A_157 {offsets = [1, 0, 0], sizes = [1, 192, 192], strides = [1, 1, 1]} : vector<3x192x192xf32> to vector<1x192x192xf32>
      %squeeze3A_161 = vector.shape_cast %slice3A_160 : vector<1x192x192xf32> to vector<192x192xf32>
      %add3A_162 = arith.addf %squeeze3A_159, %squeeze3A_161 : vector<192x192xf32>
      %slice3A_163 = vector.extract_strided_slice %abs3A_157 {offsets = [2, 0, 0], sizes = [1, 192, 192], strides = [1, 1, 1]} : vector<3x192x192xf32> to vector<1x192x192xf32>
      %squeeze3A_164 = vector.shape_cast %slice3A_163 : vector<1x192x192xf32> to vector<192x192xf32>
      %add3A_165 = arith.addf %add3A_162, %squeeze3A_164 : vector<192x192xf32>
      %lt3A_166 = arith.cmpi slt, %add3A_143, %sub3A_23 : i32
      %broadcast_in_dim3A_167 = arith.constant 0.000000e+00 : f32
      %broadcast_in_dim3A_168 = vector.broadcast %broadcast_in_dim3A_167 : f32 to vector<192x192xf32>
      %select_n3A_169 = arith.select %lt3A_166, %add3A_165, %broadcast_in_dim3A_168 : vector<192x192xf32>
      %add3A_170 = arith.addf %add3A_136, %select_n3A_169 : vector<192x192xf32>
      %add3A_171 = arith.constant 8 : i32
      %add3A_172 = arith.addi %add3A_143, %add3A_171 : i32
      %lt3A_173 = arith.cmpi slt, %add3A_172, %sub3A_23 : i32
      %convert_element_type3A_174 = arith.extui %lt3A_173 : i1 to i32
      %cond3A_175 = arith.constant 0 : i32
      %cond3A_176 = arith.cmpi ne, %convert_element_type3A_174, %cond3A_175 : i32
      scf.if %cond3A_176 {
        %add3A_387 = arith.constant 8 : i32
        %add3A_388 = arith.addi %add3A_143, %add3A_387 : i32
        %add3A_389 = arith.addi %select_n3A, %add3A_388 : i32
        %scan3A_390 = arith.constant 0 : i32
        %scan3A_391 = arith.constant 0 : i32
        %scan3A_392 = arith.constant 0 : i32
        %scan3A_393 = arith.constant 0 : i32
        %scan3A_394 = arith.constant 8 : i32
        %scan3A_395 = arith.addi %scan3A_393, %scan3A_394 : i32
        %scan3A_396 = arith.constant 1 : i32
        %scan3A_397:3 = scf.for %scan3A_409 = %scan3A_393 to %scan3A_395 step %scan3A_396 iter_args(%scan3A_410 = %scan3A_390, %scan3A_411 = %scan3A_391, %scan3A_412 = %scan3A_392) -> (i32, i32, i32)  : i32 {
          %get3A_413 = arith.index_cast %scan3A_409 : i32 to index
          %get3A_414 = memref.load %arg1[%get3A_413] : memref<8xi32, #tpu.memory_space<smem>>
          %add3A_415 = arith.addi %scan3A_411, %get3A_414 : i32
          %le3A = arith.cmpi sle, %add3A_415, %add3A_389 : i32
          %add3A_416 = arith.constant 1 : i32
          %add3A_417 = arith.addi %scan3A_410, %add3A_416 : i32
          %select_n3A_418 = arith.select %le3A, %add3A_417, %scan3A_410 : i32
          %select_n3A_419 = arith.select %le3A, %add3A_415, %scan3A_412 : i32
          scf.yield %select_n3A_418, %add3A_415, %select_n3A_419 : i32, i32, i32
        }
        %scan3A_398 = arith.constant 8 : i32
        %sub3A_399 = arith.subi %add3A_389, %scan3A_397#2 : i32
        %dma_start3A = arith.constant 0 : i32
        %dma_start3A_400 = arith.constant 0 : i32
        %dma_start3A_401 = arith.constant 0 : i32
        %dma_start3A_402 = tpu.memref_slice %arg2[%scan3A_397#0, %sub3A_399, %dma_start3A, %dma_start3A_400, %dma_start3A_401] : memref<8x40x3x192x192xf32, #tpu.memory_space<hbm>> -> memref<1x1x3x192x192xf32, #tpu.memory_space<hbm>>
        %dma_start3A_403 = tpu.memref_squeeze %dma_start3A_402 : memref<1x1x3x192x192xf32, #tpu.memory_space<hbm>> -> memref<3x192x192xf32, #tpu.memory_space<hbm>>
        tpu.enqueue_dma source(%dma_start3A_403 : memref<3x192x192xf32, #tpu.memory_space<hbm>>) target(%arg6 : memref<3x192x192xf32, #tpu.memory_space<vmem>>) target_semaphore(%arg22 : memref<!tpu.dma_semaphore, #tpu.memory_space<semaphore_mem>>)
        %dma_start3A_404 = arith.constant 0 : i32
        %dma_start3A_405 = arith.constant 0 : i32
        %dma_start3A_406 = arith.constant 0 : i32
        %dma_start3A_407 = tpu.memref_slice %arg3[%scan3A_397#0, %sub3A_399, %dma_start3A_404, %dma_start3A_405, %dma_start3A_406] : memref<8x40x3x192x192xf32, #tpu.memory_space<hbm>> -> memref<1x1x3x192x192xf32, #tpu.memory_space<hbm>>
        %dma_start3A_408 = tpu.memref_squeeze %dma_start3A_407 : memref<1x1x3x192x192xf32, #tpu.memory_space<hbm>> -> memref<3x192x192xf32, #tpu.memory_space<hbm>>
        tpu.enqueue_dma source(%dma_start3A_408 : memref<3x192x192xf32, #tpu.memory_space<hbm>>) target(%arg14 : memref<3x192x192xf32, #tpu.memory_space<vmem>>) target_semaphore(%arg30 : memref<!tpu.dma_semaphore, #tpu.memory_space<semaphore_mem>>)
      } else {
      }
      %add3A_177 = arith.constant 2 : i32
      %add3A_178 = arith.addi %mul3A_108, %add3A_177 : i32
      %lt3A_179 = arith.cmpi slt, %add3A_178, %sub3A_23 : i32
      %convert_element_type3A_180 = arith.extui %lt3A_179 : i1 to i32
      %cond3A_181 = arith.constant 0 : i32
      %cond3A_182 = arith.cmpi ne, %convert_element_type3A_180, %cond3A_181 : i32
      scf.if %cond3A_182 {
        %dma_wait3A_387 = arith.constant 0 : i32
        %dma_wait3A_388 = arith.constant 0 : i32
        %dma_wait3A_389 = arith.constant 0 : i32
        %dma_wait3A_390 = arith.constant 0 : i32
        %dma_wait3A_391 = arith.constant 0 : i32
        %dma_wait3A_392 = tpu.memref_slice %arg2[%dma_wait3A_387, %dma_wait3A_388, %dma_wait3A_389, %dma_wait3A_390, %dma_wait3A_391] : memref<8x40x3x192x192xf32, #tpu.memory_space<hbm>> -> memref<1x1x3x192x192xf32, #tpu.memory_space<hbm>>
        %dma_wait3A_393 = tpu.memref_squeeze %dma_wait3A_392 : memref<1x1x3x192x192xf32, #tpu.memory_space<hbm>> -> memref<3x192x192xf32, #tpu.memory_space<hbm>>
        tpu.wait_dma2 semaphore(%arg23 : memref<!tpu.dma_semaphore, #tpu.memory_space<semaphore_mem>>) src(%dma_wait3A_393 : memref<3x192x192xf32, #tpu.memory_space<hbm>>) dst(%arg7 : memref<3x192x192xf32, #tpu.memory_space<vmem>>)
        %dma_wait3A_394 = arith.constant 0 : i32
        %dma_wait3A_395 = arith.constant 0 : i32
        %dma_wait3A_396 = arith.constant 0 : i32
        %dma_wait3A_397 = arith.constant 0 : i32
        %dma_wait3A_398 = arith.constant 0 : i32
        %dma_wait3A_399 = tpu.memref_slice %arg3[%dma_wait3A_394, %dma_wait3A_395, %dma_wait3A_396, %dma_wait3A_397, %dma_wait3A_398] : memref<8x40x3x192x192xf32, #tpu.memory_space<hbm>> -> memref<1x1x3x192x192xf32, #tpu.memory_space<hbm>>
        %dma_wait3A_400 = tpu.memref_squeeze %dma_wait3A_399 : memref<1x1x3x192x192xf32, #tpu.memory_space<hbm>> -> memref<3x192x192xf32, #tpu.memory_space<hbm>>
        tpu.wait_dma2 semaphore(%arg31 : memref<!tpu.dma_semaphore, #tpu.memory_space<semaphore_mem>>) src(%dma_wait3A_400 : memref<3x192x192xf32, #tpu.memory_space<hbm>>) dst(%arg15 : memref<3x192x192xf32, #tpu.memory_space<vmem>>)
      } else {
      }
      %get3A_183 = arith.constant 0 : index
      %get3A_184 = arith.constant 0 : index
      %get3A_185 = arith.constant 0 : index
      %get3A_186 = vector.load %arg7[%get3A_183, %get3A_184, %get3A_185] : memref<3x192x192xf32, #tpu.memory_space<vmem>>, vector<3x192x192xf32>
      %get3A_187 = arith.constant 0 : index
      %get3A_188 = arith.constant 0 : index
      %get3A_189 = arith.constant 0 : index
      %get3A_190 = vector.load %arg15[%get3A_187, %get3A_188, %get3A_189] : memref<3x192x192xf32, #tpu.memory_space<vmem>>, vector<3x192x192xf32>
      %sub3A_191 = arith.subf %get3A_186, %get3A_190 : vector<3x192x192xf32>
      %abs3A_192 = math.absf %sub3A_191 : vector<3x192x192xf32>
      %slice3A_193 = vector.extract_strided_slice %abs3A_192 {offsets = [0, 0, 0], sizes = [1, 192, 192], strides = [1, 1, 1]} : vector<3x192x192xf32> to vector<1x192x192xf32>
      %squeeze3A_194 = vector.shape_cast %slice3A_193 : vector<1x192x192xf32> to vector<192x192xf32>
      %slice3A_195 = vector.extract_strided_slice %abs3A_192 {offsets = [1, 0, 0], sizes = [1, 192, 192], strides = [1, 1, 1]} : vector<3x192x192xf32> to vector<1x192x192xf32>
      %squeeze3A_196 = vector.shape_cast %slice3A_195 : vector<1x192x192xf32> to vector<192x192xf32>
      %add3A_197 = arith.addf %squeeze3A_194, %squeeze3A_196 : vector<192x192xf32>
      %slice3A_198 = vector.extract_strided_slice %abs3A_192 {offsets = [2, 0, 0], sizes = [1, 192, 192], strides = [1, 1, 1]} : vector<3x192x192xf32> to vector<1x192x192xf32>
      %squeeze3A_199 = vector.shape_cast %slice3A_198 : vector<1x192x192xf32> to vector<192x192xf32>
      %add3A_200 = arith.addf %add3A_197, %squeeze3A_199 : vector<192x192xf32>
      %lt3A_201 = arith.cmpi slt, %add3A_178, %sub3A_23 : i32
      %broadcast_in_dim3A_202 = arith.constant 0.000000e+00 : f32
      %broadcast_in_dim3A_203 = vector.broadcast %broadcast_in_dim3A_202 : f32 to vector<192x192xf32>
      %select_n3A_204 = arith.select %lt3A_201, %add3A_200, %broadcast_in_dim3A_203 : vector<192x192xf32>
      %add3A_205 = arith.addf %add3A_170, %select_n3A_204 : vector<192x192xf32>
      %add3A_206 = arith.constant 8 : i32
      %add3A_207 = arith.addi %add3A_178, %add3A_206 : i32
      %lt3A_208 = arith.cmpi slt, %add3A_207, %sub3A_23 : i32
      %convert_element_type3A_209 = arith.extui %lt3A_208 : i1 to i32
      %cond3A_210 = arith.constant 0 : i32
      %cond3A_211 = arith.cmpi ne, %convert_element_type3A_209, %cond3A_210 : i32
      scf.if %cond3A_211 {
        %add3A_387 = arith.constant 8 : i32
        %add3A_388 = arith.addi %add3A_178, %add3A_387 : i32
        %add3A_389 = arith.addi %select_n3A, %add3A_388 : i32
        %scan3A_390 = arith.constant 0 : i32
        %scan3A_391 = arith.constant 0 : i32
        %scan3A_392 = arith.constant 0 : i32
        %scan3A_393 = arith.constant 0 : i32
        %scan3A_394 = arith.constant 8 : i32
        %scan3A_395 = arith.addi %scan3A_393, %scan3A_394 : i32
        %scan3A_396 = arith.constant 1 : i32
        %scan3A_397:3 = scf.for %scan3A_409 = %scan3A_393 to %scan3A_395 step %scan3A_396 iter_args(%scan3A_410 = %scan3A_390, %scan3A_411 = %scan3A_391, %scan3A_412 = %scan3A_392) -> (i32, i32, i32)  : i32 {
          %get3A_413 = arith.index_cast %scan3A_409 : i32 to index
          %get3A_414 = memref.load %arg1[%get3A_413] : memref<8xi32, #tpu.memory_space<smem>>
          %add3A_415 = arith.addi %scan3A_411, %get3A_414 : i32
          %le3A = arith.cmpi sle, %add3A_415, %add3A_389 : i32
          %add3A_416 = arith.constant 1 : i32
          %add3A_417 = arith.addi %scan3A_410, %add3A_416 : i32
          %select_n3A_418 = arith.select %le3A, %add3A_417, %scan3A_410 : i32
          %select_n3A_419 = arith.select %le3A, %add3A_415, %scan3A_412 : i32
          scf.yield %select_n3A_418, %add3A_415, %select_n3A_419 : i32, i32, i32
        }
        %scan3A_398 = arith.constant 8 : i32
        %sub3A_399 = arith.subi %add3A_389, %scan3A_397#2 : i32
        %dma_start3A = arith.constant 0 : i32
        %dma_start3A_400 = arith.constant 0 : i32
        %dma_start3A_401 = arith.constant 0 : i32
        %dma_start3A_402 = tpu.memref_slice %arg2[%scan3A_397#0, %sub3A_399, %dma_start3A, %dma_start3A_400, %dma_start3A_401] : memref<8x40x3x192x192xf32, #tpu.memory_space<hbm>> -> memref<1x1x3x192x192xf32, #tpu.memory_space<hbm>>
        %dma_start3A_403 = tpu.memref_squeeze %dma_start3A_402 : memref<1x1x3x192x192xf32, #tpu.memory_space<hbm>> -> memref<3x192x192xf32, #tpu.memory_space<hbm>>
        tpu.enqueue_dma source(%dma_start3A_403 : memref<3x192x192xf32, #tpu.memory_space<hbm>>) target(%arg7 : memref<3x192x192xf32, #tpu.memory_space<vmem>>) target_semaphore(%arg23 : memref<!tpu.dma_semaphore, #tpu.memory_space<semaphore_mem>>)
        %dma_start3A_404 = arith.constant 0 : i32
        %dma_start3A_405 = arith.constant 0 : i32
        %dma_start3A_406 = arith.constant 0 : i32
        %dma_start3A_407 = tpu.memref_slice %arg3[%scan3A_397#0, %sub3A_399, %dma_start3A_404, %dma_start3A_405, %dma_start3A_406] : memref<8x40x3x192x192xf32, #tpu.memory_space<hbm>> -> memref<1x1x3x192x192xf32, #tpu.memory_space<hbm>>
        %dma_start3A_408 = tpu.memref_squeeze %dma_start3A_407 : memref<1x1x3x192x192xf32, #tpu.memory_space<hbm>> -> memref<3x192x192xf32, #tpu.memory_space<hbm>>
        tpu.enqueue_dma source(%dma_start3A_408 : memref<3x192x192xf32, #tpu.memory_space<hbm>>) target(%arg15 : memref<3x192x192xf32, #tpu.memory_space<vmem>>) target_semaphore(%arg31 : memref<!tpu.dma_semaphore, #tpu.memory_space<semaphore_mem>>)
      } else {
      }
      %add3A_212 = arith.constant 3 : i32
      %add3A_213 = arith.addi %mul3A_108, %add3A_212 : i32
      %lt3A_214 = arith.cmpi slt, %add3A_213, %sub3A_23 : i32
      %convert_element_type3A_215 = arith.extui %lt3A_214 : i1 to i32
      %cond3A_216 = arith.constant 0 : i32
      %cond3A_217 = arith.cmpi ne, %convert_element_type3A_215, %cond3A_216 : i32
      scf.if %cond3A_217 {
        %dma_wait3A_387 = arith.constant 0 : i32
        %dma_wait3A_388 = arith.constant 0 : i32
        %dma_wait3A_389 = arith.constant 0 : i32
        %dma_wait3A_390 = arith.constant 0 : i32
        %dma_wait3A_391 = arith.constant 0 : i32
        %dma_wait3A_392 = tpu.memref_slice %arg2[%dma_wait3A_387, %dma_wait3A_388, %dma_wait3A_389, %dma_wait3A_390, %dma_wait3A_391] : memref<8x40x3x192x192xf32, #tpu.memory_space<hbm>> -> memref<1x1x3x192x192xf32, #tpu.memory_space<hbm>>
        %dma_wait3A_393 = tpu.memref_squeeze %dma_wait3A_392 : memref<1x1x3x192x192xf32, #tpu.memory_space<hbm>> -> memref<3x192x192xf32, #tpu.memory_space<hbm>>
        tpu.wait_dma2 semaphore(%arg24 : memref<!tpu.dma_semaphore, #tpu.memory_space<semaphore_mem>>) src(%dma_wait3A_393 : memref<3x192x192xf32, #tpu.memory_space<hbm>>) dst(%arg8 : memref<3x192x192xf32, #tpu.memory_space<vmem>>)
        %dma_wait3A_394 = arith.constant 0 : i32
        %dma_wait3A_395 = arith.constant 0 : i32
        %dma_wait3A_396 = arith.constant 0 : i32
        %dma_wait3A_397 = arith.constant 0 : i32
        %dma_wait3A_398 = arith.constant 0 : i32
        %dma_wait3A_399 = tpu.memref_slice %arg3[%dma_wait3A_394, %dma_wait3A_395, %dma_wait3A_396, %dma_wait3A_397, %dma_wait3A_398] : memref<8x40x3x192x192xf32, #tpu.memory_space<hbm>> -> memref<1x1x3x192x192xf32, #tpu.memory_space<hbm>>
        %dma_wait3A_400 = tpu.memref_squeeze %dma_wait3A_399 : memref<1x1x3x192x192xf32, #tpu.memory_space<hbm>> -> memref<3x192x192xf32, #tpu.memory_space<hbm>>
        tpu.wait_dma2 semaphore(%arg32 : memref<!tpu.dma_semaphore, #tpu.memory_space<semaphore_mem>>) src(%dma_wait3A_400 : memref<3x192x192xf32, #tpu.memory_space<hbm>>) dst(%arg16 : memref<3x192x192xf32, #tpu.memory_space<vmem>>)
      } else {
      }
      %get3A_218 = arith.constant 0 : index
      %get3A_219 = arith.constant 0 : index
      %get3A_220 = arith.constant 0 : index
      %get3A_221 = vector.load %arg8[%get3A_218, %get3A_219, %get3A_220] : memref<3x192x192xf32, #tpu.memory_space<vmem>>, vector<3x192x192xf32>
      %get3A_222 = arith.constant 0 : index
      %get3A_223 = arith.constant 0 : index
      %get3A_224 = arith.constant 0 : index
      %get3A_225 = vector.load %arg16[%get3A_222, %get3A_223, %get3A_224] : memref<3x192x192xf32, #tpu.memory_space<vmem>>, vector<3x192x192xf32>
      %sub3A_226 = arith.subf %get3A_221, %get3A_225 : vector<3x192x192xf32>
      %abs3A_227 = math.absf %sub3A_226 : vector<3x192x192xf32>
      %slice3A_228 = vector.extract_strided_slice %abs3A_227 {offsets = [0, 0, 0], sizes = [1, 192, 192], strides = [1, 1, 1]} : vector<3x192x192xf32> to vector<1x192x192xf32>
      %squeeze3A_229 = vector.shape_cast %slice3A_228 : vector<1x192x192xf32> to vector<192x192xf32>
      %slice3A_230 = vector.extract_strided_slice %abs3A_227 {offsets = [1, 0, 0], sizes = [1, 192, 192], strides = [1, 1, 1]} : vector<3x192x192xf32> to vector<1x192x192xf32>
      %squeeze3A_231 = vector.shape_cast %slice3A_230 : vector<1x192x192xf32> to vector<192x192xf32>
      %add3A_232 = arith.addf %squeeze3A_229, %squeeze3A_231 : vector<192x192xf32>
      %slice3A_233 = vector.extract_strided_slice %abs3A_227 {offsets = [2, 0, 0], sizes = [1, 192, 192], strides = [1, 1, 1]} : vector<3x192x192xf32> to vector<1x192x192xf32>
      %squeeze3A_234 = vector.shape_cast %slice3A_233 : vector<1x192x192xf32> to vector<192x192xf32>
      %add3A_235 = arith.addf %add3A_232, %squeeze3A_234 : vector<192x192xf32>
      %lt3A_236 = arith.cmpi slt, %add3A_213, %sub3A_23 : i32
      %broadcast_in_dim3A_237 = arith.constant 0.000000e+00 : f32
      %broadcast_in_dim3A_238 = vector.broadcast %broadcast_in_dim3A_237 : f32 to vector<192x192xf32>
      %select_n3A_239 = arith.select %lt3A_236, %add3A_235, %broadcast_in_dim3A_238 : vector<192x192xf32>
      %add3A_240 = arith.addf %add3A_205, %select_n3A_239 : vector<192x192xf32>
      %add3A_241 = arith.constant 8 : i32
      %add3A_242 = arith.addi %add3A_213, %add3A_241 : i32
      %lt3A_243 = arith.cmpi slt, %add3A_242, %sub3A_23 : i32
      %convert_element_type3A_244 = arith.extui %lt3A_243 : i1 to i32
      %cond3A_245 = arith.constant 0 : i32
      %cond3A_246 = arith.cmpi ne, %convert_element_type3A_244, %cond3A_245 : i32
      scf.if %cond3A_246 {
        %add3A_387 = arith.constant 8 : i32
        %add3A_388 = arith.addi %add3A_213, %add3A_387 : i32
        %add3A_389 = arith.addi %select_n3A, %add3A_388 : i32
        %scan3A_390 = arith.constant 0 : i32
        %scan3A_391 = arith.constant 0 : i32
        %scan3A_392 = arith.constant 0 : i32
        %scan3A_393 = arith.constant 0 : i32
        %scan3A_394 = arith.constant 8 : i32
        %scan3A_395 = arith.addi %scan3A_393, %scan3A_394 : i32
        %scan3A_396 = arith.constant 1 : i32
        %scan3A_397:3 = scf.for %scan3A_409 = %scan3A_393 to %scan3A_395 step %scan3A_396 iter_args(%scan3A_410 = %scan3A_390, %scan3A_411 = %scan3A_391, %scan3A_412 = %scan3A_392) -> (i32, i32, i32)  : i32 {
          %get3A_413 = arith.index_cast %scan3A_409 : i32 to index
          %get3A_414 = memref.load %arg1[%get3A_413] : memref<8xi32, #tpu.memory_space<smem>>
          %add3A_415 = arith.addi %scan3A_411, %get3A_414 : i32
          %le3A = arith.cmpi sle, %add3A_415, %add3A_389 : i32
          %add3A_416 = arith.constant 1 : i32
          %add3A_417 = arith.addi %scan3A_410, %add3A_416 : i32
          %select_n3A_418 = arith.select %le3A, %add3A_417, %scan3A_410 : i32
          %select_n3A_419 = arith.select %le3A, %add3A_415, %scan3A_412 : i32
          scf.yield %select_n3A_418, %add3A_415, %select_n3A_419 : i32, i32, i32
        }
        %scan3A_398 = arith.constant 8 : i32
        %sub3A_399 = arith.subi %add3A_389, %scan3A_397#2 : i32
        %dma_start3A = arith.constant 0 : i32
        %dma_start3A_400 = arith.constant 0 : i32
        %dma_start3A_401 = arith.constant 0 : i32
        %dma_start3A_402 = tpu.memref_slice %arg2[%scan3A_397#0, %sub3A_399, %dma_start3A, %dma_start3A_400, %dma_start3A_401] : memref<8x40x3x192x192xf32, #tpu.memory_space<hbm>> -> memref<1x1x3x192x192xf32, #tpu.memory_space<hbm>>
        %dma_start3A_403 = tpu.memref_squeeze %dma_start3A_402 : memref<1x1x3x192x192xf32, #tpu.memory_space<hbm>> -> memref<3x192x192xf32, #tpu.memory_space<hbm>>
        tpu.enqueue_dma source(%dma_start3A_403 : memref<3x192x192xf32, #tpu.memory_space<hbm>>) target(%arg8 : memref<3x192x192xf32, #tpu.memory_space<vmem>>) target_semaphore(%arg24 : memref<!tpu.dma_semaphore, #tpu.memory_space<semaphore_mem>>)
        %dma_start3A_404 = arith.constant 0 : i32
        %dma_start3A_405 = arith.constant 0 : i32
        %dma_start3A_406 = arith.constant 0 : i32
        %dma_start3A_407 = tpu.memref_slice %arg3[%scan3A_397#0, %sub3A_399, %dma_start3A_404, %dma_start3A_405, %dma_start3A_406] : memref<8x40x3x192x192xf32, #tpu.memory_space<hbm>> -> memref<1x1x3x192x192xf32, #tpu.memory_space<hbm>>
        %dma_start3A_408 = tpu.memref_squeeze %dma_start3A_407 : memref<1x1x3x192x192xf32, #tpu.memory_space<hbm>> -> memref<3x192x192xf32, #tpu.memory_space<hbm>>
        tpu.enqueue_dma source(%dma_start3A_408 : memref<3x192x192xf32, #tpu.memory_space<hbm>>) target(%arg16 : memref<3x192x192xf32, #tpu.memory_space<vmem>>) target_semaphore(%arg32 : memref<!tpu.dma_semaphore, #tpu.memory_space<semaphore_mem>>)
      } else {
      }
      %add3A_247 = arith.constant 4 : i32
      %add3A_248 = arith.addi %mul3A_108, %add3A_247 : i32
      %lt3A_249 = arith.cmpi slt, %add3A_248, %sub3A_23 : i32
      %convert_element_type3A_250 = arith.extui %lt3A_249 : i1 to i32
      %cond3A_251 = arith.constant 0 : i32
      %cond3A_252 = arith.cmpi ne, %convert_element_type3A_250, %cond3A_251 : i32
      scf.if %cond3A_252 {
        %dma_wait3A_387 = arith.constant 0 : i32
        %dma_wait3A_388 = arith.constant 0 : i32
        %dma_wait3A_389 = arith.constant 0 : i32
        %dma_wait3A_390 = arith.constant 0 : i32
        %dma_wait3A_391 = arith.constant 0 : i32
        %dma_wait3A_392 = tpu.memref_slice %arg2[%dma_wait3A_387, %dma_wait3A_388, %dma_wait3A_389, %dma_wait3A_390, %dma_wait3A_391] : memref<8x40x3x192x192xf32, #tpu.memory_space<hbm>> -> memref<1x1x3x192x192xf32, #tpu.memory_space<hbm>>
        %dma_wait3A_393 = tpu.memref_squeeze %dma_wait3A_392 : memref<1x1x3x192x192xf32, #tpu.memory_space<hbm>> -> memref<3x192x192xf32, #tpu.memory_space<hbm>>
        tpu.wait_dma2 semaphore(%arg25 : memref<!tpu.dma_semaphore, #tpu.memory_space<semaphore_mem>>) src(%dma_wait3A_393 : memref<3x192x192xf32, #tpu.memory_space<hbm>>) dst(%arg9 : memref<3x192x192xf32, #tpu.memory_space<vmem>>)
        %dma_wait3A_394 = arith.constant 0 : i32
        %dma_wait3A_395 = arith.constant 0 : i32
        %dma_wait3A_396 = arith.constant 0 : i32
        %dma_wait3A_397 = arith.constant 0 : i32
        %dma_wait3A_398 = arith.constant 0 : i32
        %dma_wait3A_399 = tpu.memref_slice %arg3[%dma_wait3A_394, %dma_wait3A_395, %dma_wait3A_396, %dma_wait3A_397, %dma_wait3A_398] : memref<8x40x3x192x192xf32, #tpu.memory_space<hbm>> -> memref<1x1x3x192x192xf32, #tpu.memory_space<hbm>>
        %dma_wait3A_400 = tpu.memref_squeeze %dma_wait3A_399 : memref<1x1x3x192x192xf32, #tpu.memory_space<hbm>> -> memref<3x192x192xf32, #tpu.memory_space<hbm>>
        tpu.wait_dma2 semaphore(%arg33 : memref<!tpu.dma_semaphore, #tpu.memory_space<semaphore_mem>>) src(%dma_wait3A_400 : memref<3x192x192xf32, #tpu.memory_space<hbm>>) dst(%arg17 : memref<3x192x192xf32, #tpu.memory_space<vmem>>)
      } else {
      }
      %get3A_253 = arith.constant 0 : index
      %get3A_254 = arith.constant 0 : index
      %get3A_255 = arith.constant 0 : index
      %get3A_256 = vector.load %arg9[%get3A_253, %get3A_254, %get3A_255] : memref<3x192x192xf32, #tpu.memory_space<vmem>>, vector<3x192x192xf32>
      %get3A_257 = arith.constant 0 : index
      %get3A_258 = arith.constant 0 : index
      %get3A_259 = arith.constant 0 : index
      %get3A_260 = vector.load %arg17[%get3A_257, %get3A_258, %get3A_259] : memref<3x192x192xf32, #tpu.memory_space<vmem>>, vector<3x192x192xf32>
      %sub3A_261 = arith.subf %get3A_256, %get3A_260 : vector<3x192x192xf32>
      %abs3A_262 = math.absf %sub3A_261 : vector<3x192x192xf32>
      %slice3A_263 = vector.extract_strided_slice %abs3A_262 {offsets = [0, 0, 0], sizes = [1, 192, 192], strides = [1, 1, 1]} : vector<3x192x192xf32> to vector<1x192x192xf32>
      %squeeze3A_264 = vector.shape_cast %slice3A_263 : vector<1x192x192xf32> to vector<192x192xf32>
      %slice3A_265 = vector.extract_strided_slice %abs3A_262 {offsets = [1, 0, 0], sizes = [1, 192, 192], strides = [1, 1, 1]} : vector<3x192x192xf32> to vector<1x192x192xf32>
      %squeeze3A_266 = vector.shape_cast %slice3A_265 : vector<1x192x192xf32> to vector<192x192xf32>
      %add3A_267 = arith.addf %squeeze3A_264, %squeeze3A_266 : vector<192x192xf32>
      %slice3A_268 = vector.extract_strided_slice %abs3A_262 {offsets = [2, 0, 0], sizes = [1, 192, 192], strides = [1, 1, 1]} : vector<3x192x192xf32> to vector<1x192x192xf32>
      %squeeze3A_269 = vector.shape_cast %slice3A_268 : vector<1x192x192xf32> to vector<192x192xf32>
      %add3A_270 = arith.addf %add3A_267, %squeeze3A_269 : vector<192x192xf32>
      %lt3A_271 = arith.cmpi slt, %add3A_248, %sub3A_23 : i32
      %broadcast_in_dim3A_272 = arith.constant 0.000000e+00 : f32
      %broadcast_in_dim3A_273 = vector.broadcast %broadcast_in_dim3A_272 : f32 to vector<192x192xf32>
      %select_n3A_274 = arith.select %lt3A_271, %add3A_270, %broadcast_in_dim3A_273 : vector<192x192xf32>
      %add3A_275 = arith.addf %add3A_240, %select_n3A_274 : vector<192x192xf32>
      %add3A_276 = arith.constant 8 : i32
      %add3A_277 = arith.addi %add3A_248, %add3A_276 : i32
      %lt3A_278 = arith.cmpi slt, %add3A_277, %sub3A_23 : i32
      %convert_element_type3A_279 = arith.extui %lt3A_278 : i1 to i32
      %cond3A_280 = arith.constant 0 : i32
      %cond3A_281 = arith.cmpi ne, %convert_element_type3A_279, %cond3A_280 : i32
      scf.if %cond3A_281 {
        %add3A_387 = arith.constant 8 : i32
        %add3A_388 = arith.addi %add3A_248, %add3A_387 : i32
        %add3A_389 = arith.addi %select_n3A, %add3A_388 : i32
        %scan3A_390 = arith.constant 0 : i32
        %scan3A_391 = arith.constant 0 : i32
        %scan3A_392 = arith.constant 0 : i32
        %scan3A_393 = arith.constant 0 : i32
        %scan3A_394 = arith.constant 8 : i32
        %scan3A_395 = arith.addi %scan3A_393, %scan3A_394 : i32
        %scan3A_396 = arith.constant 1 : i32
        %scan3A_397:3 = scf.for %scan3A_409 = %scan3A_393 to %scan3A_395 step %scan3A_396 iter_args(%scan3A_410 = %scan3A_390, %scan3A_411 = %scan3A_391, %scan3A_412 = %scan3A_392) -> (i32, i32, i32)  : i32 {
          %get3A_413 = arith.index_cast %scan3A_409 : i32 to index
          %get3A_414 = memref.load %arg1[%get3A_413] : memref<8xi32, #tpu.memory_space<smem>>
          %add3A_415 = arith.addi %scan3A_411, %get3A_414 : i32
          %le3A = arith.cmpi sle, %add3A_415, %add3A_389 : i32
          %add3A_416 = arith.constant 1 : i32
          %add3A_417 = arith.addi %scan3A_410, %add3A_416 : i32
          %select_n3A_418 = arith.select %le3A, %add3A_417, %scan3A_410 : i32
          %select_n3A_419 = arith.select %le3A, %add3A_415, %scan3A_412 : i32
          scf.yield %select_n3A_418, %add3A_415, %select_n3A_419 : i32, i32, i32
        }
        %scan3A_398 = arith.constant 8 : i32
        %sub3A_399 = arith.subi %add3A_389, %scan3A_397#2 : i32
        %dma_start3A = arith.constant 0 : i32
        %dma_start3A_400 = arith.constant 0 : i32
        %dma_start3A_401 = arith.constant 0 : i32
        %dma_start3A_402 = tpu.memref_slice %arg2[%scan3A_397#0, %sub3A_399, %dma_start3A, %dma_start3A_400, %dma_start3A_401] : memref<8x40x3x192x192xf32, #tpu.memory_space<hbm>> -> memref<1x1x3x192x192xf32, #tpu.memory_space<hbm>>
        %dma_start3A_403 = tpu.memref_squeeze %dma_start3A_402 : memref<1x1x3x192x192xf32, #tpu.memory_space<hbm>> -> memref<3x192x192xf32, #tpu.memory_space<hbm>>
        tpu.enqueue_dma source(%dma_start3A_403 : memref<3x192x192xf32, #tpu.memory_space<hbm>>) target(%arg9 : memref<3x192x192xf32, #tpu.memory_space<vmem>>) target_semaphore(%arg25 : memref<!tpu.dma_semaphore, #tpu.memory_space<semaphore_mem>>)
        %dma_start3A_404 = arith.constant 0 : i32
        %dma_start3A_405 = arith.constant 0 : i32
        %dma_start3A_406 = arith.constant 0 : i32
        %dma_start3A_407 = tpu.memref_slice %arg3[%scan3A_397#0, %sub3A_399, %dma_start3A_404, %dma_start3A_405, %dma_start3A_406] : memref<8x40x3x192x192xf32, #tpu.memory_space<hbm>> -> memref<1x1x3x192x192xf32, #tpu.memory_space<hbm>>
        %dma_start3A_408 = tpu.memref_squeeze %dma_start3A_407 : memref<1x1x3x192x192xf32, #tpu.memory_space<hbm>> -> memref<3x192x192xf32, #tpu.memory_space<hbm>>
        tpu.enqueue_dma source(%dma_start3A_408 : memref<3x192x192xf32, #tpu.memory_space<hbm>>) target(%arg17 : memref<3x192x192xf32, #tpu.memory_space<vmem>>) target_semaphore(%arg33 : memref<!tpu.dma_semaphore, #tpu.memory_space<semaphore_mem>>)
      } else {
      }
      %add3A_282 = arith.constant 5 : i32
      %add3A_283 = arith.addi %mul3A_108, %add3A_282 : i32
      %lt3A_284 = arith.cmpi slt, %add3A_283, %sub3A_23 : i32
      %convert_element_type3A_285 = arith.extui %lt3A_284 : i1 to i32
      %cond3A_286 = arith.constant 0 : i32
      %cond3A_287 = arith.cmpi ne, %convert_element_type3A_285, %cond3A_286 : i32
      scf.if %cond3A_287 {
        %dma_wait3A_387 = arith.constant 0 : i32
        %dma_wait3A_388 = arith.constant 0 : i32
        %dma_wait3A_389 = arith.constant 0 : i32
        %dma_wait3A_390 = arith.constant 0 : i32
        %dma_wait3A_391 = arith.constant 0 : i32
        %dma_wait3A_392 = tpu.memref_slice %arg2[%dma_wait3A_387, %dma_wait3A_388, %dma_wait3A_389, %dma_wait3A_390, %dma_wait3A_391] : memref<8x40x3x192x192xf32, #tpu.memory_space<hbm>> -> memref<1x1x3x192x192xf32, #tpu.memory_space<hbm>>
        %dma_wait3A_393 = tpu.memref_squeeze %dma_wait3A_392 : memref<1x1x3x192x192xf32, #tpu.memory_space<hbm>> -> memref<3x192x192xf32, #tpu.memory_space<hbm>>
        tpu.wait_dma2 semaphore(%arg26 : memref<!tpu.dma_semaphore, #tpu.memory_space<semaphore_mem>>) src(%dma_wait3A_393 : memref<3x192x192xf32, #tpu.memory_space<hbm>>) dst(%arg10 : memref<3x192x192xf32, #tpu.memory_space<vmem>>)
        %dma_wait3A_394 = arith.constant 0 : i32
        %dma_wait3A_395 = arith.constant 0 : i32
        %dma_wait3A_396 = arith.constant 0 : i32
        %dma_wait3A_397 = arith.constant 0 : i32
        %dma_wait3A_398 = arith.constant 0 : i32
        %dma_wait3A_399 = tpu.memref_slice %arg3[%dma_wait3A_394, %dma_wait3A_395, %dma_wait3A_396, %dma_wait3A_397, %dma_wait3A_398] : memref<8x40x3x192x192xf32, #tpu.memory_space<hbm>> -> memref<1x1x3x192x192xf32, #tpu.memory_space<hbm>>
        %dma_wait3A_400 = tpu.memref_squeeze %dma_wait3A_399 : memref<1x1x3x192x192xf32, #tpu.memory_space<hbm>> -> memref<3x192x192xf32, #tpu.memory_space<hbm>>
        tpu.wait_dma2 semaphore(%arg34 : memref<!tpu.dma_semaphore, #tpu.memory_space<semaphore_mem>>) src(%dma_wait3A_400 : memref<3x192x192xf32, #tpu.memory_space<hbm>>) dst(%arg18 : memref<3x192x192xf32, #tpu.memory_space<vmem>>)
      } else {
      }
      %get3A_288 = arith.constant 0 : index
      %get3A_289 = arith.constant 0 : index
      %get3A_290 = arith.constant 0 : index
      %get3A_291 = vector.load %arg10[%get3A_288, %get3A_289, %get3A_290] : memref<3x192x192xf32, #tpu.memory_space<vmem>>, vector<3x192x192xf32>
      %get3A_292 = arith.constant 0 : index
      %get3A_293 = arith.constant 0 : index
      %get3A_294 = arith.constant 0 : index
      %get3A_295 = vector.load %arg18[%get3A_292, %get3A_293, %get3A_294] : memref<3x192x192xf32, #tpu.memory_space<vmem>>, vector<3x192x192xf32>
      %sub3A_296 = arith.subf %get3A_291, %get3A_295 : vector<3x192x192xf32>
      %abs3A_297 = math.absf %sub3A_296 : vector<3x192x192xf32>
      %slice3A_298 = vector.extract_strided_slice %abs3A_297 {offsets = [0, 0, 0], sizes = [1, 192, 192], strides = [1, 1, 1]} : vector<3x192x192xf32> to vector<1x192x192xf32>
      %squeeze3A_299 = vector.shape_cast %slice3A_298 : vector<1x192x192xf32> to vector<192x192xf32>
      %slice3A_300 = vector.extract_strided_slice %abs3A_297 {offsets = [1, 0, 0], sizes = [1, 192, 192], strides = [1, 1, 1]} : vector<3x192x192xf32> to vector<1x192x192xf32>
      %squeeze3A_301 = vector.shape_cast %slice3A_300 : vector<1x192x192xf32> to vector<192x192xf32>
      %add3A_302 = arith.addf %squeeze3A_299, %squeeze3A_301 : vector<192x192xf32>
      %slice3A_303 = vector.extract_strided_slice %abs3A_297 {offsets = [2, 0, 0], sizes = [1, 192, 192], strides = [1, 1, 1]} : vector<3x192x192xf32> to vector<1x192x192xf32>
      %squeeze3A_304 = vector.shape_cast %slice3A_303 : vector<1x192x192xf32> to vector<192x192xf32>
      %add3A_305 = arith.addf %add3A_302, %squeeze3A_304 : vector<192x192xf32>
      %lt3A_306 = arith.cmpi slt, %add3A_283, %sub3A_23 : i32
      %broadcast_in_dim3A_307 = arith.constant 0.000000e+00 : f32
      %broadcast_in_dim3A_308 = vector.broadcast %broadcast_in_dim3A_307 : f32 to vector<192x192xf32>
      %select_n3A_309 = arith.select %lt3A_306, %add3A_305, %broadcast_in_dim3A_308 : vector<192x192xf32>
      %add3A_310 = arith.addf %add3A_275, %select_n3A_309 : vector<192x192xf32>
      %add3A_311 = arith.constant 8 : i32
      %add3A_312 = arith.addi %add3A_283, %add3A_311 : i32
      %lt3A_313 = arith.cmpi slt, %add3A_312, %sub3A_23 : i32
      %convert_element_type3A_314 = arith.extui %lt3A_313 : i1 to i32
      %cond3A_315 = arith.constant 0 : i32
      %cond3A_316 = arith.cmpi ne, %convert_element_type3A_314, %cond3A_315 : i32
      scf.if %cond3A_316 {
        %add3A_387 = arith.constant 8 : i32
        %add3A_388 = arith.addi %add3A_283, %add3A_387 : i32
        %add3A_389 = arith.addi %select_n3A, %add3A_388 : i32
        %scan3A_390 = arith.constant 0 : i32
        %scan3A_391 = arith.constant 0 : i32
        %scan3A_392 = arith.constant 0 : i32
        %scan3A_393 = arith.constant 0 : i32
        %scan3A_394 = arith.constant 8 : i32
        %scan3A_395 = arith.addi %scan3A_393, %scan3A_394 : i32
        %scan3A_396 = arith.constant 1 : i32
        %scan3A_397:3 = scf.for %scan3A_409 = %scan3A_393 to %scan3A_395 step %scan3A_396 iter_args(%scan3A_410 = %scan3A_390, %scan3A_411 = %scan3A_391, %scan3A_412 = %scan3A_392) -> (i32, i32, i32)  : i32 {
          %get3A_413 = arith.index_cast %scan3A_409 : i32 to index
          %get3A_414 = memref.load %arg1[%get3A_413] : memref<8xi32, #tpu.memory_space<smem>>
          %add3A_415 = arith.addi %scan3A_411, %get3A_414 : i32
          %le3A = arith.cmpi sle, %add3A_415, %add3A_389 : i32
          %add3A_416 = arith.constant 1 : i32
          %add3A_417 = arith.addi %scan3A_410, %add3A_416 : i32
          %select_n3A_418 = arith.select %le3A, %add3A_417, %scan3A_410 : i32
          %select_n3A_419 = arith.select %le3A, %add3A_415, %scan3A_412 : i32
          scf.yield %select_n3A_418, %add3A_415, %select_n3A_419 : i32, i32, i32
        }
        %scan3A_398 = arith.constant 8 : i32
        %sub3A_399 = arith.subi %add3A_389, %scan3A_397#2 : i32
        %dma_start3A = arith.constant 0 : i32
        %dma_start3A_400 = arith.constant 0 : i32
        %dma_start3A_401 = arith.constant 0 : i32
        %dma_start3A_402 = tpu.memref_slice %arg2[%scan3A_397#0, %sub3A_399, %dma_start3A, %dma_start3A_400, %dma_start3A_401] : memref<8x40x3x192x192xf32, #tpu.memory_space<hbm>> -> memref<1x1x3x192x192xf32, #tpu.memory_space<hbm>>
        %dma_start3A_403 = tpu.memref_squeeze %dma_start3A_402 : memref<1x1x3x192x192xf32, #tpu.memory_space<hbm>> -> memref<3x192x192xf32, #tpu.memory_space<hbm>>
        tpu.enqueue_dma source(%dma_start3A_403 : memref<3x192x192xf32, #tpu.memory_space<hbm>>) target(%arg10 : memref<3x192x192xf32, #tpu.memory_space<vmem>>) target_semaphore(%arg26 : memref<!tpu.dma_semaphore, #tpu.memory_space<semaphore_mem>>)
        %dma_start3A_404 = arith.constant 0 : i32
        %dma_start3A_405 = arith.constant 0 : i32
        %dma_start3A_406 = arith.constant 0 : i32
        %dma_start3A_407 = tpu.memref_slice %arg3[%scan3A_397#0, %sub3A_399, %dma_start3A_404, %dma_start3A_405, %dma_start3A_406] : memref<8x40x3x192x192xf32, #tpu.memory_space<hbm>> -> memref<1x1x3x192x192xf32, #tpu.memory_space<hbm>>
        %dma_start3A_408 = tpu.memref_squeeze %dma_start3A_407 : memref<1x1x3x192x192xf32, #tpu.memory_space<hbm>> -> memref<3x192x192xf32, #tpu.memory_space<hbm>>
        tpu.enqueue_dma source(%dma_start3A_408 : memref<3x192x192xf32, #tpu.memory_space<hbm>>) target(%arg18 : memref<3x192x192xf32, #tpu.memory_space<vmem>>) target_semaphore(%arg34 : memref<!tpu.dma_semaphore, #tpu.memory_space<semaphore_mem>>)
      } else {
      }
      %add3A_317 = arith.constant 6 : i32
      %add3A_318 = arith.addi %mul3A_108, %add3A_317 : i32
      %lt3A_319 = arith.cmpi slt, %add3A_318, %sub3A_23 : i32
      %convert_element_type3A_320 = arith.extui %lt3A_319 : i1 to i32
      %cond3A_321 = arith.constant 0 : i32
      %cond3A_322 = arith.cmpi ne, %convert_element_type3A_320, %cond3A_321 : i32
      scf.if %cond3A_322 {
        %dma_wait3A_387 = arith.constant 0 : i32
        %dma_wait3A_388 = arith.constant 0 : i32
        %dma_wait3A_389 = arith.constant 0 : i32
        %dma_wait3A_390 = arith.constant 0 : i32
        %dma_wait3A_391 = arith.constant 0 : i32
        %dma_wait3A_392 = tpu.memref_slice %arg2[%dma_wait3A_387, %dma_wait3A_388, %dma_wait3A_389, %dma_wait3A_390, %dma_wait3A_391] : memref<8x40x3x192x192xf32, #tpu.memory_space<hbm>> -> memref<1x1x3x192x192xf32, #tpu.memory_space<hbm>>
        %dma_wait3A_393 = tpu.memref_squeeze %dma_wait3A_392 : memref<1x1x3x192x192xf32, #tpu.memory_space<hbm>> -> memref<3x192x192xf32, #tpu.memory_space<hbm>>
        tpu.wait_dma2 semaphore(%arg27 : memref<!tpu.dma_semaphore, #tpu.memory_space<semaphore_mem>>) src(%dma_wait3A_393 : memref<3x192x192xf32, #tpu.memory_space<hbm>>) dst(%arg11 : memref<3x192x192xf32, #tpu.memory_space<vmem>>)
        %dma_wait3A_394 = arith.constant 0 : i32
        %dma_wait3A_395 = arith.constant 0 : i32
        %dma_wait3A_396 = arith.constant 0 : i32
        %dma_wait3A_397 = arith.constant 0 : i32
        %dma_wait3A_398 = arith.constant 0 : i32
        %dma_wait3A_399 = tpu.memref_slice %arg3[%dma_wait3A_394, %dma_wait3A_395, %dma_wait3A_396, %dma_wait3A_397, %dma_wait3A_398] : memref<8x40x3x192x192xf32, #tpu.memory_space<hbm>> -> memref<1x1x3x192x192xf32, #tpu.memory_space<hbm>>
        %dma_wait3A_400 = tpu.memref_squeeze %dma_wait3A_399 : memref<1x1x3x192x192xf32, #tpu.memory_space<hbm>> -> memref<3x192x192xf32, #tpu.memory_space<hbm>>
        tpu.wait_dma2 semaphore(%arg35 : memref<!tpu.dma_semaphore, #tpu.memory_space<semaphore_mem>>) src(%dma_wait3A_400 : memref<3x192x192xf32, #tpu.memory_space<hbm>>) dst(%arg19 : memref<3x192x192xf32, #tpu.memory_space<vmem>>)
      } else {
      }
      %get3A_323 = arith.constant 0 : index
      %get3A_324 = arith.constant 0 : index
      %get3A_325 = arith.constant 0 : index
      %get3A_326 = vector.load %arg11[%get3A_323, %get3A_324, %get3A_325] : memref<3x192x192xf32, #tpu.memory_space<vmem>>, vector<3x192x192xf32>
      %get3A_327 = arith.constant 0 : index
      %get3A_328 = arith.constant 0 : index
      %get3A_329 = arith.constant 0 : index
      %get3A_330 = vector.load %arg19[%get3A_327, %get3A_328, %get3A_329] : memref<3x192x192xf32, #tpu.memory_space<vmem>>, vector<3x192x192xf32>
      %sub3A_331 = arith.subf %get3A_326, %get3A_330 : vector<3x192x192xf32>
      %abs3A_332 = math.absf %sub3A_331 : vector<3x192x192xf32>
      %slice3A_333 = vector.extract_strided_slice %abs3A_332 {offsets = [0, 0, 0], sizes = [1, 192, 192], strides = [1, 1, 1]} : vector<3x192x192xf32> to vector<1x192x192xf32>
      %squeeze3A_334 = vector.shape_cast %slice3A_333 : vector<1x192x192xf32> to vector<192x192xf32>
      %slice3A_335 = vector.extract_strided_slice %abs3A_332 {offsets = [1, 0, 0], sizes = [1, 192, 192], strides = [1, 1, 1]} : vector<3x192x192xf32> to vector<1x192x192xf32>
      %squeeze3A_336 = vector.shape_cast %slice3A_335 : vector<1x192x192xf32> to vector<192x192xf32>
      %add3A_337 = arith.addf %squeeze3A_334, %squeeze3A_336 : vector<192x192xf32>
      %slice3A_338 = vector.extract_strided_slice %abs3A_332 {offsets = [2, 0, 0], sizes = [1, 192, 192], strides = [1, 1, 1]} : vector<3x192x192xf32> to vector<1x192x192xf32>
      %squeeze3A_339 = vector.shape_cast %slice3A_338 : vector<1x192x192xf32> to vector<192x192xf32>
      %add3A_340 = arith.addf %add3A_337, %squeeze3A_339 : vector<192x192xf32>
      %lt3A_341 = arith.cmpi slt, %add3A_318, %sub3A_23 : i32
      %broadcast_in_dim3A_342 = arith.constant 0.000000e+00 : f32
      %broadcast_in_dim3A_343 = vector.broadcast %broadcast_in_dim3A_342 : f32 to vector<192x192xf32>
      %select_n3A_344 = arith.select %lt3A_341, %add3A_340, %broadcast_in_dim3A_343 : vector<192x192xf32>
      %add3A_345 = arith.addf %add3A_310, %select_n3A_344 : vector<192x192xf32>
      %add3A_346 = arith.constant 8 : i32
      %add3A_347 = arith.addi %add3A_318, %add3A_346 : i32
      %lt3A_348 = arith.cmpi slt, %add3A_347, %sub3A_23 : i32
      %convert_element_type3A_349 = arith.extui %lt3A_348 : i1 to i32
      %cond3A_350 = arith.constant 0 : i32
      %cond3A_351 = arith.cmpi ne, %convert_element_type3A_349, %cond3A_350 : i32
      scf.if %cond3A_351 {
        %add3A_387 = arith.constant 8 : i32
        %add3A_388 = arith.addi %add3A_318, %add3A_387 : i32
        %add3A_389 = arith.addi %select_n3A, %add3A_388 : i32
        %scan3A_390 = arith.constant 0 : i32
        %scan3A_391 = arith.constant 0 : i32
        %scan3A_392 = arith.constant 0 : i32
        %scan3A_393 = arith.constant 0 : i32
        %scan3A_394 = arith.constant 8 : i32
        %scan3A_395 = arith.addi %scan3A_393, %scan3A_394 : i32
        %scan3A_396 = arith.constant 1 : i32
        %scan3A_397:3 = scf.for %scan3A_409 = %scan3A_393 to %scan3A_395 step %scan3A_396 iter_args(%scan3A_410 = %scan3A_390, %scan3A_411 = %scan3A_391, %scan3A_412 = %scan3A_392) -> (i32, i32, i32)  : i32 {
          %get3A_413 = arith.index_cast %scan3A_409 : i32 to index
          %get3A_414 = memref.load %arg1[%get3A_413] : memref<8xi32, #tpu.memory_space<smem>>
          %add3A_415 = arith.addi %scan3A_411, %get3A_414 : i32
          %le3A = arith.cmpi sle, %add3A_415, %add3A_389 : i32
          %add3A_416 = arith.constant 1 : i32
          %add3A_417 = arith.addi %scan3A_410, %add3A_416 : i32
          %select_n3A_418 = arith.select %le3A, %add3A_417, %scan3A_410 : i32
          %select_n3A_419 = arith.select %le3A, %add3A_415, %scan3A_412 : i32
          scf.yield %select_n3A_418, %add3A_415, %select_n3A_419 : i32, i32, i32
        }
        %scan3A_398 = arith.constant 8 : i32
        %sub3A_399 = arith.subi %add3A_389, %scan3A_397#2 : i32
        %dma_start3A = arith.constant 0 : i32
        %dma_start3A_400 = arith.constant 0 : i32
        %dma_start3A_401 = arith.constant 0 : i32
        %dma_start3A_402 = tpu.memref_slice %arg2[%scan3A_397#0, %sub3A_399, %dma_start3A, %dma_start3A_400, %dma_start3A_401] : memref<8x40x3x192x192xf32, #tpu.memory_space<hbm>> -> memref<1x1x3x192x192xf32, #tpu.memory_space<hbm>>
        %dma_start3A_403 = tpu.memref_squeeze %dma_start3A_402 : memref<1x1x3x192x192xf32, #tpu.memory_space<hbm>> -> memref<3x192x192xf32, #tpu.memory_space<hbm>>
        tpu.enqueue_dma source(%dma_start3A_403 : memref<3x192x192xf32, #tpu.memory_space<hbm>>) target(%arg11 : memref<3x192x192xf32, #tpu.memory_space<vmem>>) target_semaphore(%arg27 : memref<!tpu.dma_semaphore, #tpu.memory_space<semaphore_mem>>)
        %dma_start3A_404 = arith.constant 0 : i32
        %dma_start3A_405 = arith.constant 0 : i32
        %dma_start3A_406 = arith.constant 0 : i32
        %dma_start3A_407 = tpu.memref_slice %arg3[%scan3A_397#0, %sub3A_399, %dma_start3A_404, %dma_start3A_405, %dma_start3A_406] : memref<8x40x3x192x192xf32, #tpu.memory_space<hbm>> -> memref<1x1x3x192x192xf32, #tpu.memory_space<hbm>>
        %dma_start3A_408 = tpu.memref_squeeze %dma_start3A_407 : memref<1x1x3x192x192xf32, #tpu.memory_space<hbm>> -> memref<3x192x192xf32, #tpu.memory_space<hbm>>
        tpu.enqueue_dma source(%dma_start3A_408 : memref<3x192x192xf32, #tpu.memory_space<hbm>>) target(%arg19 : memref<3x192x192xf32, #tpu.memory_space<vmem>>) target_semaphore(%arg35 : memref<!tpu.dma_semaphore, #tpu.memory_space<semaphore_mem>>)
      } else {
      }
      %add3A_352 = arith.constant 7 : i32
      %add3A_353 = arith.addi %mul3A_108, %add3A_352 : i32
      %lt3A_354 = arith.cmpi slt, %add3A_353, %sub3A_23 : i32
      %convert_element_type3A_355 = arith.extui %lt3A_354 : i1 to i32
      %cond3A_356 = arith.constant 0 : i32
      %cond3A_357 = arith.cmpi ne, %convert_element_type3A_355, %cond3A_356 : i32
      scf.if %cond3A_357 {
        %dma_wait3A_387 = arith.constant 0 : i32
        %dma_wait3A_388 = arith.constant 0 : i32
        %dma_wait3A_389 = arith.constant 0 : i32
        %dma_wait3A_390 = arith.constant 0 : i32
        %dma_wait3A_391 = arith.constant 0 : i32
        %dma_wait3A_392 = tpu.memref_slice %arg2[%dma_wait3A_387, %dma_wait3A_388, %dma_wait3A_389, %dma_wait3A_390, %dma_wait3A_391] : memref<8x40x3x192x192xf32, #tpu.memory_space<hbm>> -> memref<1x1x3x192x192xf32, #tpu.memory_space<hbm>>
        %dma_wait3A_393 = tpu.memref_squeeze %dma_wait3A_392 : memref<1x1x3x192x192xf32, #tpu.memory_space<hbm>> -> memref<3x192x192xf32, #tpu.memory_space<hbm>>
        tpu.wait_dma2 semaphore(%arg28 : memref<!tpu.dma_semaphore, #tpu.memory_space<semaphore_mem>>) src(%dma_wait3A_393 : memref<3x192x192xf32, #tpu.memory_space<hbm>>) dst(%arg12 : memref<3x192x192xf32, #tpu.memory_space<vmem>>)
        %dma_wait3A_394 = arith.constant 0 : i32
        %dma_wait3A_395 = arith.constant 0 : i32
        %dma_wait3A_396 = arith.constant 0 : i32
        %dma_wait3A_397 = arith.constant 0 : i32
        %dma_wait3A_398 = arith.constant 0 : i32
        %dma_wait3A_399 = tpu.memref_slice %arg3[%dma_wait3A_394, %dma_wait3A_395, %dma_wait3A_396, %dma_wait3A_397, %dma_wait3A_398] : memref<8x40x3x192x192xf32, #tpu.memory_space<hbm>> -> memref<1x1x3x192x192xf32, #tpu.memory_space<hbm>>
        %dma_wait3A_400 = tpu.memref_squeeze %dma_wait3A_399 : memref<1x1x3x192x192xf32, #tpu.memory_space<hbm>> -> memref<3x192x192xf32, #tpu.memory_space<hbm>>
        tpu.wait_dma2 semaphore(%arg36 : memref<!tpu.dma_semaphore, #tpu.memory_space<semaphore_mem>>) src(%dma_wait3A_400 : memref<3x192x192xf32, #tpu.memory_space<hbm>>) dst(%arg20 : memref<3x192x192xf32, #tpu.memory_space<vmem>>)
      } else {
      }
      %get3A_358 = arith.constant 0 : index
      %get3A_359 = arith.constant 0 : index
      %get3A_360 = arith.constant 0 : index
      %get3A_361 = vector.load %arg12[%get3A_358, %get3A_359, %get3A_360] : memref<3x192x192xf32, #tpu.memory_space<vmem>>, vector<3x192x192xf32>
      %get3A_362 = arith.constant 0 : index
      %get3A_363 = arith.constant 0 : index
      %get3A_364 = arith.constant 0 : index
      %get3A_365 = vector.load %arg20[%get3A_362, %get3A_363, %get3A_364] : memref<3x192x192xf32, #tpu.memory_space<vmem>>, vector<3x192x192xf32>
      %sub3A_366 = arith.subf %get3A_361, %get3A_365 : vector<3x192x192xf32>
      %abs3A_367 = math.absf %sub3A_366 : vector<3x192x192xf32>
      %slice3A_368 = vector.extract_strided_slice %abs3A_367 {offsets = [0, 0, 0], sizes = [1, 192, 192], strides = [1, 1, 1]} : vector<3x192x192xf32> to vector<1x192x192xf32>
      %squeeze3A_369 = vector.shape_cast %slice3A_368 : vector<1x192x192xf32> to vector<192x192xf32>
      %slice3A_370 = vector.extract_strided_slice %abs3A_367 {offsets = [1, 0, 0], sizes = [1, 192, 192], strides = [1, 1, 1]} : vector<3x192x192xf32> to vector<1x192x192xf32>
      %squeeze3A_371 = vector.shape_cast %slice3A_370 : vector<1x192x192xf32> to vector<192x192xf32>
      %add3A_372 = arith.addf %squeeze3A_369, %squeeze3A_371 : vector<192x192xf32>
      %slice3A_373 = vector.extract_strided_slice %abs3A_367 {offsets = [2, 0, 0], sizes = [1, 192, 192], strides = [1, 1, 1]} : vector<3x192x192xf32> to vector<1x192x192xf32>
      %squeeze3A_374 = vector.shape_cast %slice3A_373 : vector<1x192x192xf32> to vector<192x192xf32>
      %add3A_375 = arith.addf %add3A_372, %squeeze3A_374 : vector<192x192xf32>
      %lt3A_376 = arith.cmpi slt, %add3A_353, %sub3A_23 : i32
      %broadcast_in_dim3A_377 = arith.constant 0.000000e+00 : f32
      %broadcast_in_dim3A_378 = vector.broadcast %broadcast_in_dim3A_377 : f32 to vector<192x192xf32>
      %select_n3A_379 = arith.select %lt3A_376, %add3A_375, %broadcast_in_dim3A_378 : vector<192x192xf32>
      %add3A_380 = arith.addf %add3A_345, %select_n3A_379 : vector<192x192xf32>
      %add3A_381 = arith.constant 8 : i32
      %add3A_382 = arith.addi %add3A_353, %add3A_381 : i32
      %lt3A_383 = arith.cmpi slt, %add3A_382, %sub3A_23 : i32
      %convert_element_type3A_384 = arith.extui %lt3A_383 : i1 to i32
      %cond3A_385 = arith.constant 0 : i32
      %cond3A_386 = arith.cmpi ne, %convert_element_type3A_384, %cond3A_385 : i32
      scf.if %cond3A_386 {
        %add3A_387 = arith.constant 8 : i32
        %add3A_388 = arith.addi %add3A_353, %add3A_387 : i32
        %add3A_389 = arith.addi %select_n3A, %add3A_388 : i32
        %scan3A_390 = arith.constant 0 : i32
        %scan3A_391 = arith.constant 0 : i32
        %scan3A_392 = arith.constant 0 : i32
        %scan3A_393 = arith.constant 0 : i32
        %scan3A_394 = arith.constant 8 : i32
        %scan3A_395 = arith.addi %scan3A_393, %scan3A_394 : i32
        %scan3A_396 = arith.constant 1 : i32
        %scan3A_397:3 = scf.for %scan3A_409 = %scan3A_393 to %scan3A_395 step %scan3A_396 iter_args(%scan3A_410 = %scan3A_390, %scan3A_411 = %scan3A_391, %scan3A_412 = %scan3A_392) -> (i32, i32, i32)  : i32 {
          %get3A_413 = arith.index_cast %scan3A_409 : i32 to index
          %get3A_414 = memref.load %arg1[%get3A_413] : memref<8xi32, #tpu.memory_space<smem>>
          %add3A_415 = arith.addi %scan3A_411, %get3A_414 : i32
          %le3A = arith.cmpi sle, %add3A_415, %add3A_389 : i32
          %add3A_416 = arith.constant 1 : i32
          %add3A_417 = arith.addi %scan3A_410, %add3A_416 : i32
          %select_n3A_418 = arith.select %le3A, %add3A_417, %scan3A_410 : i32
          %select_n3A_419 = arith.select %le3A, %add3A_415, %scan3A_412 : i32
          scf.yield %select_n3A_418, %add3A_415, %select_n3A_419 : i32, i32, i32
        }
        %scan3A_398 = arith.constant 8 : i32
        %sub3A_399 = arith.subi %add3A_389, %scan3A_397#2 : i32
        %dma_start3A = arith.constant 0 : i32
        %dma_start3A_400 = arith.constant 0 : i32
        %dma_start3A_401 = arith.constant 0 : i32
        %dma_start3A_402 = tpu.memref_slice %arg2[%scan3A_397#0, %sub3A_399, %dma_start3A, %dma_start3A_400, %dma_start3A_401] : memref<8x40x3x192x192xf32, #tpu.memory_space<hbm>> -> memref<1x1x3x192x192xf32, #tpu.memory_space<hbm>>
        %dma_start3A_403 = tpu.memref_squeeze %dma_start3A_402 : memref<1x1x3x192x192xf32, #tpu.memory_space<hbm>> -> memref<3x192x192xf32, #tpu.memory_space<hbm>>
        tpu.enqueue_dma source(%dma_start3A_403 : memref<3x192x192xf32, #tpu.memory_space<hbm>>) target(%arg12 : memref<3x192x192xf32, #tpu.memory_space<vmem>>) target_semaphore(%arg28 : memref<!tpu.dma_semaphore, #tpu.memory_space<semaphore_mem>>)
        %dma_start3A_404 = arith.constant 0 : i32
        %dma_start3A_405 = arith.constant 0 : i32
        %dma_start3A_406 = arith.constant 0 : i32
        %dma_start3A_407 = tpu.memref_slice %arg3[%scan3A_397#0, %sub3A_399, %dma_start3A_404, %dma_start3A_405, %dma_start3A_406] : memref<8x40x3x192x192xf32, #tpu.memory_space<hbm>> -> memref<1x1x3x192x192xf32, #tpu.memory_space<hbm>>
        %dma_start3A_408 = tpu.memref_squeeze %dma_start3A_407 : memref<1x1x3x192x192xf32, #tpu.memory_space<hbm>> -> memref<3x192x192xf32, #tpu.memory_space<hbm>>
        tpu.enqueue_dma source(%dma_start3A_408 : memref<3x192x192xf32, #tpu.memory_space<hbm>>) target(%arg20 : memref<3x192x192xf32, #tpu.memory_space<vmem>>) target_semaphore(%arg36 : memref<!tpu.dma_semaphore, #tpu.memory_space<semaphore_mem>>)
      } else {
      }
      scf.yield %add3A_380 : vector<192x192xf32>
    }
    %reduce_sum3A = vector.shape_cast %while3A_98 : vector<192x192xf32> to vector<1x192x192xf32>
    %reduce_sum3A_99 = arith.constant dense<0.000000e+00> : vector<1xf32>
    %reduce_sum3A_100 = vector.multi_reduction <add>, %reduce_sum3A, %reduce_sum3A_99 [1, 2] : vector<1x192x192xf32> to vector<1xf32>
    %reduce_sum3A_101 = vector.shape_cast %reduce_sum3A_100 : vector<1xf32> to vector<1x1x1xf32>
    %reduce_sum3A_102 = vector.extract %reduce_sum3A_101[0, 0, 0] : f32 from vector<1x1x1xf32>
    %swap3A = arith.constant 0 : index
    %swap3A_103 = arith.constant 0 : index
    %swap3A_104 = memref.load %arg4[%swap3A, %swap3A_103] : memref<1x1xf32, #tpu.memory_space<smem>>
    memref.store %reduce_sum3A_102, %arg4[%swap3A, %swap3A_103] : memref<1x1xf32, #tpu.memory_space<smem>>
    return
  }
  func.func @transform_0(%arg0: i32) -> i32 {
    %c0_i32 = arith.constant 0 : i32
    %c0_i32_0 = arith.constant 0 : i32
    return %c0_i32 : i32
  }
  func.func @transform_3(%arg0: i32) -> (i32, i32) {
    %c0_i32 = arith.constant 0 : i32
    %c0_i32_0 = arith.constant 0 : i32
    %c0_i32_1 = arith.constant 0 : i32
    return %c0_i32, %c0_i32_0 : i32, i32
  }
}

</mosaic_0001>

<sc_bundles>
// kernel: kernel.4.cloned.1.call-start
scs
__scs_entry_jumppad:
0x0: {  	(pc) =	sbr.rel $0x88, $3  }
0x1: {  	(tag) =	ssettag $0x0;
	lr =	simm.s32 $0x1  }
0x2: {  	[smem:$0x3F9E] =	sst lr;
	_ =	strace $0xD0000000  }
0x3: {  	_ = 	snop  }
0x4: {  	_ = 	snop  }
0x5: {  	_ = 	snop  }
0x6: {  	_ = 	snop  }
0x7: {  	_ = 	snop  }
__scs_overlays_trampoline_lowered:
0x8: {  	[smem:$0x3FAD] =	sst s0  }
0x9: {  	[smem:$0x3FAE] =	sst s1  }
0xa: {  	[smem:$0x3FAF] =	sst s2  }
0xb: {  	[smem:$0x3FB0] =	sst s3  }
0xc: {  	[smem:$0x3FB1] =	sst s4  }
0xd: {  	[smem:$0x3FB2] =	sst s5  }
0xe: {  	[smem:$0x3FB3] =	sst s6  }
0xf: {  	[smem:$0x3FB4] =	sst s7  }
0x10: {  	[smem:$0x3FB5] =	sst s8  }
0x11: {  	[smem:$0x3FB6] =	sst s9;
	s0 =	simm.s32 @!p0 $0x0  }
0x12: {  	s1 =	sld [smem:$0x3F9C];
	s0 =	simm.s32 @p0 $0x1  }
0x13: {  	[smem:$0x3FB7] =	sst s0;
	s0 =	simm.s32 @!p1 $0x0  }
0x14: {  	s2 =	sld [smem:$0x3F9B];
	s0 =	simm.s32 @p1 $0x1  }
0x15: {  	[smem:$0x3FB8] =	sst s0;
	s0 =	simm.s32 @!p2 $0x0  }
0x16: {  	s3 =	sld [smem:$0x3FDB];
	s0 =	simm.s32 @p2 $0x1  }
0x17: {  	s4 =	simm.s32 $0x1BF5;
	[smem:$0x3FBA] =	sst s0  }
0x18: {  	s0 =	sld [smem:$0x3F9D];
	_ =	swait.ge [sflag:s4], $0x0  }
0x19: {  	s7 =	sld [smem:$0x3F9E]  }
0x1a: {  	s8 =	sadd.s32 $0xFFFFE003, lr  }
0x1b: {  	s9 =	sadd.s32 $0xFFFFFEF7, lr;
	s5 =	simm.s32 $0xFFFFFFFF;
	p2 =	slt.u32 s8, $0xFFFFF086  }
0x1c: {  	p1 =	slt.u32 s9, $0xF7A;
	s5 =	simm.s32 @!p2 $0x0  }
0x1d: {  	s5 =	simm.s32 @p1 $0x1;
	p0 =	seq.s32 s7, s2  }
0x1e: {  	s7 =	smul.u32 @!p0 $0xF7A, s2;
	p2 =	seq.s32 @!p0 s5, $0x0  }
0x1f: {  	s9 =	smul.u32 $0xF7A, s1;
	s8 =	simm.s32 @!p0 $0x1BF5;
	p2 =	por !p2, p0  }
0x20: {  	[sflag:s8] =	ssyncset.s32 @!p0 $0xFFFFF086;
	s6 =	sadd.s32 @!p0 s3, s7;
	s7 =	simm.s32 @!p0 $0x108  }
0x21: {  	s3 =	sadd.s32 s3, s9;
	s6 =	sadd.s32 @!p0 $0x88, s6;
	s7 =	simm.s32 @p2 $0x1082  }
0x22: {  	[simem:s7], [sflag:s8] =	dma.local @!p0 [hbm:s6], $0xF7A  }
0x23: {  	s9 =	sor.u32 $0xD0000000, s2;
	s6 =	simm.s32 $0x108;
	_ =	swait.ge @!p0 [sflag:s8], $0x0  }
0x24: {  	s3 =	sadd.s32 $0x88, s3;
	s6 =	simm.s32 @!p1 $0x1082;
	[sflag:s4] =	ssyncset.s32 $0xFFFFF086  }
0x25: {  	[simem:s6], [sflag:s4] =	dma.local [hbm:s3], $0xF7A  }
0x26: {  	[smem:$0x3F9E] =	sst s1;
	(tag) =	ssettag s2;
	_ =	strace s9  }
0x27: {  	s1 =	sld [smem:$0x3FAE]  }
0x28: {  	s2 =	sld [smem:$0x3FAF]  }
0x29: {  	s4 =	sld [smem:$0x3FB1]  }
0x2a: {  	p0 =	seq.s32 s5, $0x0;
	s5 =	sld [smem:$0x3FB2]  }
0x2b: {  	s6 =	sld [smem:$0x3FB3]  }
0x2c: {  	s7 =	sld [smem:$0x3FB4]  }
0x2d: {  	s3 =	simm.s32 $0x108;
	s8 =	sld [smem:$0x3FB5]  }
0x2e: {  	s3 =	simm.s32 @!p0 $0x1082;
	s9 =	sld [smem:$0x3FB6]  }
0x2f: {  	lr =	sadd.s32 s0, s3;
	s0 =	sld [smem:$0x3FAD]  }
0x30: {  	s3 =	sld [smem:$0x3FB0]  }
0x31: {  	[smem:$0x3FB9] =	sst s10  }
0x32: {  	s10 =	sld [smem:$0x3FB7];
	_ =	sdelay $0x3  }
0x33: {  	p0 =	seq.s32 s10, $0x1;
	s10 =	sld [smem:$0x3FB9];
	_ =	sdelay $0x3  }
0x34: {  	[smem:$0x3FB9] =	sst s10  }
0x35: {  	s10 =	sld [smem:$0x3FB8];
	_ =	sdelay $0x3  }
0x36: {  	p1 =	seq.s32 s10, $0x1;
	s10 =	sld [smem:$0x3FB9];
	_ =	sdelay $0x3  }
0x37: {  	[smem:$0x3FB9] =	sst s10  }
0x38: {  	s10 =	sld [smem:$0x3FBA]  }
0x39: {  	_ = 	snop;
	(pc) =	sbr.ind lr, $3  }
0x3a: {  	_ = 	snop  }
0x3b: {  	_ = 	snop  }
0x3c: {  	p2 =	seq.s32 s10, $0x1;
	s10 =	sld [smem:$0x3FB9]  }
0x3d: {  	_ =	shalt  }
0x3e: {  	_ =	shalt  }
0x3f: {  	_ =	shalt  }
0x40: {  	_ =	shalt  }
0x41: {  	_ =	shalt  }
0x42: {  	_ =	shalt  }
0x43: {  	_ =	shalt  }
0x44: {  	_ =	shalt  }
0x45: {  	_ =	shalt  }
0x46: {  	_ =	shalt  }
0x47: {  	_ =	shalt  }
0x48: {  	_ =	shalt  }
0x49: {  	_ =	shalt  }
0x4a: {  	_ =	shalt  }
0x4b: {  	_ =	shalt  }
0x4c: {  	_ =	shalt  }
0x4d: {  	_ =	shalt  }
0x4e: {  	_ =	shalt  }
0x4f: {  	_ =	shalt  }
0x50: {  	_ =	shalt  }
0x51: {  	_ =	shalt  }
0x52: {  	_ =	shalt  }
0x53: {  	_ =	shalt  }
0x54: {  	_ =	shalt  }
0x55: {  	_ =	shalt  }
0x56: {  	_ =	shalt  }
0x57: {  	_ =	shalt  }
0x58: {  	_ =	shalt  }
0x59: {  	_ =	shalt  }
0x5a: {  	_ =	shalt  }
0x5b: {  	_ =	shalt  }
0x5c: {  	_ =	shalt  }
0x5d: {  	_ =	shalt  }
0x5e: {  	_ =	shalt  }
0x5f: {  	_ =	shalt  }
0x60: {  	_ =	shalt  }
0x61: {  	_ =	shalt  }
0x62: {  	_ =	shalt  }
0x63: {  	_ =	shalt  }
0x64: {  	_ =	shalt  }
0x65: {  	_ =	shalt  }
0x66: {  	_ =	shalt  }
0x67: {  	_ =	shalt  }
0x68: {  	_ =	shalt  }
0x69: {  	_ =	shalt  }
0x6a: {  	_ =	shalt  }
0x6b: {  	_ =	shalt  }
0x6c: {  	_ =	shalt  }
0x6d: {  	_ =	shalt  }
0x6e: {  	_ =	shalt  }
0x6f: {  	_ =	shalt  }
0x70: {  	_ =	shalt  }
0x71: {  	_ =	shalt  }
0x72: {  	_ =	shalt  }
0x73: {  	_ =	shalt  }
0x74: {  	_ =	shalt  }
0x75: {  	_ =	shalt  }
0x76: {  	_ =	shalt  }
0x77: {  	_ =	shalt  }
0x78: {  	_ =	shalt  }
0x79: {  	_ =	shalt  }
0x7a: {  	_ =	shalt  }
0x7b: {  	_ =	shalt  }
0x7c: {  	_ =	shalt  }
0x7d: {  	_ =	shalt  }
0x7e: {  	_ =	shalt  }
0x7f: {  	_ =	shalt  }
0x80: {  	_ =	shalt  }
0x81: {  	_ =	shalt  }
0x82: {  	_ =	shalt  }
0x83: {  	_ =	shalt  }
0x84: {  	_ =	shalt  }
0x85: {  	_ =	shalt  }
0x86: {  	_ =	shalt  }
0x87: {  	_ =	shalt  }
.Lfunc_end0:
.L_simem_size_0:
called_computation_lowered:
.L_overlay_start_0:
0x88: {  	s2 =	sld [smem:$0x3FD9]  }
0x89: {  	s3 =	sld [smem:$0x3FFE];
	_ =	sdelay $0x1  }
0x8a: {  	s1 =	srdreg.scid  }
0x8b: {  	s0 =	sand.u32 $0x1, s1  }
0x8c: {  	s17 =	sshll.u32 s0, $0xA;
	s2 =	sadd.s32 s3, s2  }
0x8d: {  	s2 =	sadd.s32 s2, s17  }
0x8e: {  	[smem:$0x3FC5] =	sst s2  }
0x8f: {  	_ = 	snop  }
0x90: {  	s2 =	sld [smem:$0x3FC9]  }
0x91: {  	s18 =	sld [smem:$0x3FC8]  }
0x92: {  	s4 =	sld [smem:$0x3FC7];
	(tm) =	ssettm $0x1  }
0x93: {  	s5 =	sld [smem:$0x3FFB];
	_ =	sdelay $0x3  }
0x94: {  	_ =	strace s5  }
0x95: {  	s5 =	sld [smem:$0x3FFC];
	_ =	sdelay $0x3  }
0x96: {  	_ =	strace s5  }
0x97: {  	s5 =	sld [smem:$0x3FFD];
	_ =	sdelay $0x3  }
0x98: {  	_ =	strace s5  }
0x99: {  	_ =	strace $0x8FFFFFFF  }
0x9a: {  	s19 =	sld [smem:$0x3FDB];
	_ =	sdelay $0x1  }
0x9b: {  	s6 =	simm.s32 $_scs_section_size  }
0x9c: {  	s7 =	simm.s32 $_size__tile_overlayer_lowered;
	s8 =	simm.s32 $_tile_overlayer_lowered  }
0x9d: {  	s22 =	simm.s32 $0x1BFF;
	s21 =	sshll.u32 s8, $0x1;
	s5 =	sadd.s32 s6, s19  }
0x9e: {  	s9 =	simm.s32 $0x0;
	s20 =	sshll.u32 s7, $0x1;
	s7 =	sadd.s32 s21, s5  }
0x9f: {  	[timem:s9], [sflag:s22] =	dma.local [hbm:s7], s20  }
0xa0: {  	_ =	swait.ge [sflag:s22], s20  }
0xa1: {  	s6 =	ssub.s32 $0x0, s20;
	[sflag:s22] =	ssyncset.done $0x0  }
0xa2: {  	[sflag:s22] =	ssyncadd.s32 s6;
	_ =	sdelay $0x1  }
0xa3: {  	s23 =	simm.s32 $0x1B8B  }
0xa4: {  	_ =	swait.ge [sflag:s23], $0x1  }
0xa5: {  	[sflag:s23] =	ssyncset.done $0x0  }
0xa6: {  	s25 =	simm.s32 $0x1B8E;
	s24 =	sld [smem:$0x3FFE];
	[sflag:s23] =	ssyncadd.s32 $0xFFFFFFFF  }
0xa7: {  	s26 =	simm.s32 $execute0_lowered;
	[smem:$0x3FD2] =	sst s25  }
0xa8: {  	s7 =	sshll.u32 s26, $0x1;
	_ =	strace $0x80000046;
	[dreg:$0x1] =	wrdreg $0xFFFFFFFF  }
0xa9: {  	s28 =	simm.s32 $_size_execute0_lowered;
	s5 =	sadd.s32 s5, s7;
	[dreg:$0x0] =	wrdreg $0x0  }
0xaa: {  	s7 =	sshll.u32 s28, $0x1;
	[dreg:$0x2] =	wrdreg s5  }
0xab: {  	[dreg:$0x3] =	wrdreg s7  }
0xac: {  	[dreg:$0x4] =	wrdreg $0xC0  }
0xad: {  	_ =	task [dreg:s9], $0x5FFFF  }
0xae: {  	[dreg:$0x1] =	wrdreg $0xFFFFFFFF  }
0xaf: {  	[dreg:$0x0] =	wrdreg $0x60  }
0xb0: {  	[dreg:$0x2] =	wrdreg s2  }
0xb1: {  	[dreg:$0x3] =	wrdreg s18  }
0xb2: {  	[dreg:$0x4] =	wrdreg s4  }
0xb3: {  	[dreg:$0x5] =	wrdreg s24  }
0xb4: {  	[dreg:$0x6] =	wrdreg $0x9  }
0xb5: {  	_ =	task.clear_ibuf [dreg:s9], $0x7FFFF;
	_ =	strace $0x90000046  }
0xb6: {  	s29 =	simm.s32 $0x9;
	_ =	strace $0x80000048  }
0xb7: {  	_ =	swait.ge [sflag:s29], $0x1  }
0xb8: {  	[sflag:s29] =	ssyncadd.s32 $0xFFFFFFFF  }
0xb9: {  	_ =	strace $0x90000048  }
0xba: {  	_ =	sfence  }
0xbb: {  	s30 =	sld [smem:$0x0];
	_ =	sdelay $0x2  }
0xbc: {  	s31 =	sshll.u32 s1, $0xD;
	s1 =	sshrl.u32 s1, $0x2  }
0xbd: {  	s3 =	sand.u32 $0x4000, s31;
	s1 =	sadd.s32 s1, s30  }
0xbe: {  	s0 =	sor.u32 s3, s0;
	s1 =	sshll.u32 s1, $0x11  }
0xbf: {  	s0 =	sor.u32 s1, s0  }
0xc0: {  	s0 =	sadd.s32 $0x8F2B, s0  }
0xc1: {  	[sflag:s0] =	ssyncadd.remote.s32 $0x1  }
0xc2: {  	_ =	sfence.sel $0xFFFF  }
0xc3: {  	[dreg:$0x0] =	wrdreg $0xFFFFFFFF;
	(pc) =	sbr.abs _section_cstart, $3  }
0xc4: {  	[dreg:$0x1] =	wrdreg $0xFFFFFFFF  }
0xc5: {  	_ =	task.clear_ibuf [dreg:s9], $0x2FFFF;
	_ =	strace $0x9FFFFFFF  }
0xc6: {  	(tm) =	ssettm $0x7FFFFFFF  }
0xc7: {  	_ =	shalt  }
tec
execute0_lowered:
.L_overlay_start_1:
0x0: {  	(tag) =	ssettag $0x1  }
0x1: {  	s0 =	rddreg [dreg:$0x0]  }
0x2: {  	s3 =	rddreg [dreg:$0x1]  }
0x3: {  	s4 =	rddreg [dreg:$0x2]  }
0x4: {  	s1 =	srdreg.scid;
	s7 =	rddreg [dreg:$0x3]  }
0x5: {  	s2 =	stileid.u32;
	s5 =	simm.s32 $0x0;
	s11 =	simm.s32 $0x1  }
0x6: {  	s12 =	simm.s32 $0x18080;
	s13 =	simm.s32 $0xC000;
	s14 =	simm.s32 $0x6000  }
0x7: {  	s15 =	simm.s32 $0x12000;
	s16 =	simm.s32 $0x3;
	s17 =	simm.s32 $0x0  }
.Ltmp0:
0x8: {  	s6 =	sand.u32 $0x1, s1;
	s9 =	sshll.u32 s2, $0x1;
	(pc) =	sbr.rel .LBB2_1-.Ltmp0, $4  }
0x9: {  	s1 =	rddreg [dreg:$0x4];
	s8 =	ssub.s32 $0x2, s6;
	s6 =	sor.u32 s6, s9  }
0xa: {  	[smem:$0x7FF] =	sst s5;
	s10 =	sshrl.u32 s8, $0x1;
	s9 =	sshll.u32 s6, $0x4  }
0xb: {  	vm0 =	vmmov $0xff;
	_ =	strace $0x80000047;
	s8 =	ssub.s32 s8, s10;
	s7 =	sadd.s32 s7, s9  }
0xc: {  	v1 =	vimm.s32 $0x0;
	v2 =	vlaneseq.u32;
	v0 =	vmov s6;
	s9 =	simm.s32 $0x18000;
	s10 =	simm.s32 $0x5;
	s8 =	smax.u32 s8, $0x1  }
.LBB2_2:
0xd: {  	v6 =	vimm.f32 $0.0e+00  }
.LBB2_9:
0xe: {  	s17 =	sadd.s32 $0x1, s17  }
0xf: {  	p0 =	sne.s32 s17, s8  }
.Ltmp1:
0x10: {  	[tilespmem:$0x18080] =	vst v6;
	(pc) =	sbr.rel @!p0 .LBB2_10-.Ltmp1, $4  }
0x11: {  	[hbm4b:s7+s5] =	stream.linear.scatter [tilespmem:s12], [sflag:$0x5], $0x80, $0x38;
	[tilespmem:$0x18100] =	vst v63  }
0x12: {  	_ =	swait.ge [sflag:s10], $0x80  }
0x13: {  	[sflag:s10] =	ssyncset.done $0x0  }
0x14: {  	[sflag:s10] =	ssyncadd.s32 $0xFFFFFF80  }
.LBB2_1:
0x15: {  	[tilespmem:s9], [sflag:$0x5] =	stream.linear.gather [hbm4b:s4+s5], $0x8, $0x38;
	[tilespmem:$0x18100] =	vst v63  }
0x16: {  	_ =	swait.ge [sflag:s10], $0x8  }
0x17: {  	[sflag:s10] =	ssyncset.done $0x0  }
0x18: {  	[sflag:s10] =	ssyncadd.s32 $0xFFFFFFF8  }
0x19: {  	v3 =	vld [tilespmem:$0x18000];
	_ =	sdelay $0x4  }
0x1a: {  	v4 =	vnsel vm0, $0x0, v3  }
0x1b: {  	(xrf0) =	vadd.scan.msk.s32 $0xffff, v4;
	_ =	sdelay $0x5  }
0x1c: {  	v3, _, _ =	vpop (xrf0)  }
0x1d: {  	v5 =	vxor.u32 $0x80000000, v3  }
0x1e: {  	(xrf0) =	vmax.scan.msk.u32 $0xffff, v5;
	_ =	sdelay $0x5  }
0x1f: {  	v5, _, _ =	vpop (xrf0)  }
0x20: {  	(v2sf) =	vpush v5, $0xF;
	_ =	sdelay $0xe  }
0x21: {  	s18 =	spop (v2sf)  }
0x22: {  	s19 =	sxor.u32 $0x80000000, s18  }
0x23: {  	s19 =	smul.u32 $0x9, s19  }
0x24: {  	p0 =	sne.s32 s18, $0x80000000;
	s18 =	simm.s32 $0x1  }
0x25: {  	s18 =	simm.s32 @!p0 $0x0;
	s20 =	sshra.s32 s19, $0x1F  }
0x26: {  	s21 =	sand.u32 $0x1F, s19;
	s18 =	sor.u32 s18, s20  }
0x27: {  	s20 =	sshrl.u32 s20, $0x1B;
	p1 =	sne.s32 s21, $0x0;
	p4 =	sne.s32 s18, $0x1  }
0x28: {  	s28 =	sadd.s32 s20, s19;
	p0 =	por !p1, !p4  }
0x29: {  	s19 =	simm.s32 $0x1;
	s18 =	sshra.s32 s28, $0x5;
	p0 =	por !p0, !p0  }
0x2a: {  	s18 =	ssub.s32 s18, s6;
	s19 =	simm.s32 @!p0 $0x0  }
0x2b: {  	s18 =	ssub.s32 s18, s19  }
0x2c: {  	s19 =	sadd.s32 $0x1F, s18  }
0x2d: {  	s29 =	sand.u32 $0x1F, s19  }
0x2e: {  	p5 =	slt.s32 s18, $0xFFFFFFE2;
	s30 =	sshra.s32 s19, $0x1F;
	p6 =	sne.s32 s29, $0x0  }
0x2f: {  	s31 =	sshrl.u32 s30, $0x1B;
	p0 =	por !p5, !p6  }
0x30: {  	s18 =	sadd.s32 s31, s19;
	s19 =	simm.s32 $0x1;
	p0 =	por !p0, !p0  }
0x31: {  	s18 =	sshra.s32 s18, $0x5;
	s19 =	simm.s32 @!p0 $0x0  }
0x32: {  	s21 =	ssub.s32 s18, s19  }
0x33: {  	p0 =	slt.s32 s21, $0x1  }
.Ltmp2:
0x34: {  	_ = 	snop;
	(pc) =	sbr.rel @p0 .LBB2_2-.Ltmp2, $1  }
0x35: {  	_ =	sdelay $0x3  }
0x36: {  	vm1 =	vle.s32 v3, v0  }
0x37: {  	v5 =	vsel vm1, $0x1, v1  }
0x38: {  	(xrf0) =	vadd.scan.msk.s32 $0xffff, v5;
	_ =	sdelay $0x5  }
0x39: {  	v5, _, _ =	vpop (xrf0)  }
0x3a: {  	v6 =	vbroadcast v5, $0xF;
	_ =	sdelay $0x1  }
0x3b: {  	v4 =	vsub.s32 v3, v4;
	vm1 =	veq.s32 v6, v2  }
0x3c: {  	v6 =	vnsel vm1, $0x0, v4  }
0x3d: {  	(xrf0) =	vadd.scan.msk.s32 $0xffff, v6;
	_ =	sdelay $0x5  }
0x3e: {  	(v2sf) =	vpush v5, $0xF;
	v5, _, _ =	vpop (xrf0)  }
0x3f: {  	(v2sf) =	vpush v5, $0xF;
	_ =	sdelay $0xd  }
0x40: {  	s18 =	spop (v2sf)  }
0x41: {  	s19 =	spop (v2sf)  }
0x42: {  	s18 =	smul.u32 $0x5A0000, s18;
	s19 =	ssub.s32 s6, s19  }
0x43: {  	s19 =	smul.u32 $0x24000, s19;
	_ =	sdelay $0x1  }
0x44: {  	s19 =	sadd.s32 s18, s19  }
0x45: {  	s20 =	sshrl.u32 s19, $0x3  }
0x46: {  	s18 =	simm.s32 $0x0;
	s19 =	sadd.s32 $0x6000, s19;
	s22 =	sadd.s32 s0, s20  }
0x47: {  	[tilespmem:s18], [sflag:$0x1] =	stream.linear.gather [hbm4b:s22+s18], $0x6000, $0x38;
	[tilespmem:$0x18100] =	vst v63  }
0x48: {  	p0 =	sgt.s32 s21, $0x0;
	s20 =	sadd.s32 s3, s20;
	s31 =	sshrl.u32 s19, $0x3  }
0x49: {  	[tilespmem:s13], [sflag:$0x3] =	stream.linear.gather [hbm4b:s20+s18], $0x6000, $0x38;
	[tilespmem:$0x18100] =	vst v63  }
0x4a: {  	s21 =	simm.s32 @!p0 $0x0;
	s19 =	sadd.s32 s0, s31  }
0x4b: {  	[tilespmem:s14], [sflag:$0x2] =	stream.linear.gather [hbm4b:s19+s18], $0x6000, $0x38;
	[tilespmem:$0x18100] =	vst v63  }
0x4c: {  	s20 =	sadd.s32 s3, s31;
	s19 =	smul.u32 $0x6, s21  }
0x4d: {  	[tilespmem:s15], [sflag:$0x4] =	stream.linear.gather [hbm4b:s20+s18], $0x6000, $0x38;
	[tilespmem:$0x18100] =	vst v63  }
0x4e: {  	v6 =	vimm.f32 $0.0e+00;
	v5 =	vimm.f32 $0.0e+00;
	s22 =	simm.s32 $0x0;
	s21 =	smul.u32 $0x3, s21;
	s20 =	sadd.s32 $0xFFFFFFFF, s19  }
.LBB2_4:
0x4f: {  	_ =	swait.ge [sflag:s11], $0x6000  }
0x50: {  	[sflag:s11] =	ssyncset.done $0x0  }
0x51: {  	[sflag:s11] =	ssyncadd.s32 $0xFFFFA000  }
0x52: {  	_ =	swait.ge [sflag:s16], $0x6000  }
0x53: {  	s23 =	sand.u32 $0x7800, s18;
	s24 =	sand.u32 $0x380, s18;
	[sflag:s16] =	ssyncset.done $0x0  }
0x54: {  	s26 =	sor.u32 s24, s23;
	[sflag:s16] =	ssyncadd.s32 $0xFFFFA000  }
0x55: {  	v7 =	vld [tilespmem:s26+$0x0]  }
0x56: {  	v8 =	vld [tilespmem:s26+$0xC000]  }
0x57: {  	v9 =	vld [tilespmem:s26+$0x10]  }
0x58: {  	v10 =	vld [tilespmem:s26+$0xC010]  }
0x59: {  	v11 =	vld [tilespmem:s26+$0x20]  }
0x5a: {  	v12 =	vld [tilespmem:s26+$0xC020]  }
0x5b: {  	v13 =	vld [tilespmem:s26+$0xC030];
	v7 =	vsub.f32 v7, v8  }
0x5c: {  	v8 =	vld [tilespmem:s26+$0x30]  }
0x5d: {  	v14 =	vld [tilespmem:s26+$0xC040];
	v9 =	vsub.f32 v9, v10;
	v7 =	vand.u32 $0x7FFFFFFF, v7  }
0x5e: {  	v10 =	vld [tilespmem:s26+$0x40];
	v7 =	vadd.f32 v7, v5  }
0x5f: {  	v11 =	vsub.f32 v11, v12;
	v12 =	vld [tilespmem:s26+$0x50];
	v9 =	vand.u32 $0x7FFFFFFF, v9  }
0x60: {  	v7 =	vadd.f32 v9, v7;
	v9 =	vld [tilespmem:s26+$0xC050]  }
0x61: {  	v11 =	vand.u32 $0x7FFFFFFF, v11;
	v8 =	vsub.f32 v8, v13;
	v13 =	vld [tilespmem:s26+$0x60]  }
0x62: {  	v7 =	vadd.f32 v11, v7;
	v11 =	vld [tilespmem:s26+$0xC060]  }
0x63: {  	v15 =	vld [tilespmem:s26+$0xC070];
	v10 =	vsub.f32 v10, v14;
	v8 =	vand.u32 $0x7FFFFFFF, v8  }
0x64: {  	v14 =	vld [tilespmem:s26+$0x70];
	v7 =	vadd.f32 v8, v7  }
0x65: {  	v16 =	vld [tilespmem:s26+$0xC400];
	v8 =	vand.u32 $0x7FFFFFFF, v10;
	v9 =	vsub.f32 v12, v9  }
0x66: {  	v12 =	vld [tilespmem:s26+$0x400];
	v7 =	vadd.f32 v8, v7  }
0x67: {  	v10 =	vld [tilespmem:s26+$0xC410];
	v9 =	vand.u32 $0x7FFFFFFF, v9;
	v11 =	vsub.f32 v13, v11  }
0x68: {  	v8 =	vld [tilespmem:s26+$0x410];
	v9 =	vadd.f32 v9, v7  }
0x69: {  	v13 =	vsub.f32 v14, v15;
	v7 =	vld [tilespmem:s26+$0x420];
	v11 =	vand.u32 $0x7FFFFFFF, v11  }
0x6a: {  	s31 =	simm.s32 $0x100;
	s23 =	simm.s32 $0x80;
	v15 =	vadd.f32 v11, v9;
	v11 =	vld [tilespmem:s26+$0xC420]  }
0x6b: {  	s24 =	sand.u32 $0x7800, s31;
	s25 =	sand.u32 $0x380, s23;
	v13 =	vand.u32 $0x7FFFFFFF, v13;
	v9 =	vld [tilespmem:s26+$0x430];
	v14 =	vsub.f32 v12, v16  }
0x6c: {  	s24 =	sor.u32 s25, s24;
	s25 =	simm.s32 $0x200;
	v12 =	vld [tilespmem:s26+$0xC430];
	v13 =	vadd.f32 v13, v15  }
.LBB2_5:
0x6d: {  	p0 =	sne.s32 s25, $0x5F00;
	v15 =	vld [tilespmem:s24+$0x0];
	v14 =	vand.u32 $0x7FFFFFFF, v14;
	v8 =	vsub.f32 v8, v10  }
0x6e: {  	v10 =	vld [tilespmem:s24+$0xC000];
	v13 =	vadd.f32 v14, v13  }
0x6f: {  	v14 =	vld [tilespmem:s24+$0x10];
	v8 =	vand.u32 $0x7FFFFFFF, v8;
	v7 =	vsub.f32 v7, v11  }
0x70: {  	v11 =	vld [tilespmem:s24+$0xC010];
	v8 =	vadd.f32 v8, v13  }
0x71: {  	v13 =	vld [tilespmem:s24+$0x20];
	v7 =	vand.u32 $0x7FFFFFFF, v7;
	v9 =	vsub.f32 v9, v12  }
0x72: {  	v12 =	vld [tilespmem:s24+$0xC020];
	v7 =	vadd.f32 v7, v8  }
0x73: {  	v8 =	vsub.f32 v15, v10;
	v10 =	vld [tilespmem:s24+$0x30];
	v9 =	vand.u32 $0x7FFFFFFF, v9  }
0x74: {  	v15 =	vld [tilespmem:s24+$0xC030];
	v7 =	vadd.f32 v9, v7  }
0x75: {  	v8 =	vand.u32 $0x7FFFFFFF, v8;
	v9 =	vsub.f32 v14, v11;
	v11 =	vld [tilespmem:s24+$0x40]  }
0x76: {  	v7 =	vadd.f32 v8, v7;
	v8 =	vld [tilespmem:s24+$0xC040]  }
0x77: {  	v9 =	vand.u32 $0x7FFFFFFF, v9;
	v12 =	vsub.f32 v13, v12;
	v13 =	vld [tilespmem:s24+$0x50]  }
0x78: {  	v7 =	vadd.f32 v9, v7;
	v9 =	vld [tilespmem:s24+$0xC050]  }
0x79: {  	v12 =	vand.u32 $0x7FFFFFFF, v12;
	v10 =	vsub.f32 v10, v15;
	v14 =	vld [tilespmem:s24+$0x60]  }
0x7a: {  	v7 =	vadd.f32 v12, v7;
	v12 =	vld [tilespmem:s24+$0xC060]  }
0x7b: {  	v10 =	vand.u32 $0x7FFFFFFF, v10;
	v8 =	vsub.f32 v11, v8;
	v11 =	vld [tilespmem:s24+$0x70]  }
0x7c: {  	v7 =	vadd.f32 v10, v7;
	v15 =	vld [tilespmem:s24+$0xC070]  }
0x7d: {  	v8 =	vand.u32 $0x7FFFFFFF, v8;
	v9 =	vsub.f32 v13, v9;
	v13 =	vld [tilespmem:s24+$0x400]  }
0x7e: {  	v7 =	vadd.f32 v8, v7;
	v16 =	vld [tilespmem:s24+$0xC400]  }
0x7f: {  	v9 =	vand.u32 $0x7FFFFFFF, v9;
	v12 =	vsub.f32 v14, v12;
	v8 =	vld [tilespmem:s24+$0x410]  }
.Ltmp3:
0x80: {  	v9 =	vadd.f32 v9, v7;
	v10 =	vld [tilespmem:s24+$0xC410];
	(pc) =	sbr.rel @p0 .LBB2_5-.Ltmp3, $4  }
0x81: {  	v12 =	vand.u32 $0x7FFFFFFF, v12;
	v14 =	vsub.f32 v11, v15;
	v7 =	vld [tilespmem:s24+$0x420]  }
0x82: {  	s23 =	sadd.s32 $0x80, s23;
	v12 =	vadd.f32 v12, v9;
	v11 =	vld [tilespmem:s24+$0xC420]  }
0x83: {  	s26 =	sand.u32 $0x7800, s25;
	s28 =	sand.u32 $0x380, s23;
	v15 =	vand.u32 $0x7FFFFFFF, v14;
	v14 =	vsub.f32 v13, v16;
	v9 =	vld [tilespmem:s24+$0x430]  }
0x84: {  	s25 =	sadd.s32 $0x100, s25;
	v13 =	vadd.f32 v15, v12;
	v12 =	vld [tilespmem:s24+$0xC430];
	s24 =	sor.u32 s28, s26  }
0x85: {  	s23 =	sshll.u32 s22, $0x1  }
0x86: {  	s25 =	sadd.s32 $0x2, s23  }
0x87: {  	p0 =	sge.u32 s25, s19  }
0x88: {  	s26 =	smulhi.u32 @!p0 $0xAAAAAAAB, s25;
	_ =	sdelay $0x1  }
0x89: {  	s26 =	sshrl.u32 @!p0 s26, $0x2  }
0x8a: {  	s28 =	sshll.u32 @!p0 s26, $0x5  }
0x8b: {  	s28 =	sor.u32 @!p0 s6, s28  }
0x8c: {  	v15 =	vimm.s32 @!p0 $0x0;
	vm1 =	vle.s32 @!p0 v3, s28  }
0x8d: {  	v15 =	vsel @!p0 vm1, $0x1, v15  }
0x8e: {  	(xrf0) =	vadd.scan.msk.s32 @!p0 $0xffff, v15;
	_ =	sdelay $0x5  }
0x8f: {  	v15, _, _ =	vpop @!p0 (xrf0)  }
0x90: {  	v16 =	vbroadcast @!p0 v15, $0xF  }
0x91: {  	v17 =	vlaneseq.u32 @!p0  }
0x92: {  	vm1 =	veq.s32 @!p0 v16, v17  }
0x93: {  	v16 =	vnsel @!p0 vm1, $0x0, v4  }
0x94: {  	(xrf0) =	vadd.scan.msk.s32 @!p0 $0xffff, v16;
	_ =	sdelay $0x4  }
0x95: {  	v54 =	vld [tilespmem:s24+$0x0]  }
0x96: {  	v55 =	vld [tilespmem:s24+$0xC000];
	(v2sf) =	vpush @!p0 v15, $0xF;
	v15, _, _ =	vpop @!p0 (xrf0)  }
0x97: {  	v18 =	vld [tilespmem:s24+$0x10];
	(v2sf) =	vpush @!p0 v15, $0xF  }
0x98: {  	v19 =	vld [tilespmem:s24+$0x20]  }
0x99: {  	v20 =	vld [tilespmem:s24+$0xC020]  }
0x9a: {  	v21 =	vld [tilespmem:s24+$0x30]  }
0x9b: {  	v22 =	vld [tilespmem:s24+$0xC030]  }
0x9c: {  	v23 =	vld [tilespmem:s24+$0x40]  }
0x9d: {  	v24 =	vld [tilespmem:s24+$0xC040]  }
0x9e: {  	v25 =	vld [tilespmem:s24+$0x50]  }
0x9f: {  	v26 =	vld [tilespmem:s24+$0xC050]  }
0xa0: {  	v27 =	vld [tilespmem:s24+$0x60]  }
0xa1: {  	v28 =	vld [tilespmem:s24+$0xC060]  }
0xa2: {  	v29 =	vld [tilespmem:s24+$0x70]  }
0xa3: {  	v30 =	vld [tilespmem:s24+$0xC070];
	s26 =	smul.u32 @!p0 $0xFFFFFFFA, s26  }
0xa4: {  	v31 =	vld [tilespmem:s24+$0x400]  }
0xa5: {  	v32 =	vld [tilespmem:s24+$0xC400];
	s25 =	sadd.s32 @!p0 s25, s26;
	s29 =	spop @!p0 (v2sf)  }
0xa6: {  	v33 =	vld [tilespmem:s24+$0x410];
	s25 =	sshrl.u32 @!p0 s25, $0x1;
	s26 =	smul.u32 @!p0 $0x5A0000, s29;
	s29 =	spop @!p0 (v2sf)  }
0xa7: {  	v34 =	vld [tilespmem:s24+$0xC410];
	s25 =	smul.u32 @!p0 $0xC000, s25;
	s28 =	ssub.s32 @!p0 s28, s29  }
0xa8: {  	v35 =	vld [tilespmem:s24+$0x420];
	s28 =	smul.u32 @!p0 $0x24000, s28  }
0xa9: {  	v36 =	vld [tilespmem:s24+$0xC420];
	s25 =	sadd.s32 @!p0 s25, s26  }
0xaa: {  	v37 =	vld [tilespmem:s24+$0x430];
	s25 =	sadd.s32 @!p0 s28, s25  }
0xab: {  	v14 =	vand.u32 $0x7FFFFFFF, v14;
	v8 =	vsub.f32 v8, v10;
	v10 =	vld [tilespmem:s24+$0xC430];
	s25 =	sshrl.u32 @!p0 s25, $0x3  }
0xac: {  	v13 =	vadd.f32 v14, v13;
	v15 =	vld [tilespmem:s24+$0xC010];
	s26 =	simm.s32 @!p0 $0x0;
	s24 =	sadd.s32 @!p0 s0, s25  }
0xad: {  	v7 =	vsub.f32 v7, v11;
	v8 =	vand.u32 $0x7FFFFFFF, v8;
	[tilespmem:s26], [sflag:$0x1] =	stream.linear.gather @!p0 [hbm4b:s24+s26], $0x6000, $0x38;
	[tilespmem:$0x18100] =	vst v63  }
0xae: {  	v8 =	vadd.f32 v8, v13;
	s24 =	sadd.s32 @!p0 s3, s25;
	s25 =	simm.s32 @!p0 $0xC000  }
0xaf: {  	v9 =	vsub.f32 v9, v12;
	v7 =	vand.u32 $0x7FFFFFFF, v7;
	[tilespmem:s25], [sflag:$0x3] =	stream.linear.gather @!p0 [hbm4b:s24+s26], $0x6000, $0x38;
	[tilespmem:$0x18100] =	vst v63  }
0xb0: {  	v7 =	vadd.f32 v7, v8;
	p0 =	sge.s32 s23, s20  }
0xb1: {  	v8 =	vsub.f32 v54, v55;
	v9 =	vand.u32 $0x7FFFFFFF, v9;
	s24 =	simm.s32 @!p0 $0x2  }
0xb2: {  	v7 =	vadd.f32 v9, v7;
	_ =	swait.ge @!p0 [sflag:s24], $0x6000  }
0xb3: {  	v8 =	vand.u32 $0x7FFFFFFF, v8;
	v9 =	vsub.f32 v18, v15;
	[sflag:s24] =	ssyncset.done @!p0 $0x0  }
0xb4: {  	v7 =	vadd.f32 v8, v7;
	[sflag:s24] =	ssyncadd.s32 @!p0 $0xFFFFA000;
	s24 =	simm.s32 @!p0 $0x4  }
0xb5: {  	v8 =	vsub.f32 v19, v20;
	v9 =	vand.u32 $0x7FFFFFFF, v9;
	s26 =	simm.s32 $0x0;
	_ =	swait.ge @!p0 [sflag:s24], $0x6000  }
0xb6: {  	v7 =	vadd.f32 v9, v7;
	s28 =	sand.u32 $0x7800, s26;
	s25 =	sand.u32 $0x380, s26;
	[sflag:s24] =	ssyncset.done @!p0 $0x0  }
0xb7: {  	v8 =	vand.u32 $0x7FFFFFFF, v8;
	v9 =	vsub.f32 v21, v22;
	s29 =	sor.u32 s25, s28;
	[sflag:s24] =	ssyncadd.s32 @!p0 $0xFFFFA000  }
0xb8: {  	v7 =	vadd.f32 v8, v7;
	v11 =	vld [tilespmem:s29+$0x6000]  }
0xb9: {  	v12 =	vsub.f32 v23, v24;
	v9 =	vand.u32 $0x7FFFFFFF, v9;
	v8 =	vld [tilespmem:s29+$0x12000]  }
0xba: {  	v7 =	vadd.f32 v9, v7;
	v13 =	vld [tilespmem:s29+$0x6010]  }
0xbb: {  	v14 =	vsub.f32 v25, v26;
	v12 =	vand.u32 $0x7FFFFFFF, v12;
	v9 =	vld [tilespmem:s29+$0x12010]  }
0xbc: {  	v7 =	vadd.f32 v12, v7;
	v15 =	vld [tilespmem:s29+$0x6020]  }
0xbd: {  	v14 =	vand.u32 $0x7FFFFFFF, v14;
	v12 =	vld [tilespmem:s29+$0x12020]  }
0xbe: {  	v7 =	vadd.f32 v14, v7;
	v14 =	vld [tilespmem:s29+$0x12030];
	v8 =	vsub.f32 v11, v8  }
0xbf: {  	v56 =	vsub.f32 v27, v28;
	v11 =	vld [tilespmem:s29+$0x6030]  }
0xc0: {  	v57 =	vimm.f32 $0.0e+00;
	v59 =	vld [tilespmem:s29+$0x12040];
	v9 =	vsub.f32 v13, v9;
	v8 =	vand.u32 $0x7FFFFFFF, v8  }
0xc1: {  	v58 =	vsub.f32 v29, v30;
	v16 =	vand.u32 $0x7FFFFFFF, v56;
	v13 =	vld [tilespmem:s29+$0x6040];
	v8 =	vadd.f32 v8, v57  }
0xc2: {  	v7 =	vadd.f32 v16, v7;
	v12 =	vsub.f32 v15, v12;
	v15 =	vld [tilespmem:s29+$0x6050];
	v9 =	vand.u32 $0x7FFFFFFF, v9  }
0xc3: {  	v60 =	vsub.f32 v31, v32;
	v18 =	vand.u32 $0x7FFFFFFF, v58;
	v8 =	vadd.f32 v9, v8;
	v9 =	vld [tilespmem:s29+$0x12050]  }
0xc4: {  	v7 =	vadd.f32 v18, v7;
	v12 =	vand.u32 $0x7FFFFFFF, v12;
	v11 =	vsub.f32 v11, v14;
	v14 =	vld [tilespmem:s29+$0x6060]  }
0xc5: {  	v61 =	vsub.f32 v33, v34;
	v16 =	vand.u32 $0x7FFFFFFF, v60;
	v8 =	vadd.f32 v12, v8;
	v12 =	vld [tilespmem:s29+$0x12060]  }
0xc6: {  	v7 =	vadd.f32 v16, v7;
	v62 =	vld [tilespmem:s29+$0x6070];
	v13 =	vsub.f32 v13, v59;
	v11 =	vand.u32 $0x7FFFFFFF, v11  }
0xc7: {  	v63 =	vsub.f32 v35, v36;
	v18 =	vand.u32 $0x7FFFFFFF, v61;
	v8 =	vadd.f32 v11, v8;
	v11 =	vld [tilespmem:s29+$0x12070]  }
0xc8: {  	v7 =	vadd.f32 v18, v7;
	v13 =	vand.u32 $0x7FFFFFFF, v13;
	v9 =	vsub.f32 v15, v9;
	v15 =	vld [tilespmem:s29+$0x6400]  }
0xc9: {  	v10 =	vsub.f32 v37, v10;
	v17 =	vand.u32 $0x7FFFFFFF, v63;
	v8 =	vadd.f32 v13, v8;
	v13 =	vld [tilespmem:s29+$0x12400]  }
0xca: {  	v17 =	vadd.f32 v17, v7;
	v7 =	vld [tilespmem:s29+$0x6410];
	v9 =	vand.u32 $0x7FFFFFFF, v9;
	v12 =	vsub.f32 v14, v12  }
0xcb: {  	v10 =	vand.u32 $0x7FFFFFFF, v10;
	v14 =	vadd.f32 v9, v8;
	v9 =	vld [tilespmem:s29+$0x12410]  }
0xcc: {  	v17 =	vadd.f32 v10, v17;
	v8 =	vld [tilespmem:s29+$0x6420];
	v10 =	vand.u32 $0x7FFFFFFF, v12;
	v11 =	vsub.f32 v62, v11  }
0xcd: {  	s30 =	simm.s32 $0x100;
	s25 =	simm.s32 $0x80;
	v12 =	vadd.f32 v10, v14;
	v10 =	vld [tilespmem:s29+$0x12420]  }
0xce: {  	s31 =	sand.u32 $0x380, s25;
	s24 =	sand.u32 $0x7800, s30;
	v14 =	vand.u32 $0x7FFFFFFF, v11;
	v11 =	vld [tilespmem:s29+$0x6430];
	v13 =	vsub.f32 v15, v13  }
0xcf: {  	s26 =	simm.s32 $0x200;
	v6 =	vadd.f32 v17, v6;
	s24 =	sor.u32 s31, s24;
	v14 =	vadd.f32 v14, v12;
	v12 =	vld [tilespmem:s29+$0x12430]  }
.LBB2_7:
0xd0: {  	p0 =	sne.s32 s26, $0x5F00;
	v15 =	vld [tilespmem:s24+$0x6000];
	v13 =	vand.u32 $0x7FFFFFFF, v13;
	v7 =	vsub.f32 v7, v9  }
0xd1: {  	v9 =	vld [tilespmem:s24+$0x12000];
	v13 =	vadd.f32 v13, v14  }
0xd2: {  	v14 =	vld [tilespmem:s24+$0x6010];
	v7 =	vand.u32 $0x7FFFFFFF, v7;
	v8 =	vsub.f32 v8, v10  }
0xd3: {  	v10 =	vld [tilespmem:s24+$0x12010];
	v7 =	vadd.f32 v7, v13  }
0xd4: {  	v13 =	vld [tilespmem:s24+$0x6020];
	v8 =	vand.u32 $0x7FFFFFFF, v8;
	v11 =	vsub.f32 v11, v12  }
0xd5: {  	v12 =	vld [tilespmem:s24+$0x12020];
	v7 =	vadd.f32 v8, v7  }
0xd6: {  	v8 =	vsub.f32 v15, v9;
	v9 =	vld [tilespmem:s24+$0x6030];
	v11 =	vand.u32 $0x7FFFFFFF, v11  }
0xd7: {  	v15 =	vld [tilespmem:s24+$0x12030];
	v7 =	vadd.f32 v11, v7  }
0xd8: {  	v8 =	vand.u32 $0x7FFFFFFF, v8;
	v10 =	vsub.f32 v14, v10;
	v11 =	vld [tilespmem:s24+$0x6040]  }
0xd9: {  	v7 =	vadd.f32 v8, v7;
	v8 =	vld [tilespmem:s24+$0x12040]  }
0xda: {  	v10 =	vand.u32 $0x7FFFFFFF, v10;
	v12 =	vsub.f32 v13, v12;
	v13 =	vld [tilespmem:s24+$0x6050]  }
0xdb: {  	v7 =	vadd.f32 v10, v7;
	v10 =	vld [tilespmem:s24+$0x12050]  }
0xdc: {  	v12 =	vand.u32 $0x7FFFFFFF, v12;
	v9 =	vsub.f32 v9, v15;
	v14 =	vld [tilespmem:s24+$0x6060]  }
0xdd: {  	v7 =	vadd.f32 v12, v7;
	v12 =	vld [tilespmem:s24+$0x12060]  }
0xde: {  	v9 =	vand.u32 $0x7FFFFFFF, v9;
	v8 =	vsub.f32 v11, v8;
	v11 =	vld [tilespmem:s24+$0x6070]  }
0xdf: {  	v7 =	vadd.f32 v9, v7;
	v15 =	vld [tilespmem:s24+$0x12070]  }
0xe0: {  	v8 =	vand.u32 $0x7FFFFFFF, v8;
	v9 =	vsub.f32 v13, v10;
	v13 =	vld [tilespmem:s24+$0x6400]  }
0xe1: {  	v8 =	vadd.f32 v8, v7;
	v16 =	vld [tilespmem:s24+$0x12400]  }
0xe2: {  	v9 =	vand.u32 $0x7FFFFFFF, v9;
	v10 =	vsub.f32 v14, v12;
	v7 =	vld [tilespmem:s24+$0x6410]  }
.Ltmp4:
0xe3: {  	v12 =	vadd.f32 v9, v8;
	v9 =	vld [tilespmem:s24+$0x12410];
	(pc) =	sbr.rel @p0 .LBB2_7-.Ltmp4, $4  }
0xe4: {  	v10 =	vand.u32 $0x7FFFFFFF, v10;
	v11 =	vsub.f32 v11, v15;
	v8 =	vld [tilespmem:s24+$0x6420]  }
0xe5: {  	s25 =	sadd.s32 $0x80, s25;
	v12 =	vadd.f32 v10, v12;
	v10 =	vld [tilespmem:s24+$0x12420]  }
0xe6: {  	s28 =	sand.u32 $0x7800, s26;
	s29 =	sand.u32 $0x380, s25;
	v14 =	vand.u32 $0x7FFFFFFF, v11;
	v13 =	vsub.f32 v13, v16;
	v11 =	vld [tilespmem:s24+$0x6430]  }
0xe7: {  	s26 =	sadd.s32 $0x100, s26;
	v14 =	vadd.f32 v14, v12;
	v12 =	vld [tilespmem:s24+$0x12430];
	s24 =	sor.u32 s29, s28  }
0xe8: {  	s26 =	sadd.s32 $0x3, s23  }
0xe9: {  	p0 =	sge.u32 s26, s19  }
0xea: {  	s25 =	smulhi.u32 @!p0 $0xAAAAAAAB, s26;
	_ =	sdelay $0x1  }
0xeb: {  	s28 =	sshrl.u32 @!p0 s25, $0x2  }
0xec: {  	s25 =	sshll.u32 @!p0 s28, $0x5  }
0xed: {  	s25 =	sor.u32 @!p0 s6, s25  }
0xee: {  	v15 =	vimm.s32 @!p0 $0x0;
	vm1 =	vle.s32 @!p0 v3, s25  }
0xef: {  	v15 =	vsel @!p0 vm1, $0x1, v15  }
0xf0: {  	(xrf0) =	vadd.scan.msk.s32 @!p0 $0xffff, v15;
	_ =	sdelay $0x5  }
0xf1: {  	v15, _, _ =	vpop @!p0 (xrf0)  }
0xf2: {  	v16 =	vbroadcast @!p0 v15, $0xF  }
0xf3: {  	v17 =	vlaneseq.u32 @!p0  }
0xf4: {  	vm1 =	veq.s32 @!p0 v16, v17  }
0xf5: {  	v16 =	vnsel @!p0 vm1, $0x0, v4  }
0xf6: {  	v41 =	vld [tilespmem:s24+$0x6000];
	(xrf0) =	vadd.scan.msk.s32 @!p0 $0xffff, v16  }
0xf7: {  	v42 =	vld [tilespmem:s24+$0x12000]  }
0xf8: {  	v7 =	vsub.f32 v7, v9;
	v13 =	vand.u32 $0x7FFFFFFF, v13;
	v43 =	vld [tilespmem:s24+$0x6010]  }
0xf9: {  	v44 =	vld [tilespmem:s24+$0x12010];
	v13 =	vadd.f32 v13, v14  }
0xfa: {  	v45 =	vld [tilespmem:s24+$0x6020];
	v8 =	vsub.f32 v8, v10;
	v7 =	vand.u32 $0x7FFFFFFF, v7  }
0xfb: {  	v46 =	vld [tilespmem:s24+$0x6030];
	v7 =	vadd.f32 v7, v13  }
0xfc: {  	v47 =	vld [tilespmem:s24+$0x12030];
	v11 =	vsub.f32 v11, v12;
	v8 =	vand.u32 $0x7FFFFFFF, v8;
	(v2sf) =	vpush @!p0 v15, $0xF;
	v15, _, _ =	vpop @!p0 (xrf0)  }
0xfd: {  	v7 =	vadd.f32 v8, v7;
	v8 =	vld [tilespmem:s24+$0x12020];
	(v2sf) =	vpush @!p0 v15, $0xF  }
0xfe: {  	v48 =	vld [tilespmem:s24+$0x6040];
	v9 =	vsub.f32 v41, v42;
	v11 =	vand.u32 $0x7FFFFFFF, v11  }
0xff: {  	v49 =	vld [tilespmem:s24+$0x12040];
	v7 =	vadd.f32 v11, v7  }
0x100: {  	v50 =	vld [tilespmem:s24+$0x6050];
	v10 =	vsub.f32 v43, v44;
	v9 =	vand.u32 $0x7FFFFFFF, v9  }
0x101: {  	v51 =	vld [tilespmem:s24+$0x12050];
	v7 =	vadd.f32 v9, v7  }
0x102: {  	v52 =	vld [tilespmem:s24+$0x6060];
	v10 =	vand.u32 $0x7FFFFFFF, v10;
	v8 =	vsub.f32 v45, v8  }
0x103: {  	v53 =	vld [tilespmem:s24+$0x6070];
	s28 =	smul.u32 @!p0 $0xFFFFFFFA, s28;
	v7 =	vadd.f32 v10, v7  }
0x104: {  	v54 =	vld [tilespmem:s24+$0x12070];
	v11 =	vsub.f32 v46, v47;
	v8 =	vand.u32 $0x7FFFFFFF, v8  }
0x105: {  	s26 =	sadd.s32 @!p0 s26, s28;
	v7 =	vadd.f32 v8, v7;
	v8 =	vld [tilespmem:s24+$0x12060]  }
0x106: {  	v55 =	vld [tilespmem:s24+$0x6400];
	s28 =	sshrl.u32 @!p0 s26, $0x1F;
	v11 =	vand.u32 $0x7FFFFFFF, v11;
	v9 =	vsub.f32 v48, v49  }
0x107: {  	v56 =	vld [tilespmem:s24+$0x12400];
	s28 =	sadd.s32 @!p0 s28, s26;
	v7 =	vadd.f32 v11, v7  }
0x108: {  	v57 =	vld [tilespmem:s24+$0x6410];
	s29 =	sshra.s32 @!p0 s26, $0x1F;
	s28 =	sshra.s32 @!p0 s28, $0x1;
	v9 =	vand.u32 $0x7FFFFFFF, v9;
	v10 =	vsub.f32 v50, v51  }
0x109: {  	v58 =	vld [tilespmem:s24+$0x12410];
	s28 =	sadd.s32 @!p0 s29, s28;
	v7 =	vadd.f32 v9, v7  }
0x10a: {  	v59 =	vld [tilespmem:s24+$0x6420];
	s29 =	sshll.u32 @!p0 s28, $0x1;
	v10 =	vand.u32 $0x7FFFFFFF, v10;
	v8 =	vsub.f32 v52, v8  }
0x10b: {  	v60 =	vld [tilespmem:s24+$0x6430];
	s28 =	smul.u32 @!p0 $0xC000, s28;
	s26 =	ssub.s32 @!p0 s26, s29;
	v7 =	vadd.f32 v10, v7;
	s30 =	spop @!p0 (v2sf)  }
0x10c: {  	v61 =	vld [tilespmem:s24+$0x12430];
	s26 =	smul.u32 @!p0 $0x6000, s26;
	v8 =	vand.u32 $0x7FFFFFFF, v8;
	s29 =	spop @!p0 (v2sf)  }
0x10d: {  	v11 =	vsub.f32 v53, v54;
	v7 =	vadd.f32 v8, v7;
	v8 =	vld [tilespmem:s24+$0x12420];
	s24 =	ssub.s32 @!p0 s25, s29;
	s25 =	smul.u32 @!p0 $0x5A0000, s30  }
0x10e: {  	s26 =	sadd.s32 @!p0 s28, s26;
	s24 =	smul.u32 @!p0 $0x24000, s24  }
0x10f: {  	v11 =	vand.u32 $0x7FFFFFFF, v11;
	v9 =	vsub.f32 v55, v56;
	s25 =	sadd.s32 @!p0 s25, s26  }
0x110: {  	v7 =	vadd.f32 v11, v7;
	s24 =	sadd.s32 @!p0 s24, s25  }
0x111: {  	v9 =	vand.u32 $0x7FFFFFFF, v9;
	v10 =	vsub.f32 v57, v58;
	s24 =	sshrl.u32 @!p0 s24, $0x3  }
0x112: {  	s28 =	simm.s32 @!p0 $0x6000;
	v7 =	vadd.f32 v9, v7;
	s26 =	simm.s32 @!p0 $0x0;
	s25 =	sadd.s32 @!p0 s0, s24  }
0x113: {  	v62 =	vand.u32 $0x7FFFFFFF, v10;
	v8 =	vsub.f32 v59, v8;
	[tilespmem:s28], [sflag:$0x2] =	stream.linear.gather @!p0 [hbm4b:s25+s26], $0x6000, $0x38;
	[tilespmem:$0x18100] =	vst v63  }
0x114: {  	s22 =	sadd.s32 $0x1, s22;
	v7 =	vadd.f32 v62, v7;
	s24 =	sadd.s32 @!p0 s3, s24;
	s25 =	simm.s32 @!p0 $0x12000  }
0x115: {  	v63 =	vsub.f32 v60, v61;
	v8 =	vand.u32 $0x7FFFFFFF, v8;
	[tilespmem:s25], [sflag:$0x4] =	stream.linear.gather @!p0 [hbm4b:s24+s26], $0x6000, $0x38;
	[tilespmem:$0x18100] =	vst v63  }
0x116: {  	v7 =	vadd.f32 v8, v7;
	p0 =	sne.s32 s22, s21  }
.Ltmp5:
0x117: {  	v8 =	vand.u32 $0x7FFFFFFF, v63;
	(pc) =	sbr.rel @p0 .LBB2_4-.Ltmp5, $4  }
.Ltmp6:
0x118: {  	v7 =	vadd.f32 v8, v7;
	(pc) =	sbr.rel @!p0 .LBB2_9-.Ltmp6, $4  }
0x119: {  	p6 =	slt.s32 s23, s20  }
0x11a: {  	v7 =	vpsel !p6, $0x0, v7  }
0x11b: {  	v6 =	vadd.f32 v7, v6  }
0x11c: {  	_ = 	snop  }
.LBB2_10:
0x11d: {  	_ =	sfence.sel $0x180000  }
0x11e: {  	[bflag:$0x0] =	sbarrier.arrive $0xFFFF  }
0x11f: {  	p0 =	sne.s32 s2, $0x0;
	_ =	strace $0x90000047  }
0x120: {  	s0 =	sadd.s32 @!p0 $0x100000, s1;
	[bflag:$0x2] =	sbarrier.arrive $0xFFFF  }
0x121: {  	[sflag:s0] =	ssyncadd.tile.s32 @!p0 $0x1;
	_ =	shalt  }
.Lfunc_end2:
_tile_overlayer_lowered:
.L_overlay_start_2:
0x122: {  	(tag) =	ssettag $0x2  }
0x123: {  	s0 =	rddreg [dreg:$0x0];
	s2 =	stileid.u32  }
0x124: {  	s1 =	rddreg [dreg:$0x1];
	p0 =	sne.s32 s2, $0x0  }
0x125: {  	s3 =	rddreg [dreg:$0x2];
	[bflag:$0x3] =	sbarrier.arrive $0xFFFF;
	s2 =	simm.s32 @!p0 $0x1C05  }
0x126: {  	[timem:s3], [sflag:s2] =	dma.local @!p0 [hbm:s0], s1  }
0x127: {  	s0 =	simm.s32 @!p0 $0x5  }
0x128: {  	_ =	swait.ge @!p0 [sflag:s0], s1  }
0x129: {  	s1 =	ssub.s32 @!p0 $0x0, s1;
	[sflag:s0] =	ssyncset.done @!p0 $0x0  }
0x12a: {  	[sflag:s0] =	ssyncadd.s32 @!p0 s1  }
0x12b: {  	[bflag:$0x3] =	sbarrier.arrive $0xFFFF  }
0x12c: {  	_ =	shalt  }

</sc_bundles>
